<compile_context>
chip_gen: v7x
topology: tpu7x:2x2x1
jax: 0.10.2.dev20260603
libtpu: 0.0.44.dev20260713+nightly
codegen_flags: <defaults>
</compile_context>

<pallas_src>
import functools

import jax
import jax.numpy as jnp
from jax import lax
from jax.experimental import pallas as pl
from jax.experimental.pallas import tpu as pltpu
from jax.experimental.pallas import tpu_sc as plsc

N = 10000
E = 320000
D_IN = 128
H = 16
C = 40

NC = 2
NS = 16
NW = NC * NS
EPT = E // NW
CH = 80
NCH = EPT // CH
RPT = 632
RPT_LAST = N - 15 * RPT

_MESH = plsc.VectorSubcoreMesh(core_axis_name="c", subcore_axis_name="s")
_SC_PARAMS = pltpu.CompilerParams(use_tc_tiling_on_sc=False)



@functools.partial(
    pl.kernel,
    out_type=[jax.ShapeDtypeStruct((N,), jnp.float32),
              jax.ShapeDtypeStruct((N,), jnp.float32)],
    mesh=_MESH,
    compiler_params=_SC_PARAMS,
    scratch_types=[
        pltpu.VMEM((NCH, CH), jnp.int32),
        pltpu.VMEM((CH,), jnp.float32),
        pltpu.VMEM((1008,), jnp.float32),
        pltpu.VMEM_SHARED((N,), jnp.float32),
        pltpu.SemaphoreType.DMA,
        pltpu.SemaphoreType.DMA,
    ],
)
def _deg_kernel(edge_hbm, out0_hbm, out1_hbm, idx_v, ones_v, stage_v,
                deg_sh, sem, semi):
    cid = lax.axis_index("c")
    sid = lax.axis_index("s")
    wid = cid * NS + sid

    def fill_idx(j, _):
        pltpu.async_copy(edge_hbm.at[1, pl.ds(wid * EPT + j * CH, CH)],
                         idx_v.at[j], semi)
        return ()
    lax.fori_loop(0, NCH, fill_idx, ())

    def drain_idx(j, _):
        pltpu.make_async_copy(edge_hbm.at[1, pl.ds(wid * EPT + j * CH, CH)],
                              idx_v.at[j], semi).wait()
        return ()
    lax.fori_loop(0, NCH, drain_idx, ())

    def fill_ones(i, _):
        ones_v[pl.ds(i * 16, 16)] = jnp.ones((16,), jnp.float32)
        return ()
    lax.fori_loop(0, CH // 16, fill_ones, ())

    def fill_zeros(i, _):
        stage_v[pl.ds(i * 16, 16)] = jnp.zeros((16,), jnp.float32)
        return ()
    lax.fori_loop(0, 63, fill_zeros, ())

    @pl.when(sid < 10)
    def _():
        pltpu.sync_copy(stage_v.at[pl.ds(0, 1000)],
                        deg_sh.at[pl.ds(sid * 1000, 1000)])

    plsc.subcore_barrier()

    def body(j, _):
        pltpu.async_copy(ones_v, deg_sh.at[idx_v.at[j]], sem, add=True)
        return ()
    lax.fori_loop(0, NCH, body, ())

    def drain(j, _):
        pltpu.make_async_copy(ones_v, deg_sh.at[idx_v.at[j]], sem).wait()
        return ()
    lax.fori_loop(0, NCH, drain, ())

    plsc.subcore_barrier()

    @pl.when(sid < 10)
    def _():
        pltpu.sync_copy(deg_sh.at[pl.ds(sid * 1000, 1000)],
                        stage_v.at[pl.ds(0, 1000)])

        @pl.when(cid == 0)
        def _():
            pltpu.sync_copy(stage_v.at[pl.ds(0, 1000)],
                            out0_hbm.at[pl.ds(sid * 1000, 1000)])

        @pl.when(cid == 1)
        def _():
            pltpu.sync_copy(stage_v.at[pl.ds(0, 1000)],
                            out1_hbm.at[pl.ds(sid * 1000, 1000)])



def _make_agg_kernel(feat, table_in_spmem=False):
    extra = ([pltpu.VMEM_SHARED((N, feat), jnp.float32)]
             if table_in_spmem else [])
    @functools.partial(
        pl.kernel,
        out_type=jax.ShapeDtypeStruct((NC, N, feat), jnp.float32),
        mesh=_MESH,
        compiler_params=_SC_PARAMS,
        scratch_types=[
            pltpu.VMEM((NCH, CH), jnp.int32),
            pltpu.VMEM((NCH, CH), jnp.int32),
            [pltpu.VMEM((CH, feat), jnp.float32)] * 4,
            pltpu.VMEM((RPT, feat), jnp.float32),
            pltpu.VMEM_SHARED((N, feat), jnp.float32),
            [pltpu.SemaphoreType.DMA] * 4,
            [pltpu.SemaphoreType.DMA] * 4,
            pltpu.SemaphoreType.DMA,
        ] + extra,
    )
    def _agg(h_hbm, edge_hbm, out_hbm,
             src_v, dst_v, rows, stage_v, acc_sh, semg, sems, semi,
             *maybe_table):
        table = maybe_table[0] if maybe_table else h_hbm
        cid = lax.axis_index("c")
        sid = lax.axis_index("s")
        wid = cid * NS + sid

        def fill_idx(j, _):
            base = wid * EPT + j * CH
            pltpu.async_copy(edge_hbm.at[0, pl.ds(base, CH)],
                             src_v.at[j], semi)
            pltpu.async_copy(edge_hbm.at[1, pl.ds(base, CH)],
                             dst_v.at[j], semi)
            return ()
        lax.fori_loop(0, NCH, fill_idx, ())

        def drain_idx(j, _):
            base = wid * EPT + j * CH
            pltpu.make_async_copy(edge_hbm.at[0, pl.ds(base, CH)],
                                  src_v.at[j], semi).wait()
            pltpu.make_async_copy(edge_hbm.at[1, pl.ds(base, CH)],
                                  dst_v.at[j], semi).wait()
            return ()
        lax.fori_loop(0, NCH, drain_idx, ())
        @pl.when(sid < 15)
        def _():
            pltpu.sync_copy(h_hbm.at[pl.ds(sid * RPT, RPT)], stage_v)
            pltpu.sync_copy(stage_v, acc_sh.at[pl.ds(sid * RPT, RPT)])
            if table_in_spmem:
                pltpu.sync_copy(stage_v, table.at[pl.ds(sid * RPT, RPT)])

        @pl.when(sid == 15)
        def _():
            pltpu.sync_copy(h_hbm.at[pl.ds(15 * RPT, RPT_LAST)],
                            stage_v.at[pl.ds(0, RPT_LAST)])
            pltpu.sync_copy(stage_v.at[pl.ds(0, RPT_LAST)],
                            acc_sh.at[pl.ds(15 * RPT, RPT_LAST)])
            if table_in_spmem:
                pltpu.sync_copy(stage_v.at[pl.ds(0, RPT_LAST)],
                                table.at[pl.ds(15 * RPT, RPT_LAST)])

        plsc.subcore_barrier()

        def _gather(j, buf, sem):
            pltpu.async_copy(table.at[src_v.at[j]], buf, sem)

        def _scatter(j, buf, sem):
            pltpu.async_copy(buf, acc_sh.at[dst_v.at[j]], sem, add=True)

        def _wait_gather(j, buf, sem):
            pltpu.make_async_copy(table.at[src_v.at[j]], buf, sem).wait()

        def _wait_scatter(j, buf, sem):
            pltpu.make_async_copy(buf, acc_sh.at[dst_v.at[j]], sem).wait()

        for b in range(4):
            _gather(b, rows[b], semg[b])

        def group(g, _):
            for b in range(4):
                j = 4 * g + b
                _wait_gather(j, rows[b], semg[b])
                _scatter(j, rows[b], sems[b])

                @pl.when(jnp.logical_and(j >= 2, j <= NCH - 3))
                def _(j=j, b=b):
                    b2 = (b + 2) % 4
                    _wait_scatter(j - 2, rows[b2], sems[b2])
                    _gather(j + 2, rows[b2], semg[b2])
            return ()
        lax.fori_loop(0, NCH // 4, group, ())

        _wait_gather(NCH - 1, rows[0], semg[0])
        _scatter(NCH - 1, rows[0], sems[0])
        for b in range(4):
            _wait_scatter(0, rows[b], sems[b])

        plsc.subcore_barrier()

        @pl.when(sid < 15)
        def _():
            pltpu.sync_copy(acc_sh.at[pl.ds(sid * RPT, RPT)], stage_v)
            pltpu.sync_copy(stage_v,
                            out_hbm.at[cid, pl.ds(sid * RPT, RPT)])

        @pl.when(sid == 15)
        def _():
            pltpu.sync_copy(acc_sh.at[pl.ds(15 * RPT, RPT_LAST)],
                            stage_v.at[pl.ds(0, RPT_LAST)])
            pltpu.sync_copy(stage_v.at[pl.ds(0, RPT_LAST)],
                            out_hbm.at[cid, pl.ds(15 * RPT, RPT_LAST)])

    return _agg


_agg16 = _make_agg_kernel(H, table_in_spmem=True)
_agg40 = _make_agg_kernel(C, table_in_spmem=True)



_RB = 2048
_GRID = -(-N // _RB)


def _tc1_body(x_ref, w1_ref, deg0_ref, deg1_ref, h1p_ref, dis_ref):
    deg = deg0_ref[...] + deg1_ref[...] + 1.0
    dis = lax.rsqrt(deg).reshape(_RB, 1)
    h = jnp.dot(x_ref[...], w1_ref[...], preferred_element_type=jnp.float32)
    h1p_ref[...] = h * dis
    dis_ref[...] = dis


def _tc1(x, w1, deg0, deg1):
    return pl.pallas_call(
        _tc1_body,
        grid=(_GRID,),
        in_specs=[
            pl.BlockSpec((_RB, D_IN), lambda i: (i, 0)),
            pl.BlockSpec((D_IN, H), lambda i: (0, 0)),
            pl.BlockSpec((_RB,), lambda i: (i,)),
            pl.BlockSpec((_RB,), lambda i: (i,)),
        ],
        out_specs=[
            pl.BlockSpec((_RB, H), lambda i: (i, 0)),
            pl.BlockSpec((_RB, 1), lambda i: (i, 0)),
        ],
        out_shape=[
            jax.ShapeDtypeStruct((N, H), jnp.float32),
            jax.ShapeDtypeStruct((N, 1), jnp.float32),
        ],
    )(x, w1, deg0, deg1)


def _tc2_body(p_ref, h1p_ref, dis_ref, b1_ref, w2_ref, h2p_ref):
    dis = dis_ref[...]
    agg = p_ref[0] + p_ref[1] - h1p_ref[...]
    a1 = jnp.maximum(agg * dis + b1_ref[...], 0.0)
    h2 = jnp.dot(a1, w2_ref[...], preferred_element_type=jnp.float32)
    h2p_ref[...] = h2 * dis


def _tc2(p, h1p, dis, b1, w2):
    return pl.pallas_call(
        _tc2_body,
        grid=(_GRID,),
        in_specs=[
            pl.BlockSpec((NC, _RB, H), lambda i: (0, i, 0)),
            pl.BlockSpec((_RB, H), lambda i: (i, 0)),
            pl.BlockSpec((_RB, 1), lambda i: (i, 0)),
            pl.BlockSpec((1, H), lambda i: (0, 0)),
            pl.BlockSpec((H, C), lambda i: (0, 0)),
        ],
        out_specs=pl.BlockSpec((_RB, C), lambda i: (i, 0)),
        out_shape=jax.ShapeDtypeStruct((N, C), jnp.float32),
    )(p, h1p, dis, b1, w2)


def _tc3_body(q_ref, h2p_ref, dis_ref, b2_ref, out_ref):
    z = (q_ref[0] + q_ref[1] - h2p_ref[...]) * dis_ref[...] + b2_ref[...]
    m = jnp.max(z, axis=1, keepdims=True)
    s = jnp.sum(jnp.exp(z - m), axis=1, keepdims=True)
    out_ref[...] = z - m - jnp.log(s)


def _tc3(q, h2p, dis, b2):
    return pl.pallas_call(
        _tc3_body,
        grid=(_GRID,),
        in_specs=[
            pl.BlockSpec((NC, _RB, C), lambda i: (0, i, 0)),
            pl.BlockSpec((_RB, C), lambda i: (i, 0)),
            pl.BlockSpec((_RB, 1), lambda i: (i, 0)),
            pl.BlockSpec((1, C), lambda i: (0, 0)),
        ],
        out_specs=pl.BlockSpec((_RB, C), lambda i: (i, 0)),
        out_shape=jax.ShapeDtypeStruct((N, C), jnp.float32),
    )(q, h2p, dis, b2)



@jax.jit
def kernel(x, edge_index, W1, b1, W2, b2):
    deg0, deg1 = _deg_kernel(edge_index)
    h1p, dis = _tc1(x, W1, deg0, deg1)
    p = _agg16(h1p, edge_index)
    h2p = _tc2(p, h1p, dis, b1.reshape(1, H), W2)
    q = _agg40(h2p, edge_index)
    return _tc3(q, h2p, dis, b2.reshape(1, C))

# --- scband reference (transcript-rebuilt; emitter-appended) ---
"""Pipeline reference for scband-simple-gcn2-53128745452228 (READ-ONLY COPY).

The authoritative reference and input builder live on the scoring server;
editing this copy changes nothing except your own understanding.
"""

import jax, jax.numpy as jnp
import numpy as np

N = 10000
E = 320000
D_IN = 128
H = 16
C = 40


def gcn_conv(x, edge_index, W, b):
    n = x.shape[0]
    loop = jnp.arange(n, dtype=edge_index.dtype)
    src = jnp.concatenate([edge_index[0], loop])
    dst = jnp.concatenate([edge_index[1], loop])
    deg = jnp.zeros((n,), dtype=x.dtype).at[dst].add(1.0)
    dis = jnp.where(deg > 0, 1.0 / jnp.sqrt(deg), 0.0)
    norm = dis[src] * dis[dst]
    h = x @ W
    msg = h[src] * norm[:, None]
    out = jnp.zeros((n, W.shape[1]), dtype=x.dtype).at[dst].add(msg)
    return out + b


def setup_inputs(seed: int = 0):
    key = jax.random.key(seed)
    k1, k2, k3, k4 = jax.random.split(key, 4)
    x = jax.random.normal(k1, (N, D_IN), dtype=jnp.float32)
    edge_index = jax.random.randint(k2, (2, E), 0, N, dtype=jnp.int32)
    W1 = jax.random.normal(k3, (D_IN, H), dtype=jnp.float32) * (1.0 / np.sqrt(D_IN))
    b1 = jnp.zeros((H,), dtype=jnp.float32)
    W2 = jax.random.normal(k4, (H, C), dtype=jnp.float32) * (1.0 / np.sqrt(H))
    b2 = jnp.zeros((C,), dtype=jnp.float32)
    return {"x": x, "edge_index": edge_index, "W1": W1, "b1": b1, "W2": W2, "b2": b2}


def reference(x, edge_index, W1, b1, W2, b2):
    h = gcn_conv(x, edge_index, W1, b1)
    h = jax.nn.relu(h)
    # dropout is identity in eval mode
    h = gcn_conv(h, edge_index, W2, b2)
    return jax.nn.log_softmax(h, axis=1)

if __name__ == "__main__":
    import jax
    _d = setup_inputs()
    print(jax.jit(kernel)(*tuple(_d.values())))

</pallas_src>

<mosaic_0001>
#map = affine_map<(d0, d1) -> (0, 0)>
#map1 = affine_map<(d0, d1) -> (0, 0, 0)>
module attributes {stable_mosaic.version = 14 : i64} {
  func.func @_agg(%arg0: i32, %arg1: i32, %arg2: memref<10000x40xf32, #tpu.memory_space<hbm>>, %arg3: memref<2x320000xi32, #tpu.memory_space<hbm>>, %arg4: memref<2x10000x40xf32, #tpu.memory_space<hbm>>, %arg5: memref<125x80xi32, #tpu.memory_space<vmem>>, %arg6: memref<125x80xi32, #tpu.memory_space<vmem>>, %arg7: memref<80x40xf32, #tpu.memory_space<vmem>>, %arg8: memref<80x40xf32, #tpu.memory_space<vmem>>, %arg9: memref<80x40xf32, #tpu.memory_space<vmem>>, %arg10: memref<80x40xf32, #tpu.memory_space<vmem>>, %arg11: memref<632x40xf32, #tpu.memory_space<vmem>>, %arg12: memref<10000x40xf32, #tpu.memory_space<vmem_shared>>, %arg13: memref<!tpu.dma_semaphore, #tpu.memory_space<semaphore_mem>>, %arg14: memref<!tpu.dma_semaphore, #tpu.memory_space<semaphore_mem>>, %arg15: memref<!tpu.dma_semaphore, #tpu.memory_space<semaphore_mem>>, %arg16: memref<!tpu.dma_semaphore, #tpu.memory_space<semaphore_mem>>, %arg17: memref<!tpu.dma_semaphore, #tpu.memory_space<semaphore_mem>>, %arg18: memref<!tpu.dma_semaphore, #tpu.memory_space<semaphore_mem>>, %arg19: memref<!tpu.dma_semaphore, #tpu.memory_space<semaphore_mem>>, %arg20: memref<!tpu.dma_semaphore, #tpu.memory_space<semaphore_mem>>, %arg21: memref<!tpu.dma_semaphore, #tpu.memory_space<semaphore_mem>>, %arg22: memref<10000x40xf32, #tpu.memory_space<vmem_shared>>) attributes {dimension_semantics = [#tpu.dimension_semantics<core_parallel>, #tpu.dimension_semantics<subcore_parallel>], iteration_bounds = array<i64: 2, 16>, scalar_prefetch = 0 : i64, scratch_operands = 18 : i64, tpu.core_type = #tpu.core_type<sc_vector_subcore>, window_params = [{transform_indices = #map}, {transform_indices = #map}, {transform_indices = #map1}]} {
    %mul3A = arith.constant 16 : i32
    %mul3A_0 = arith.muli %arg0, %mul3A : i32
    %add3A = arith.addi %mul3A_0, %arg1 : i32
    %scan3A = arith.constant 0 : i32
    %scan3A_1 = arith.constant 125 : i32
    %scan3A_2 = arith.addi %scan3A, %scan3A_1 : i32
    %scan3A_3 = arith.constant 1 : i32
    scf.for %scan3A_100 = %scan3A to %scan3A_2 step %scan3A_3  : i32 {
      %mul3A_101 = arith.constant 10000 : i32
      %mul3A_102 = arith.muli %add3A, %mul3A_101 : i32
      %mul3A_103 = arith.constant 80 : i32
      %mul3A_104 = arith.muli %scan3A_100, %mul3A_103 : i32
      %add3A_105 = arith.addi %mul3A_102, %mul3A_104 : i32
      %dma_start3A_106 = arith.constant 0 : i32
      %dma_start3A_107 = arith.constant 0 : i32
      %dma_start3A_108 = tpu.memref_slice %arg5[%scan3A_100, %dma_start3A_107] : memref<125x80xi32, #tpu.memory_space<vmem>> -> memref<1x80xi32, #tpu.memory_space<vmem>>
      %dma_start3A_109 = tpu.memref_squeeze %dma_start3A_108 : memref<1x80xi32, #tpu.memory_space<vmem>> -> memref<80xi32, #tpu.memory_space<vmem>>
      %dma_start3A_110 = tpu.memref_slice %arg3[%dma_start3A_106, %add3A_105] : memref<2x320000xi32, #tpu.memory_space<hbm>> -> memref<1x80xi32, #tpu.memory_space<hbm>>
      %dma_start3A_111 = tpu.memref_squeeze %dma_start3A_110 : memref<1x80xi32, #tpu.memory_space<hbm>> -> memref<80xi32, #tpu.memory_space<hbm>>
      %dma_start3A_112 = arith.constant 0 : i32
      %dma_start3A_113 = tpu.memref_slice %arg5[%scan3A_100, %dma_start3A_112] : memref<125x80xi32, #tpu.memory_space<vmem>> -> memref<1x80xi32, #tpu.memory_space<vmem>>
      %dma_start3A_114 = tpu.memref_squeeze %dma_start3A_113 : memref<1x80xi32, #tpu.memory_space<vmem>> -> memref<80xi32, #tpu.memory_space<vmem>>
      %dma_start3A_115 = tpu.memref_slice %arg3[%dma_start3A_106, %add3A_105] : memref<2x320000xi32, #tpu.memory_space<hbm>> -> memref<1x80xi32, #tpu.memory_space<hbm>>
      %dma_start3A_116 = tpu.memref_squeeze %dma_start3A_115 : memref<1x80xi32, #tpu.memory_space<hbm>> -> memref<80xi32, #tpu.memory_space<hbm>>
      tpu.enqueue_dma source(%dma_start3A_116 : memref<80xi32, #tpu.memory_space<hbm>>) target(%dma_start3A_114 : memref<80xi32, #tpu.memory_space<vmem>>) target_semaphore(%arg21 : memref<!tpu.dma_semaphore, #tpu.memory_space<semaphore_mem>>)
      %dma_start3A_117 = arith.constant 1 : i32
      %dma_start3A_118 = arith.constant 0 : i32
      %dma_start3A_119 = tpu.memref_slice %arg6[%scan3A_100, %dma_start3A_118] : memref<125x80xi32, #tpu.memory_space<vmem>> -> memref<1x80xi32, #tpu.memory_space<vmem>>
      %dma_start3A_120 = tpu.memref_squeeze %dma_start3A_119 : memref<1x80xi32, #tpu.memory_space<vmem>> -> memref<80xi32, #tpu.memory_space<vmem>>
      %dma_start3A_121 = tpu.memref_slice %arg3[%dma_start3A_117, %add3A_105] : memref<2x320000xi32, #tpu.memory_space<hbm>> -> memref<1x80xi32, #tpu.memory_space<hbm>>
      %dma_start3A_122 = tpu.memref_squeeze %dma_start3A_121 : memref<1x80xi32, #tpu.memory_space<hbm>> -> memref<80xi32, #tpu.memory_space<hbm>>
      %dma_start3A_123 = arith.constant 0 : i32
      %dma_start3A_124 = tpu.memref_slice %arg6[%scan3A_100, %dma_start3A_123] : memref<125x80xi32, #tpu.memory_space<vmem>> -> memref<1x80xi32, #tpu.memory_space<vmem>>
      %dma_start3A_125 = tpu.memref_squeeze %dma_start3A_124 : memref<1x80xi32, #tpu.memory_space<vmem>> -> memref<80xi32, #tpu.memory_space<vmem>>
      %dma_start3A_126 = tpu.memref_slice %arg3[%dma_start3A_117, %add3A_105] : memref<2x320000xi32, #tpu.memory_space<hbm>> -> memref<1x80xi32, #tpu.memory_space<hbm>>
      %dma_start3A_127 = tpu.memref_squeeze %dma_start3A_126 : memref<1x80xi32, #tpu.memory_space<hbm>> -> memref<80xi32, #tpu.memory_space<hbm>>
      tpu.enqueue_dma source(%dma_start3A_127 : memref<80xi32, #tpu.memory_space<hbm>>) target(%dma_start3A_125 : memref<80xi32, #tpu.memory_space<vmem>>) target_semaphore(%arg21 : memref<!tpu.dma_semaphore, #tpu.memory_space<semaphore_mem>>)
    }
    %scan3A_4 = arith.constant 125 : i32
    %scan3A_5 = arith.constant 0 : i32
    %scan3A_6 = arith.constant 125 : i32
    %scan3A_7 = arith.addi %scan3A_5, %scan3A_6 : i32
    %scan3A_8 = arith.constant 1 : i32
    scf.for %scan3A_100 = %scan3A_5 to %scan3A_7 step %scan3A_8  : i32 {
      %mul3A_101 = arith.constant 10000 : i32
      %mul3A_102 = arith.muli %add3A, %mul3A_101 : i32
      %mul3A_103 = arith.constant 80 : i32
      %mul3A_104 = arith.muli %scan3A_100, %mul3A_103 : i32
      %add3A_105 = arith.addi %mul3A_102, %mul3A_104 : i32
      %dma_wait3A_106 = arith.constant 0 : i32
      %dma_wait3A_107 = arith.constant 0 : i32
      %dma_wait3A_108 = tpu.memref_slice %arg5[%scan3A_100, %dma_wait3A_107] : memref<125x80xi32, #tpu.memory_space<vmem>> -> memref<1x80xi32, #tpu.memory_space<vmem>>
      %dma_wait3A_109 = tpu.memref_squeeze %dma_wait3A_108 : memref<1x80xi32, #tpu.memory_space<vmem>> -> memref<80xi32, #tpu.memory_space<vmem>>
      %dma_wait3A_110 = tpu.memref_slice %arg3[%dma_wait3A_106, %add3A_105] : memref<2x320000xi32, #tpu.memory_space<hbm>> -> memref<1x80xi32, #tpu.memory_space<hbm>>
      %dma_wait3A_111 = tpu.memref_squeeze %dma_wait3A_110 : memref<1x80xi32, #tpu.memory_space<hbm>> -> memref<80xi32, #tpu.memory_space<hbm>>
      %dma_wait3A_112 = arith.constant 0 : i32
      %dma_wait3A_113 = tpu.memref_slice %arg5[%scan3A_100, %dma_wait3A_112] : memref<125x80xi32, #tpu.memory_space<vmem>> -> memref<1x80xi32, #tpu.memory_space<vmem>>
      %dma_wait3A_114 = tpu.memref_squeeze %dma_wait3A_113 : memref<1x80xi32, #tpu.memory_space<vmem>> -> memref<80xi32, #tpu.memory_space<vmem>>
      %dma_wait3A_115 = tpu.memref_slice %arg3[%dma_wait3A_106, %add3A_105] : memref<2x320000xi32, #tpu.memory_space<hbm>> -> memref<1x80xi32, #tpu.memory_space<hbm>>
      %dma_wait3A_116 = tpu.memref_squeeze %dma_wait3A_115 : memref<1x80xi32, #tpu.memory_space<hbm>> -> memref<80xi32, #tpu.memory_space<hbm>>
      tpu.wait_dma2 semaphore(%arg21 : memref<!tpu.dma_semaphore, #tpu.memory_space<semaphore_mem>>) src(%dma_wait3A_116 : memref<80xi32, #tpu.memory_space<hbm>>) dst(%dma_wait3A_114 : memref<80xi32, #tpu.memory_space<vmem>>)
      %dma_wait3A_117 = arith.constant 1 : i32
      %dma_wait3A_118 = arith.constant 0 : i32
      %dma_wait3A_119 = tpu.memref_slice %arg6[%scan3A_100, %dma_wait3A_118] : memref<125x80xi32, #tpu.memory_space<vmem>> -> memref<1x80xi32, #tpu.memory_space<vmem>>
      %dma_wait3A_120 = tpu.memref_squeeze %dma_wait3A_119 : memref<1x80xi32, #tpu.memory_space<vmem>> -> memref<80xi32, #tpu.memory_space<vmem>>
      %dma_wait3A_121 = tpu.memref_slice %arg3[%dma_wait3A_117, %add3A_105] : memref<2x320000xi32, #tpu.memory_space<hbm>> -> memref<1x80xi32, #tpu.memory_space<hbm>>
      %dma_wait3A_122 = tpu.memref_squeeze %dma_wait3A_121 : memref<1x80xi32, #tpu.memory_space<hbm>> -> memref<80xi32, #tpu.memory_space<hbm>>
      %dma_wait3A_123 = arith.constant 0 : i32
      %dma_wait3A_124 = tpu.memref_slice %arg6[%scan3A_100, %dma_wait3A_123] : memref<125x80xi32, #tpu.memory_space<vmem>> -> memref<1x80xi32, #tpu.memory_space<vmem>>
      %dma_wait3A_125 = tpu.memref_squeeze %dma_wait3A_124 : memref<1x80xi32, #tpu.memory_space<vmem>> -> memref<80xi32, #tpu.memory_space<vmem>>
      %dma_wait3A_126 = tpu.memref_slice %arg3[%dma_wait3A_117, %add3A_105] : memref<2x320000xi32, #tpu.memory_space<hbm>> -> memref<1x80xi32, #tpu.memory_space<hbm>>
      %dma_wait3A_127 = tpu.memref_squeeze %dma_wait3A_126 : memref<1x80xi32, #tpu.memory_space<hbm>> -> memref<80xi32, #tpu.memory_space<hbm>>
      tpu.wait_dma2 semaphore(%arg21 : memref<!tpu.dma_semaphore, #tpu.memory_space<semaphore_mem>>) src(%dma_wait3A_127 : memref<80xi32, #tpu.memory_space<hbm>>) dst(%dma_wait3A_125 : memref<80xi32, #tpu.memory_space<vmem>>)
    }
    %scan3A_9 = arith.constant 125 : i32
    %lt3A = arith.constant 15 : i32
    %lt3A_10 = arith.cmpi slt, %arg1, %lt3A : i32
    %convert_element_type3A = arith.extui %lt3A_10 : i1 to i32
    %cond3A = arith.constant 0 : i32
    %cond3A_11 = arith.cmpi ne, %convert_element_type3A, %cond3A : i32
    scf.if %cond3A_11 {
      %mul3A_100 = arith.constant 632 : i32
      %mul3A_101 = arith.muli %arg1, %mul3A_100 : i32
      "tpu.region"() ({
        %run_scoped3A = tpu.sem_alloc : memref<!tpu.dma_semaphore, #tpu.memory_space<semaphore_mem>>
        %dma_start3A_106 = arith.constant 0 : i32
        %dma_start3A_107 = tpu.memref_slice %arg2[%mul3A_101, %dma_start3A_106] : memref<10000x40xf32, #tpu.memory_space<hbm>> -> memref<632x40xf32, #tpu.memory_space<hbm>>
        %dma_start3A_108 = arith.constant 0 : i32
        %dma_start3A_109 = tpu.memref_slice %arg2[%mul3A_101, %dma_start3A_108] : memref<10000x40xf32, #tpu.memory_space<hbm>> -> memref<632x40xf32, #tpu.memory_space<hbm>>
        tpu.enqueue_dma source(%dma_start3A_109 : memref<632x40xf32, #tpu.memory_space<hbm>>) target(%arg11 : memref<632x40xf32, #tpu.memory_space<vmem>>) target_semaphore(%run_scoped3A : memref<!tpu.dma_semaphore, #tpu.memory_space<semaphore_mem>>)
        %dma_wait3A_110 = arith.constant 0 : i32
        %dma_wait3A_111 = tpu.memref_slice %arg2[%mul3A_101, %dma_wait3A_110] : memref<10000x40xf32, #tpu.memory_space<hbm>> -> memref<632x40xf32, #tpu.memory_space<hbm>>
        %dma_wait3A_112 = arith.constant 0 : i32
        %dma_wait3A_113 = tpu.memref_slice %arg2[%mul3A_101, %dma_wait3A_112] : memref<10000x40xf32, #tpu.memory_space<hbm>> -> memref<632x40xf32, #tpu.memory_space<hbm>>
        tpu.wait_dma2 semaphore(%run_scoped3A : memref<!tpu.dma_semaphore, #tpu.memory_space<semaphore_mem>>) src(%dma_wait3A_113 : memref<632x40xf32, #tpu.memory_space<hbm>>) dst(%arg11 : memref<632x40xf32, #tpu.memory_space<vmem>>)
        tpu.yield
      }) : () -> ()
      %mul3A_102 = arith.constant 632 : i32
      %mul3A_103 = arith.muli %arg1, %mul3A_102 : i32
      "tpu.region"() ({
        %run_scoped3A = tpu.sem_alloc : memref<!tpu.dma_semaphore, #tpu.memory_space<semaphore_mem>>
        %dma_start3A_106 = arith.constant 0 : i32
        %dma_start3A_107 = tpu.memref_slice %arg12[%mul3A_103, %dma_start3A_106] : memref<10000x40xf32, #tpu.memory_space<vmem_shared>> -> memref<632x40xf32, #tpu.memory_space<vmem_shared>>
        %dma_start3A_108 = arith.constant 0 : i32
        %dma_start3A_109 = tpu.memref_slice %arg12[%mul3A_103, %dma_start3A_108] : memref<10000x40xf32, #tpu.memory_space<vmem_shared>> -> memref<632x40xf32, #tpu.memory_space<vmem_shared>>
        tpu.enqueue_dma source(%arg11 : memref<632x40xf32, #tpu.memory_space<vmem>>) target(%dma_start3A_109 : memref<632x40xf32, #tpu.memory_space<vmem_shared>>) target_semaphore(%run_scoped3A : memref<!tpu.dma_semaphore, #tpu.memory_space<semaphore_mem>>)
        %dma_wait3A_110 = arith.constant 0 : i32
        %dma_wait3A_111 = tpu.memref_slice %arg12[%mul3A_103, %dma_wait3A_110] : memref<10000x40xf32, #tpu.memory_space<vmem_shared>> -> memref<632x40xf32, #tpu.memory_space<vmem_shared>>
        %dma_wait3A_112 = arith.constant 0 : i32
        %dma_wait3A_113 = tpu.memref_slice %arg12[%mul3A_103, %dma_wait3A_112] : memref<10000x40xf32, #tpu.memory_space<vmem_shared>> -> memref<632x40xf32, #tpu.memory_space<vmem_shared>>
        tpu.wait_dma2 semaphore(%run_scoped3A : memref<!tpu.dma_semaphore, #tpu.memory_space<semaphore_mem>>) src(%arg11 : memref<632x40xf32, #tpu.memory_space<vmem>>) dst(%dma_wait3A_113 : memref<632x40xf32, #tpu.memory_space<vmem_shared>>)
        tpu.yield
      }) : () -> ()
      %mul3A_104 = arith.constant 632 : i32
      %mul3A_105 = arith.muli %arg1, %mul3A_104 : i32
      "tpu.region"() ({
        %run_scoped3A = tpu.sem_alloc : memref<!tpu.dma_semaphore, #tpu.memory_space<semaphore_mem>>
        %dma_start3A_106 = arith.constant 0 : i32
        %dma_start3A_107 = tpu.memref_slice %arg22[%mul3A_105, %dma_start3A_106] : memref<10000x40xf32, #tpu.memory_space<vmem_shared>> -> memref<632x40xf32, #tpu.memory_space<vmem_shared>>
        %dma_start3A_108 = arith.constant 0 : i32
        %dma_start3A_109 = tpu.memref_slice %arg22[%mul3A_105, %dma_start3A_108] : memref<10000x40xf32, #tpu.memory_space<vmem_shared>> -> memref<632x40xf32, #tpu.memory_space<vmem_shared>>
        tpu.enqueue_dma source(%arg11 : memref<632x40xf32, #tpu.memory_space<vmem>>) target(%dma_start3A_109 : memref<632x40xf32, #tpu.memory_space<vmem_shared>>) target_semaphore(%run_scoped3A : memref<!tpu.dma_semaphore, #tpu.memory_space<semaphore_mem>>)
        %dma_wait3A_110 = arith.constant 0 : i32
        %dma_wait3A_111 = tpu.memref_slice %arg22[%mul3A_105, %dma_wait3A_110] : memref<10000x40xf32, #tpu.memory_space<vmem_shared>> -> memref<632x40xf32, #tpu.memory_space<vmem_shared>>
        %dma_wait3A_112 = arith.constant 0 : i32
        %dma_wait3A_113 = tpu.memref_slice %arg22[%mul3A_105, %dma_wait3A_112] : memref<10000x40xf32, #tpu.memory_space<vmem_shared>> -> memref<632x40xf32, #tpu.memory_space<vmem_shared>>
        tpu.wait_dma2 semaphore(%run_scoped3A : memref<!tpu.dma_semaphore, #tpu.memory_space<semaphore_mem>>) src(%arg11 : memref<632x40xf32, #tpu.memory_space<vmem>>) dst(%dma_wait3A_113 : memref<632x40xf32, #tpu.memory_space<vmem_shared>>)
        tpu.yield
      }) : () -> ()
    } else {
    }
    %eq3A = arith.constant 15 : i32
    %eq3A_12 = arith.cmpi eq, %arg1, %eq3A : i32
    %convert_element_type3A_13 = arith.extui %eq3A_12 : i1 to i32
    %cond3A_14 = arith.constant 0 : i32
    %cond3A_15 = arith.cmpi ne, %convert_element_type3A_13, %cond3A_14 : i32
    scf.if %cond3A_15 {
      "tpu.region"() ({
        %run_scoped3A = tpu.sem_alloc : memref<!tpu.dma_semaphore, #tpu.memory_space<semaphore_mem>>
        %dma_start3A_100 = arith.constant 0 : i32
        %dma_start3A_101 = arith.constant 0 : i32
        %dma_start3A_102 = tpu.memref_slice %arg11[%dma_start3A_100, %dma_start3A_101] : memref<632x40xf32, #tpu.memory_space<vmem>> -> memref<520x40xf32, #tpu.memory_space<vmem>>
        %dma_start3A_103 = arith.constant 9480 : i32
        %dma_start3A_104 = arith.constant 0 : i32
        %dma_start3A_105 = tpu.memref_slice %arg2[%dma_start3A_103, %dma_start3A_104] : memref<10000x40xf32, #tpu.memory_space<hbm>> -> memref<520x40xf32, #tpu.memory_space<hbm>>
        %dma_start3A_106 = arith.constant 0 : i32
        %dma_start3A_107 = arith.constant 0 : i32
        %dma_start3A_108 = tpu.memref_slice %arg11[%dma_start3A_106, %dma_start3A_107] : memref<632x40xf32, #tpu.memory_space<vmem>> -> memref<520x40xf32, #tpu.memory_space<vmem>>
        %dma_start3A_109 = arith.constant 9480 : i32
        %dma_start3A_110 = arith.constant 0 : i32
        %dma_start3A_111 = tpu.memref_slice %arg2[%dma_start3A_109, %dma_start3A_110] : memref<10000x40xf32, #tpu.memory_space<hbm>> -> memref<520x40xf32, #tpu.memory_space<hbm>>
        tpu.enqueue_dma source(%dma_start3A_111 : memref<520x40xf32, #tpu.memory_space<hbm>>) target(%dma_start3A_108 : memref<520x40xf32, #tpu.memory_space<vmem>>) target_semaphore(%run_scoped3A : memref<!tpu.dma_semaphore, #tpu.memory_space<semaphore_mem>>)
        %dma_wait3A_112 = arith.constant 0 : i32
        %dma_wait3A_113 = arith.constant 0 : i32
        %dma_wait3A_114 = tpu.memref_slice %arg11[%dma_wait3A_112, %dma_wait3A_113] : memref<632x40xf32, #tpu.memory_space<vmem>> -> memref<520x40xf32, #tpu.memory_space<vmem>>
        %dma_wait3A_115 = arith.constant 9480 : i32
        %dma_wait3A_116 = arith.constant 0 : i32
        %dma_wait3A_117 = tpu.memref_slice %arg2[%dma_wait3A_115, %dma_wait3A_116] : memref<10000x40xf32, #tpu.memory_space<hbm>> -> memref<520x40xf32, #tpu.memory_space<hbm>>
        %dma_wait3A_118 = arith.constant 0 : i32
        %dma_wait3A_119 = arith.constant 0 : i32
        %dma_wait3A_120 = tpu.memref_slice %arg11[%dma_wait3A_118, %dma_wait3A_119] : memref<632x40xf32, #tpu.memory_space<vmem>> -> memref<520x40xf32, #tpu.memory_space<vmem>>
        %dma_wait3A_121 = arith.constant 9480 : i32
        %dma_wait3A_122 = arith.constant 0 : i32
        %dma_wait3A_123 = tpu.memref_slice %arg2[%dma_wait3A_121, %dma_wait3A_122] : memref<10000x40xf32, #tpu.memory_space<hbm>> -> memref<520x40xf32, #tpu.memory_space<hbm>>
        tpu.wait_dma2 semaphore(%run_scoped3A : memref<!tpu.dma_semaphore, #tpu.memory_space<semaphore_mem>>) src(%dma_wait3A_123 : memref<520x40xf32, #tpu.memory_space<hbm>>) dst(%dma_wait3A_120 : memref<520x40xf32, #tpu.memory_space<vmem>>)
        tpu.yield
      }) : () -> ()
      "tpu.region"() ({
        %run_scoped3A = tpu.sem_alloc : memref<!tpu.dma_semaphore, #tpu.memory_space<semaphore_mem>>
        %dma_start3A_100 = arith.constant 0 : i32
        %dma_start3A_101 = arith.constant 0 : i32
        %dma_start3A_102 = tpu.memref_slice %arg11[%dma_start3A_100, %dma_start3A_101] : memref<632x40xf32, #tpu.memory_space<vmem>> -> memref<520x40xf32, #tpu.memory_space<vmem>>
        %dma_start3A_103 = arith.constant 9480 : i32
        %dma_start3A_104 = arith.constant 0 : i32
        %dma_start3A_105 = tpu.memref_slice %arg12[%dma_start3A_103, %dma_start3A_104] : memref<10000x40xf32, #tpu.memory_space<vmem_shared>> -> memref<520x40xf32, #tpu.memory_space<vmem_shared>>
        %dma_start3A_106 = arith.constant 9480 : i32
        %dma_start3A_107 = arith.constant 0 : i32
        %dma_start3A_108 = tpu.memref_slice %arg12[%dma_start3A_106, %dma_start3A_107] : memref<10000x40xf32, #tpu.memory_space<vmem_shared>> -> memref<520x40xf32, #tpu.memory_space<vmem_shared>>
        %dma_start3A_109 = arith.constant 0 : i32
        %dma_start3A_110 = arith.constant 0 : i32
        %dma_start3A_111 = tpu.memref_slice %arg11[%dma_start3A_109, %dma_start3A_110] : memref<632x40xf32, #tpu.memory_space<vmem>> -> memref<520x40xf32, #tpu.memory_space<vmem>>
        tpu.enqueue_dma source(%dma_start3A_111 : memref<520x40xf32, #tpu.memory_space<vmem>>) target(%dma_start3A_108 : memref<520x40xf32, #tpu.memory_space<vmem_shared>>) target_semaphore(%run_scoped3A : memref<!tpu.dma_semaphore, #tpu.memory_space<semaphore_mem>>)
        %dma_wait3A_112 = arith.constant 0 : i32
        %dma_wait3A_113 = arith.constant 0 : i32
        %dma_wait3A_114 = tpu.memref_slice %arg11[%dma_wait3A_112, %dma_wait3A_113] : memref<632x40xf32, #tpu.memory_space<vmem>> -> memref<520x40xf32, #tpu.memory_space<vmem>>
        %dma_wait3A_115 = arith.constant 9480 : i32
        %dma_wait3A_116 = arith.constant 0 : i32
        %dma_wait3A_117 = tpu.memref_slice %arg12[%dma_wait3A_115, %dma_wait3A_116] : memref<10000x40xf32, #tpu.memory_space<vmem_shared>> -> memref<520x40xf32, #tpu.memory_space<vmem_shared>>
        %dma_wait3A_118 = arith.constant 9480 : i32
        %dma_wait3A_119 = arith.constant 0 : i32
        %dma_wait3A_120 = tpu.memref_slice %arg12[%dma_wait3A_118, %dma_wait3A_119] : memref<10000x40xf32, #tpu.memory_space<vmem_shared>> -> memref<520x40xf32, #tpu.memory_space<vmem_shared>>
        %dma_wait3A_121 = arith.constant 0 : i32
        %dma_wait3A_122 = arith.constant 0 : i32
        %dma_wait3A_123 = tpu.memref_slice %arg11[%dma_wait3A_121, %dma_wait3A_122] : memref<632x40xf32, #tpu.memory_space<vmem>> -> memref<520x40xf32, #tpu.memory_space<vmem>>
        tpu.wait_dma2 semaphore(%run_scoped3A : memref<!tpu.dma_semaphore, #tpu.memory_space<semaphore_mem>>) src(%dma_wait3A_123 : memref<520x40xf32, #tpu.memory_space<vmem>>) dst(%dma_wait3A_120 : memref<520x40xf32, #tpu.memory_space<vmem_shared>>)
        tpu.yield
      }) : () -> ()
      "tpu.region"() ({
        %run_scoped3A = tpu.sem_alloc : memref<!tpu.dma_semaphore, #tpu.memory_space<semaphore_mem>>
        %dma_start3A_100 = arith.constant 0 : i32
        %dma_start3A_101 = arith.constant 0 : i32
        %dma_start3A_102 = tpu.memref_slice %arg11[%dma_start3A_100, %dma_start3A_101] : memref<632x40xf32, #tpu.memory_space<vmem>> -> memref<520x40xf32, #tpu.memory_space<vmem>>
        %dma_start3A_103 = arith.constant 9480 : i32
        %dma_start3A_104 = arith.constant 0 : i32
        %dma_start3A_105 = tpu.memref_slice %arg22[%dma_start3A_103, %dma_start3A_104] : memref<10000x40xf32, #tpu.memory_space<vmem_shared>> -> memref<520x40xf32, #tpu.memory_space<vmem_shared>>
        %dma_start3A_106 = arith.constant 9480 : i32
        %dma_start3A_107 = arith.constant 0 : i32
        %dma_start3A_108 = tpu.memref_slice %arg22[%dma_start3A_106, %dma_start3A_107] : memref<10000x40xf32, #tpu.memory_space<vmem_shared>> -> memref<520x40xf32, #tpu.memory_space<vmem_shared>>
        %dma_start3A_109 = arith.constant 0 : i32
        %dma_start3A_110 = arith.constant 0 : i32
        %dma_start3A_111 = tpu.memref_slice %arg11[%dma_start3A_109, %dma_start3A_110] : memref<632x40xf32, #tpu.memory_space<vmem>> -> memref<520x40xf32, #tpu.memory_space<vmem>>
        tpu.enqueue_dma source(%dma_start3A_111 : memref<520x40xf32, #tpu.memory_space<vmem>>) target(%dma_start3A_108 : memref<520x40xf32, #tpu.memory_space<vmem_shared>>) target_semaphore(%run_scoped3A : memref<!tpu.dma_semaphore, #tpu.memory_space<semaphore_mem>>)
        %dma_wait3A_112 = arith.constant 0 : i32
        %dma_wait3A_113 = arith.constant 0 : i32
        %dma_wait3A_114 = tpu.memref_slice %arg11[%dma_wait3A_112, %dma_wait3A_113] : memref<632x40xf32, #tpu.memory_space<vmem>> -> memref<520x40xf32, #tpu.memory_space<vmem>>
        %dma_wait3A_115 = arith.constant 9480 : i32
        %dma_wait3A_116 = arith.constant 0 : i32
        %dma_wait3A_117 = tpu.memref_slice %arg22[%dma_wait3A_115, %dma_wait3A_116] : memref<10000x40xf32, #tpu.memory_space<vmem_shared>> -> memref<520x40xf32, #tpu.memory_space<vmem_shared>>
        %dma_wait3A_118 = arith.constant 9480 : i32
        %dma_wait3A_119 = arith.constant 0 : i32
        %dma_wait3A_120 = tpu.memref_slice %arg22[%dma_wait3A_118, %dma_wait3A_119] : memref<10000x40xf32, #tpu.memory_space<vmem_shared>> -> memref<520x40xf32, #tpu.memory_space<vmem_shared>>
        %dma_wait3A_121 = arith.constant 0 : i32
        %dma_wait3A_122 = arith.constant 0 : i32
        %dma_wait3A_123 = tpu.memref_slice %arg11[%dma_wait3A_121, %dma_wait3A_122] : memref<632x40xf32, #tpu.memory_space<vmem>> -> memref<520x40xf32, #tpu.memory_space<vmem>>
        tpu.wait_dma2 semaphore(%run_scoped3A : memref<!tpu.dma_semaphore, #tpu.memory_space<semaphore_mem>>) src(%dma_wait3A_123 : memref<520x40xf32, #tpu.memory_space<vmem>>) dst(%dma_wait3A_120 : memref<520x40xf32, #tpu.memory_space<vmem_shared>>)
        tpu.yield
      }) : () -> ()
    } else {
    }
    %barrier3A = arith.constant 0 : index
    tpu.barrier barrier_id(%barrier3A)
    %dma_start3A = arith.constant 0 : i32
    %dma_start3A_16 = arith.constant 0 : i32
    %dma_start3A_17 = tpu.memref_slice %arg5[%dma_start3A, %dma_start3A_16] : memref<125x80xi32, #tpu.memory_space<vmem>> -> memref<1x80xi32, #tpu.memory_space<vmem>>
    %dma_start3A_18 = tpu.memref_squeeze %dma_start3A_17 : memref<1x80xi32, #tpu.memory_space<vmem>> -> memref<80xi32, #tpu.memory_space<vmem>>
    %dma_start3A_19 = arith.constant 0 : i32
    %dma_start3A_20 = arith.constant 0 : i32
    %dma_start3A_21 = tpu.memref_slice %arg22[%dma_start3A_19, %dma_start3A_20] : memref<10000x40xf32, #tpu.memory_space<vmem_shared>> -> memref<10000x40xf32, #tpu.memory_space<vmem_shared>>
    tpu.enqueue_indirect_dma source(%dma_start3A_21 : memref<10000x40xf32, #tpu.memory_space<vmem_shared>>) target(%arg7 : memref<80x40xf32, #tpu.memory_space<vmem>>) offsets(%dma_start3A_18 : memref<80xi32, #tpu.memory_space<vmem>>) semaphore(%arg13 : memref<!tpu.dma_semaphore, #tpu.memory_space<semaphore_mem>>)
    %dma_start3A_22 = arith.constant 1 : i32
    %dma_start3A_23 = arith.constant 0 : i32
    %dma_start3A_24 = tpu.memref_slice %arg5[%dma_start3A_22, %dma_start3A_23] : memref<125x80xi32, #tpu.memory_space<vmem>> -> memref<1x80xi32, #tpu.memory_space<vmem>>
    %dma_start3A_25 = tpu.memref_squeeze %dma_start3A_24 : memref<1x80xi32, #tpu.memory_space<vmem>> -> memref<80xi32, #tpu.memory_space<vmem>>
    %dma_start3A_26 = arith.constant 0 : i32
    %dma_start3A_27 = arith.constant 0 : i32
    %dma_start3A_28 = tpu.memref_slice %arg22[%dma_start3A_26, %dma_start3A_27] : memref<10000x40xf32, #tpu.memory_space<vmem_shared>> -> memref<10000x40xf32, #tpu.memory_space<vmem_shared>>
    tpu.enqueue_indirect_dma source(%dma_start3A_28 : memref<10000x40xf32, #tpu.memory_space<vmem_shared>>) target(%arg8 : memref<80x40xf32, #tpu.memory_space<vmem>>) offsets(%dma_start3A_25 : memref<80xi32, #tpu.memory_space<vmem>>) semaphore(%arg14 : memref<!tpu.dma_semaphore, #tpu.memory_space<semaphore_mem>>)
    %dma_start3A_29 = arith.constant 2 : i32
    %dma_start3A_30 = arith.constant 0 : i32
    %dma_start3A_31 = tpu.memref_slice %arg5[%dma_start3A_29, %dma_start3A_30] : memref<125x80xi32, #tpu.memory_space<vmem>> -> memref<1x80xi32, #tpu.memory_space<vmem>>
    %dma_start3A_32 = tpu.memref_squeeze %dma_start3A_31 : memref<1x80xi32, #tpu.memory_space<vmem>> -> memref<80xi32, #tpu.memory_space<vmem>>
    %dma_start3A_33 = arith.constant 0 : i32
    %dma_start3A_34 = arith.constant 0 : i32
    %dma_start3A_35 = tpu.memref_slice %arg22[%dma_start3A_33, %dma_start3A_34] : memref<10000x40xf32, #tpu.memory_space<vmem_shared>> -> memref<10000x40xf32, #tpu.memory_space<vmem_shared>>
    tpu.enqueue_indirect_dma source(%dma_start3A_35 : memref<10000x40xf32, #tpu.memory_space<vmem_shared>>) target(%arg9 : memref<80x40xf32, #tpu.memory_space<vmem>>) offsets(%dma_start3A_32 : memref<80xi32, #tpu.memory_space<vmem>>) semaphore(%arg15 : memref<!tpu.dma_semaphore, #tpu.memory_space<semaphore_mem>>)
    %dma_start3A_36 = arith.constant 3 : i32
    %dma_start3A_37 = arith.constant 0 : i32
    %dma_start3A_38 = tpu.memref_slice %arg5[%dma_start3A_36, %dma_start3A_37] : memref<125x80xi32, #tpu.memory_space<vmem>> -> memref<1x80xi32, #tpu.memory_space<vmem>>
    %dma_start3A_39 = tpu.memref_squeeze %dma_start3A_38 : memref<1x80xi32, #tpu.memory_space<vmem>> -> memref<80xi32, #tpu.memory_space<vmem>>
    %dma_start3A_40 = arith.constant 0 : i32
    %dma_start3A_41 = arith.constant 0 : i32
    %dma_start3A_42 = tpu.memref_slice %arg22[%dma_start3A_40, %dma_start3A_41] : memref<10000x40xf32, #tpu.memory_space<vmem_shared>> -> memref<10000x40xf32, #tpu.memory_space<vmem_shared>>
    tpu.enqueue_indirect_dma source(%dma_start3A_42 : memref<10000x40xf32, #tpu.memory_space<vmem_shared>>) target(%arg10 : memref<80x40xf32, #tpu.memory_space<vmem>>) offsets(%dma_start3A_39 : memref<80xi32, #tpu.memory_space<vmem>>) semaphore(%arg16 : memref<!tpu.dma_semaphore, #tpu.memory_space<semaphore_mem>>)
    %scan3A_43 = arith.constant 0 : i32
    %scan3A_44 = arith.constant 31 : i32
    %scan3A_45 = arith.addi %scan3A_43, %scan3A_44 : i32
    %scan3A_46 = arith.constant 1 : i32
    scf.for %scan3A_100 = %scan3A_43 to %scan3A_45 step %scan3A_46  : i32 {
      %mul3A_101 = arith.constant 4 : i32
      %mul3A_102 = arith.muli %mul3A_101, %scan3A_100 : i32
      %add3A_103 = arith.constant 0 : i32
      %add3A_104 = arith.addi %mul3A_102, %add3A_103 : i32
      %dma_wait3A_105 = arith.constant 0 : i32
      %dma_wait3A_106 = tpu.memref_slice %arg5[%add3A_104, %dma_wait3A_105] : memref<125x80xi32, #tpu.memory_space<vmem>> -> memref<1x80xi32, #tpu.memory_space<vmem>>
      %dma_wait3A_107 = tpu.memref_squeeze %dma_wait3A_106 : memref<1x80xi32, #tpu.memory_space<vmem>> -> memref<80xi32, #tpu.memory_space<vmem>>
      %dma_wait3A_108 = arith.constant 0 : i32
      %dma_wait3A_109 = arith.constant 0 : i32
      %dma_wait3A_110 = tpu.memref_slice %arg22[%dma_wait3A_108, %dma_wait3A_109] : memref<10000x40xf32, #tpu.memory_space<vmem_shared>> -> memref<10000x40xf32, #tpu.memory_space<vmem_shared>>
      tpu.wait_indirect_dma semaphore(%arg13 : memref<!tpu.dma_semaphore, #tpu.memory_space<semaphore_mem>>) src(%dma_wait3A_110 : memref<10000x40xf32, #tpu.memory_space<vmem_shared>>) dst(%arg7 : memref<80x40xf32, #tpu.memory_space<vmem>>)
      %dma_start3A_111 = arith.constant 0 : i32
      %dma_start3A_112 = tpu.memref_slice %arg6[%add3A_104, %dma_start3A_111] : memref<125x80xi32, #tpu.memory_space<vmem>> -> memref<1x80xi32, #tpu.memory_space<vmem>>
      %dma_start3A_113 = tpu.memref_squeeze %dma_start3A_112 : memref<1x80xi32, #tpu.memory_space<vmem>> -> memref<80xi32, #tpu.memory_space<vmem>>
      %dma_start3A_114 = arith.constant 0 : i32
      %dma_start3A_115 = arith.constant 0 : i32
      %dma_start3A_116 = tpu.memref_slice %arg12[%dma_start3A_114, %dma_start3A_115] : memref<10000x40xf32, #tpu.memory_space<vmem_shared>> -> memref<10000x40xf32, #tpu.memory_space<vmem_shared>>
      tpu.enqueue_indirect_dma source(%arg7 : memref<80x40xf32, #tpu.memory_space<vmem>>) target(%dma_start3A_116 : memref<10000x40xf32, #tpu.memory_space<vmem_shared>>) offsets(%dma_start3A_113 : memref<80xi32, #tpu.memory_space<vmem>>) semaphore(%arg17 : memref<!tpu.dma_semaphore, #tpu.memory_space<semaphore_mem>>) {add = true}
      %ge3A = arith.constant 2 : i32
      %ge3A_117 = arith.cmpi sge, %add3A_104, %ge3A : i32
      %le3A = arith.constant 122 : i32
      %le3A_118 = arith.cmpi sle, %add3A_104, %le3A : i32
      %and3A = arith.andi %ge3A_117, %le3A_118 : i1
      %convert_element_type3A_119 = arith.extui %and3A : i1 to i32
      %cond3A_120 = arith.constant 0 : i32
      %cond3A_121 = arith.cmpi ne, %convert_element_type3A_119, %cond3A_120 : i32
      scf.if %cond3A_121 {
        %sub3A = arith.constant 2 : i32
        %sub3A_194 = arith.subi %add3A_104, %sub3A : i32
        %dma_wait3A_195 = arith.constant 0 : i32
        %dma_wait3A_196 = tpu.memref_slice %arg6[%sub3A_194, %dma_wait3A_195] : memref<125x80xi32, #tpu.memory_space<vmem>> -> memref<1x80xi32, #tpu.memory_space<vmem>>
        %dma_wait3A_197 = tpu.memref_squeeze %dma_wait3A_196 : memref<1x80xi32, #tpu.memory_space<vmem>> -> memref<80xi32, #tpu.memory_space<vmem>>
        %dma_wait3A_198 = arith.constant 0 : i32
        %dma_wait3A_199 = arith.constant 0 : i32
        %dma_wait3A_200 = tpu.memref_slice %arg12[%dma_wait3A_198, %dma_wait3A_199] : memref<10000x40xf32, #tpu.memory_space<vmem_shared>> -> memref<10000x40xf32, #tpu.memory_space<vmem_shared>>
        tpu.wait_indirect_dma semaphore(%arg19 : memref<!tpu.dma_semaphore, #tpu.memory_space<semaphore_mem>>) src(%arg9 : memref<80x40xf32, #tpu.memory_space<vmem>>) dst(%dma_wait3A_200 : memref<10000x40xf32, #tpu.memory_space<vmem_shared>>)
        %add3A_201 = arith.constant 2 : i32
        %add3A_202 = arith.addi %add3A_104, %add3A_201 : i32
        %dma_start3A_203 = arith.constant 0 : i32
        %dma_start3A_204 = tpu.memref_slice %arg5[%add3A_202, %dma_start3A_203] : memref<125x80xi32, #tpu.memory_space<vmem>> -> memref<1x80xi32, #tpu.memory_space<vmem>>
        %dma_start3A_205 = tpu.memref_squeeze %dma_start3A_204 : memref<1x80xi32, #tpu.memory_space<vmem>> -> memref<80xi32, #tpu.memory_space<vmem>>
        %dma_start3A_206 = arith.constant 0 : i32
        %dma_start3A_207 = arith.constant 0 : i32
        %dma_start3A_208 = tpu.memref_slice %arg22[%dma_start3A_206, %dma_start3A_207] : memref<10000x40xf32, #tpu.memory_space<vmem_shared>> -> memref<10000x40xf32, #tpu.memory_space<vmem_shared>>
        tpu.enqueue_indirect_dma source(%dma_start3A_208 : memref<10000x40xf32, #tpu.memory_space<vmem_shared>>) target(%arg9 : memref<80x40xf32, #tpu.memory_space<vmem>>) offsets(%dma_start3A_205 : memref<80xi32, #tpu.memory_space<vmem>>) semaphore(%arg15 : memref<!tpu.dma_semaphore, #tpu.memory_space<semaphore_mem>>)
      } else {
      }
      %mul3A_122 = arith.constant 4 : i32
      %mul3A_123 = arith.muli %mul3A_122, %scan3A_100 : i32
      %add3A_124 = arith.constant 1 : i32
      %add3A_125 = arith.addi %mul3A_123, %add3A_124 : i32
      %dma_wait3A_126 = arith.constant 0 : i32
      %dma_wait3A_127 = tpu.memref_slice %arg5[%add3A_125, %dma_wait3A_126] : memref<125x80xi32, #tpu.memory_space<vmem>> -> memref<1x80xi32, #tpu.memory_space<vmem>>
      %dma_wait3A_128 = tpu.memref_squeeze %dma_wait3A_127 : memref<1x80xi32, #tpu.memory_space<vmem>> -> memref<80xi32, #tpu.memory_space<vmem>>
      %dma_wait3A_129 = arith.constant 0 : i32
      %dma_wait3A_130 = arith.constant 0 : i32
      %dma_wait3A_131 = tpu.memref_slice %arg22[%dma_wait3A_129, %dma_wait3A_130] : memref<10000x40xf32, #tpu.memory_space<vmem_shared>> -> memref<10000x40xf32, #tpu.memory_space<vmem_shared>>
      tpu.wait_indirect_dma semaphore(%arg14 : memref<!tpu.dma_semaphore, #tpu.memory_space<semaphore_mem>>) src(%dma_wait3A_131 : memref<10000x40xf32, #tpu.memory_space<vmem_shared>>) dst(%arg8 : memref<80x40xf32, #tpu.memory_space<vmem>>)
      %dma_start3A_132 = arith.constant 0 : i32
      %dma_start3A_133 = tpu.memref_slice %arg6[%add3A_125, %dma_start3A_132] : memref<125x80xi32, #tpu.memory_space<vmem>> -> memref<1x80xi32, #tpu.memory_space<vmem>>
      %dma_start3A_134 = tpu.memref_squeeze %dma_start3A_133 : memref<1x80xi32, #tpu.memory_space<vmem>> -> memref<80xi32, #tpu.memory_space<vmem>>
      %dma_start3A_135 = arith.constant 0 : i32
      %dma_start3A_136 = arith.constant 0 : i32
      %dma_start3A_137 = tpu.memref_slice %arg12[%dma_start3A_135, %dma_start3A_136] : memref<10000x40xf32, #tpu.memory_space<vmem_shared>> -> memref<10000x40xf32, #tpu.memory_space<vmem_shared>>
      tpu.enqueue_indirect_dma source(%arg8 : memref<80x40xf32, #tpu.memory_space<vmem>>) target(%dma_start3A_137 : memref<10000x40xf32, #tpu.memory_space<vmem_shared>>) offsets(%dma_start3A_134 : memref<80xi32, #tpu.memory_space<vmem>>) semaphore(%arg18 : memref<!tpu.dma_semaphore, #tpu.memory_space<semaphore_mem>>) {add = true}
      %ge3A_138 = arith.constant 2 : i32
      %ge3A_139 = arith.cmpi sge, %add3A_125, %ge3A_138 : i32
      %le3A_140 = arith.constant 122 : i32
      %le3A_141 = arith.cmpi sle, %add3A_125, %le3A_140 : i32
      %and3A_142 = arith.andi %ge3A_139, %le3A_141 : i1
      %convert_element_type3A_143 = arith.extui %and3A_142 : i1 to i32
      %cond3A_144 = arith.constant 0 : i32
      %cond3A_145 = arith.cmpi ne, %convert_element_type3A_143, %cond3A_144 : i32
      scf.if %cond3A_145 {
        %sub3A = arith.constant 2 : i32
        %sub3A_194 = arith.subi %add3A_125, %sub3A : i32
        %dma_wait3A_195 = arith.constant 0 : i32
        %dma_wait3A_196 = tpu.memref_slice %arg6[%sub3A_194, %dma_wait3A_195] : memref<125x80xi32, #tpu.memory_space<vmem>> -> memref<1x80xi32, #tpu.memory_space<vmem>>
        %dma_wait3A_197 = tpu.memref_squeeze %dma_wait3A_196 : memref<1x80xi32, #tpu.memory_space<vmem>> -> memref<80xi32, #tpu.memory_space<vmem>>
        %dma_wait3A_198 = arith.constant 0 : i32
        %dma_wait3A_199 = arith.constant 0 : i32
        %dma_wait3A_200 = tpu.memref_slice %arg12[%dma_wait3A_198, %dma_wait3A_199] : memref<10000x40xf32, #tpu.memory_space<vmem_shared>> -> memref<10000x40xf32, #tpu.memory_space<vmem_shared>>
        tpu.wait_indirect_dma semaphore(%arg20 : memref<!tpu.dma_semaphore, #tpu.memory_space<semaphore_mem>>) src(%arg10 : memref<80x40xf32, #tpu.memory_space<vmem>>) dst(%dma_wait3A_200 : memref<10000x40xf32, #tpu.memory_space<vmem_shared>>)
        %add3A_201 = arith.constant 2 : i32
        %add3A_202 = arith.addi %add3A_125, %add3A_201 : i32
        %dma_start3A_203 = arith.constant 0 : i32
        %dma_start3A_204 = tpu.memref_slice %arg5[%add3A_202, %dma_start3A_203] : memref<125x80xi32, #tpu.memory_space<vmem>> -> memref<1x80xi32, #tpu.memory_space<vmem>>
        %dma_start3A_205 = tpu.memref_squeeze %dma_start3A_204 : memref<1x80xi32, #tpu.memory_space<vmem>> -> memref<80xi32, #tpu.memory_space<vmem>>
        %dma_start3A_206 = arith.constant 0 : i32
        %dma_start3A_207 = arith.constant 0 : i32
        %dma_start3A_208 = tpu.memref_slice %arg22[%dma_start3A_206, %dma_start3A_207] : memref<10000x40xf32, #tpu.memory_space<vmem_shared>> -> memref<10000x40xf32, #tpu.memory_space<vmem_shared>>
        tpu.enqueue_indirect_dma source(%dma_start3A_208 : memref<10000x40xf32, #tpu.memory_space<vmem_shared>>) target(%arg10 : memref<80x40xf32, #tpu.memory_space<vmem>>) offsets(%dma_start3A_205 : memref<80xi32, #tpu.memory_space<vmem>>) semaphore(%arg16 : memref<!tpu.dma_semaphore, #tpu.memory_space<semaphore_mem>>)
      } else {
      }
      %mul3A_146 = arith.constant 4 : i32
      %mul3A_147 = arith.muli %mul3A_146, %scan3A_100 : i32
      %add3A_148 = arith.constant 2 : i32
      %add3A_149 = arith.addi %mul3A_147, %add3A_148 : i32
      %dma_wait3A_150 = arith.constant 0 : i32
      %dma_wait3A_151 = tpu.memref_slice %arg5[%add3A_149, %dma_wait3A_150] : memref<125x80xi32, #tpu.memory_space<vmem>> -> memref<1x80xi32, #tpu.memory_space<vmem>>
      %dma_wait3A_152 = tpu.memref_squeeze %dma_wait3A_151 : memref<1x80xi32, #tpu.memory_space<vmem>> -> memref<80xi32, #tpu.memory_space<vmem>>
      %dma_wait3A_153 = arith.constant 0 : i32
      %dma_wait3A_154 = arith.constant 0 : i32
      %dma_wait3A_155 = tpu.memref_slice %arg22[%dma_wait3A_153, %dma_wait3A_154] : memref<10000x40xf32, #tpu.memory_space<vmem_shared>> -> memref<10000x40xf32, #tpu.memory_space<vmem_shared>>
      tpu.wait_indirect_dma semaphore(%arg15 : memref<!tpu.dma_semaphore, #tpu.memory_space<semaphore_mem>>) src(%dma_wait3A_155 : memref<10000x40xf32, #tpu.memory_space<vmem_shared>>) dst(%arg9 : memref<80x40xf32, #tpu.memory_space<vmem>>)
      %dma_start3A_156 = arith.constant 0 : i32
      %dma_start3A_157 = tpu.memref_slice %arg6[%add3A_149, %dma_start3A_156] : memref<125x80xi32, #tpu.memory_space<vmem>> -> memref<1x80xi32, #tpu.memory_space<vmem>>
      %dma_start3A_158 = tpu.memref_squeeze %dma_start3A_157 : memref<1x80xi32, #tpu.memory_space<vmem>> -> memref<80xi32, #tpu.memory_space<vmem>>
      %dma_start3A_159 = arith.constant 0 : i32
      %dma_start3A_160 = arith.constant 0 : i32
      %dma_start3A_161 = tpu.memref_slice %arg12[%dma_start3A_159, %dma_start3A_160] : memref<10000x40xf32, #tpu.memory_space<vmem_shared>> -> memref<10000x40xf32, #tpu.memory_space<vmem_shared>>
      tpu.enqueue_indirect_dma source(%arg9 : memref<80x40xf32, #tpu.memory_space<vmem>>) target(%dma_start3A_161 : memref<10000x40xf32, #tpu.memory_space<vmem_shared>>) offsets(%dma_start3A_158 : memref<80xi32, #tpu.memory_space<vmem>>) semaphore(%arg19 : memref<!tpu.dma_semaphore, #tpu.memory_space<semaphore_mem>>) {add = true}
      %ge3A_162 = arith.constant 2 : i32
      %ge3A_163 = arith.cmpi sge, %add3A_149, %ge3A_162 : i32
      %le3A_164 = arith.constant 122 : i32
      %le3A_165 = arith.cmpi sle, %add3A_149, %le3A_164 : i32
      %and3A_166 = arith.andi %ge3A_163, %le3A_165 : i1
      %convert_element_type3A_167 = arith.extui %and3A_166 : i1 to i32
      %cond3A_168 = arith.constant 0 : i32
      %cond3A_169 = arith.cmpi ne, %convert_element_type3A_167, %cond3A_168 : i32
      scf.if %cond3A_169 {
        %sub3A = arith.constant 2 : i32
        %sub3A_194 = arith.subi %add3A_149, %sub3A : i32
        %dma_wait3A_195 = arith.constant 0 : i32
        %dma_wait3A_196 = tpu.memref_slice %arg6[%sub3A_194, %dma_wait3A_195] : memref<125x80xi32, #tpu.memory_space<vmem>> -> memref<1x80xi32, #tpu.memory_space<vmem>>
        %dma_wait3A_197 = tpu.memref_squeeze %dma_wait3A_196 : memref<1x80xi32, #tpu.memory_space<vmem>> -> memref<80xi32, #tpu.memory_space<vmem>>
        %dma_wait3A_198 = arith.constant 0 : i32
        %dma_wait3A_199 = arith.constant 0 : i32
        %dma_wait3A_200 = tpu.memref_slice %arg12[%dma_wait3A_198, %dma_wait3A_199] : memref<10000x40xf32, #tpu.memory_space<vmem_shared>> -> memref<10000x40xf32, #tpu.memory_space<vmem_shared>>
        tpu.wait_indirect_dma semaphore(%arg17 : memref<!tpu.dma_semaphore, #tpu.memory_space<semaphore_mem>>) src(%arg7 : memref<80x40xf32, #tpu.memory_space<vmem>>) dst(%dma_wait3A_200 : memref<10000x40xf32, #tpu.memory_space<vmem_shared>>)
        %add3A_201 = arith.constant 2 : i32
        %add3A_202 = arith.addi %add3A_149, %add3A_201 : i32
        %dma_start3A_203 = arith.constant 0 : i32
        %dma_start3A_204 = tpu.memref_slice %arg5[%add3A_202, %dma_start3A_203] : memref<125x80xi32, #tpu.memory_space<vmem>> -> memref<1x80xi32, #tpu.memory_space<vmem>>
        %dma_start3A_205 = tpu.memref_squeeze %dma_start3A_204 : memref<1x80xi32, #tpu.memory_space<vmem>> -> memref<80xi32, #tpu.memory_space<vmem>>
        %dma_start3A_206 = arith.constant 0 : i32
        %dma_start3A_207 = arith.constant 0 : i32
        %dma_start3A_208 = tpu.memref_slice %arg22[%dma_start3A_206, %dma_start3A_207] : memref<10000x40xf32, #tpu.memory_space<vmem_shared>> -> memref<10000x40xf32, #tpu.memory_space<vmem_shared>>
        tpu.enqueue_indirect_dma source(%dma_start3A_208 : memref<10000x40xf32, #tpu.memory_space<vmem_shared>>) target(%arg7 : memref<80x40xf32, #tpu.memory_space<vmem>>) offsets(%dma_start3A_205 : memref<80xi32, #tpu.memory_space<vmem>>) semaphore(%arg13 : memref<!tpu.dma_semaphore, #tpu.memory_space<semaphore_mem>>)
      } else {
      }
      %mul3A_170 = arith.constant 4 : i32
      %mul3A_171 = arith.muli %mul3A_170, %scan3A_100 : i32
      %add3A_172 = arith.constant 3 : i32
      %add3A_173 = arith.addi %mul3A_171, %add3A_172 : i32
      %dma_wait3A_174 = arith.constant 0 : i32
      %dma_wait3A_175 = tpu.memref_slice %arg5[%add3A_173, %dma_wait3A_174] : memref<125x80xi32, #tpu.memory_space<vmem>> -> memref<1x80xi32, #tpu.memory_space<vmem>>
      %dma_wait3A_176 = tpu.memref_squeeze %dma_wait3A_175 : memref<1x80xi32, #tpu.memory_space<vmem>> -> memref<80xi32, #tpu.memory_space<vmem>>
      %dma_wait3A_177 = arith.constant 0 : i32
      %dma_wait3A_178 = arith.constant 0 : i32
      %dma_wait3A_179 = tpu.memref_slice %arg22[%dma_wait3A_177, %dma_wait3A_178] : memref<10000x40xf32, #tpu.memory_space<vmem_shared>> -> memref<10000x40xf32, #tpu.memory_space<vmem_shared>>
      tpu.wait_indirect_dma semaphore(%arg16 : memref<!tpu.dma_semaphore, #tpu.memory_space<semaphore_mem>>) src(%dma_wait3A_179 : memref<10000x40xf32, #tpu.memory_space<vmem_shared>>) dst(%arg10 : memref<80x40xf32, #tpu.memory_space<vmem>>)
      %dma_start3A_180 = arith.constant 0 : i32
      %dma_start3A_181 = tpu.memref_slice %arg6[%add3A_173, %dma_start3A_180] : memref<125x80xi32, #tpu.memory_space<vmem>> -> memref<1x80xi32, #tpu.memory_space<vmem>>
      %dma_start3A_182 = tpu.memref_squeeze %dma_start3A_181 : memref<1x80xi32, #tpu.memory_space<vmem>> -> memref<80xi32, #tpu.memory_space<vmem>>
      %dma_start3A_183 = arith.constant 0 : i32
      %dma_start3A_184 = arith.constant 0 : i32
      %dma_start3A_185 = tpu.memref_slice %arg12[%dma_start3A_183, %dma_start3A_184] : memref<10000x40xf32, #tpu.memory_space<vmem_shared>> -> memref<10000x40xf32, #tpu.memory_space<vmem_shared>>
      tpu.enqueue_indirect_dma source(%arg10 : memref<80x40xf32, #tpu.memory_space<vmem>>) target(%dma_start3A_185 : memref<10000x40xf32, #tpu.memory_space<vmem_shared>>) offsets(%dma_start3A_182 : memref<80xi32, #tpu.memory_space<vmem>>) semaphore(%arg20 : memref<!tpu.dma_semaphore, #tpu.memory_space<semaphore_mem>>) {add = true}
      %ge3A_186 = arith.constant 2 : i32
      %ge3A_187 = arith.cmpi sge, %add3A_173, %ge3A_186 : i32
      %le3A_188 = arith.constant 122 : i32
      %le3A_189 = arith.cmpi sle, %add3A_173, %le3A_188 : i32
      %and3A_190 = arith.andi %ge3A_187, %le3A_189 : i1
      %convert_element_type3A_191 = arith.extui %and3A_190 : i1 to i32
      %cond3A_192 = arith.constant 0 : i32
      %cond3A_193 = arith.cmpi ne, %convert_element_type3A_191, %cond3A_192 : i32
      scf.if %cond3A_193 {
        %sub3A = arith.constant 2 : i32
        %sub3A_194 = arith.subi %add3A_173, %sub3A : i32
        %dma_wait3A_195 = arith.constant 0 : i32
        %dma_wait3A_196 = tpu.memref_slice %arg6[%sub3A_194, %dma_wait3A_195] : memref<125x80xi32, #tpu.memory_space<vmem>> -> memref<1x80xi32, #tpu.memory_space<vmem>>
        %dma_wait3A_197 = tpu.memref_squeeze %dma_wait3A_196 : memref<1x80xi32, #tpu.memory_space<vmem>> -> memref<80xi32, #tpu.memory_space<vmem>>
        %dma_wait3A_198 = arith.constant 0 : i32
        %dma_wait3A_199 = arith.constant 0 : i32
        %dma_wait3A_200 = tpu.memref_slice %arg12[%dma_wait3A_198, %dma_wait3A_199] : memref<10000x40xf32, #tpu.memory_space<vmem_shared>> -> memref<10000x40xf32, #tpu.memory_space<vmem_shared>>
        tpu.wait_indirect_dma semaphore(%arg18 : memref<!tpu.dma_semaphore, #tpu.memory_space<semaphore_mem>>) src(%arg8 : memref<80x40xf32, #tpu.memory_space<vmem>>) dst(%dma_wait3A_200 : memref<10000x40xf32, #tpu.memory_space<vmem_shared>>)
        %add3A_201 = arith.constant 2 : i32
        %add3A_202 = arith.addi %add3A_173, %add3A_201 : i32
        %dma_start3A_203 = arith.constant 0 : i32
        %dma_start3A_204 = tpu.memref_slice %arg5[%add3A_202, %dma_start3A_203] : memref<125x80xi32, #tpu.memory_space<vmem>> -> memref<1x80xi32, #tpu.memory_space<vmem>>
        %dma_start3A_205 = tpu.memref_squeeze %dma_start3A_204 : memref<1x80xi32, #tpu.memory_space<vmem>> -> memref<80xi32, #tpu.memory_space<vmem>>
        %dma_start3A_206 = arith.constant 0 : i32
        %dma_start3A_207 = arith.constant 0 : i32
        %dma_start3A_208 = tpu.memref_slice %arg22[%dma_start3A_206, %dma_start3A_207] : memref<10000x40xf32, #tpu.memory_space<vmem_shared>> -> memref<10000x40xf32, #tpu.memory_space<vmem_shared>>
        tpu.enqueue_indirect_dma source(%dma_start3A_208 : memref<10000x40xf32, #tpu.memory_space<vmem_shared>>) target(%arg8 : memref<80x40xf32, #tpu.memory_space<vmem>>) offsets(%dma_start3A_205 : memref<80xi32, #tpu.memory_space<vmem>>) semaphore(%arg14 : memref<!tpu.dma_semaphore, #tpu.memory_space<semaphore_mem>>)
      } else {
      }
    }
    %scan3A_47 = arith.constant 31 : i32
    %dma_wait3A = arith.constant 124 : i32
    %dma_wait3A_48 = arith.constant 0 : i32
    %dma_wait3A_49 = tpu.memref_slice %arg5[%dma_wait3A, %dma_wait3A_48] : memref<125x80xi32, #tpu.memory_space<vmem>> -> memref<1x80xi32, #tpu.memory_space<vmem>>
    %dma_wait3A_50 = tpu.memref_squeeze %dma_wait3A_49 : memref<1x80xi32, #tpu.memory_space<vmem>> -> memref<80xi32, #tpu.memory_space<vmem>>
    %dma_wait3A_51 = arith.constant 0 : i32
    %dma_wait3A_52 = arith.constant 0 : i32
    %dma_wait3A_53 = tpu.memref_slice %arg22[%dma_wait3A_51, %dma_wait3A_52] : memref<10000x40xf32, #tpu.memory_space<vmem_shared>> -> memref<10000x40xf32, #tpu.memory_space<vmem_shared>>
    tpu.wait_indirect_dma semaphore(%arg13 : memref<!tpu.dma_semaphore, #tpu.memory_space<semaphore_mem>>) src(%dma_wait3A_53 : memref<10000x40xf32, #tpu.memory_space<vmem_shared>>) dst(%arg7 : memref<80x40xf32, #tpu.memory_space<vmem>>)
    %dma_start3A_54 = arith.constant 124 : i32
    %dma_start3A_55 = arith.constant 0 : i32
    %dma_start3A_56 = tpu.memref_slice %arg6[%dma_start3A_54, %dma_start3A_55] : memref<125x80xi32, #tpu.memory_space<vmem>> -> memref<1x80xi32, #tpu.memory_space<vmem>>
    %dma_start3A_57 = tpu.memref_squeeze %dma_start3A_56 : memref<1x80xi32, #tpu.memory_space<vmem>> -> memref<80xi32, #tpu.memory_space<vmem>>
    %dma_start3A_58 = arith.constant 0 : i32
    %dma_start3A_59 = arith.constant 0 : i32
    %dma_start3A_60 = tpu.memref_slice %arg12[%dma_start3A_58, %dma_start3A_59] : memref<10000x40xf32, #tpu.memory_space<vmem_shared>> -> memref<10000x40xf32, #tpu.memory_space<vmem_shared>>
    tpu.enqueue_indirect_dma source(%arg7 : memref<80x40xf32, #tpu.memory_space<vmem>>) target(%dma_start3A_60 : memref<10000x40xf32, #tpu.memory_space<vmem_shared>>) offsets(%dma_start3A_57 : memref<80xi32, #tpu.memory_space<vmem>>) semaphore(%arg17 : memref<!tpu.dma_semaphore, #tpu.memory_space<semaphore_mem>>) {add = true}
    %dma_wait3A_61 = arith.constant 0 : i32
    %dma_wait3A_62 = arith.constant 0 : i32
    %dma_wait3A_63 = tpu.memref_slice %arg6[%dma_wait3A_61, %dma_wait3A_62] : memref<125x80xi32, #tpu.memory_space<vmem>> -> memref<1x80xi32, #tpu.memory_space<vmem>>
    %dma_wait3A_64 = tpu.memref_squeeze %dma_wait3A_63 : memref<1x80xi32, #tpu.memory_space<vmem>> -> memref<80xi32, #tpu.memory_space<vmem>>
    %dma_wait3A_65 = arith.constant 0 : i32
    %dma_wait3A_66 = arith.constant 0 : i32
    %dma_wait3A_67 = tpu.memref_slice %arg12[%dma_wait3A_65, %dma_wait3A_66] : memref<10000x40xf32, #tpu.memory_space<vmem_shared>> -> memref<10000x40xf32, #tpu.memory_space<vmem_shared>>
    tpu.wait_indirect_dma semaphore(%arg17 : memref<!tpu.dma_semaphore, #tpu.memory_space<semaphore_mem>>) src(%arg7 : memref<80x40xf32, #tpu.memory_space<vmem>>) dst(%dma_wait3A_67 : memref<10000x40xf32, #tpu.memory_space<vmem_shared>>)
    %dma_wait3A_68 = arith.constant 0 : i32
    %dma_wait3A_69 = arith.constant 0 : i32
    %dma_wait3A_70 = tpu.memref_slice %arg6[%dma_wait3A_68, %dma_wait3A_69] : memref<125x80xi32, #tpu.memory_space<vmem>> -> memref<1x80xi32, #tpu.memory_space<vmem>>
    %dma_wait3A_71 = tpu.memref_squeeze %dma_wait3A_70 : memref<1x80xi32, #tpu.memory_space<vmem>> -> memref<80xi32, #tpu.memory_space<vmem>>
    %dma_wait3A_72 = arith.constant 0 : i32
    %dma_wait3A_73 = arith.constant 0 : i32
    %dma_wait3A_74 = tpu.memref_slice %arg12[%dma_wait3A_72, %dma_wait3A_73] : memref<10000x40xf32, #tpu.memory_space<vmem_shared>> -> memref<10000x40xf32, #tpu.memory_space<vmem_shared>>
    tpu.wait_indirect_dma semaphore(%arg18 : memref<!tpu.dma_semaphore, #tpu.memory_space<semaphore_mem>>) src(%arg8 : memref<80x40xf32, #tpu.memory_space<vmem>>) dst(%dma_wait3A_74 : memref<10000x40xf32, #tpu.memory_space<vmem_shared>>)
    %dma_wait3A_75 = arith.constant 0 : i32
    %dma_wait3A_76 = arith.constant 0 : i32
    %dma_wait3A_77 = tpu.memref_slice %arg6[%dma_wait3A_75, %dma_wait3A_76] : memref<125x80xi32, #tpu.memory_space<vmem>> -> memref<1x80xi32, #tpu.memory_space<vmem>>
    %dma_wait3A_78 = tpu.memref_squeeze %dma_wait3A_77 : memref<1x80xi32, #tpu.memory_space<vmem>> -> memref<80xi32, #tpu.memory_space<vmem>>
    %dma_wait3A_79 = arith.constant 0 : i32
    %dma_wait3A_80 = arith.constant 0 : i32
    %dma_wait3A_81 = tpu.memref_slice %arg12[%dma_wait3A_79, %dma_wait3A_80] : memref<10000x40xf32, #tpu.memory_space<vmem_shared>> -> memref<10000x40xf32, #tpu.memory_space<vmem_shared>>
    tpu.wait_indirect_dma semaphore(%arg19 : memref<!tpu.dma_semaphore, #tpu.memory_space<semaphore_mem>>) src(%arg9 : memref<80x40xf32, #tpu.memory_space<vmem>>) dst(%dma_wait3A_81 : memref<10000x40xf32, #tpu.memory_space<vmem_shared>>)
    %dma_wait3A_82 = arith.constant 0 : i32
    %dma_wait3A_83 = arith.constant 0 : i32
    %dma_wait3A_84 = tpu.memref_slice %arg6[%dma_wait3A_82, %dma_wait3A_83] : memref<125x80xi32, #tpu.memory_space<vmem>> -> memref<1x80xi32, #tpu.memory_space<vmem>>
    %dma_wait3A_85 = tpu.memref_squeeze %dma_wait3A_84 : memref<1x80xi32, #tpu.memory_space<vmem>> -> memref<80xi32, #tpu.memory_space<vmem>>
    %dma_wait3A_86 = arith.constant 0 : i32
    %dma_wait3A_87 = arith.constant 0 : i32
    %dma_wait3A_88 = tpu.memref_slice %arg12[%dma_wait3A_86, %dma_wait3A_87] : memref<10000x40xf32, #tpu.memory_space<vmem_shared>> -> memref<10000x40xf32, #tpu.memory_space<vmem_shared>>
    tpu.wait_indirect_dma semaphore(%arg20 : memref<!tpu.dma_semaphore, #tpu.memory_space<semaphore_mem>>) src(%arg10 : memref<80x40xf32, #tpu.memory_space<vmem>>) dst(%dma_wait3A_88 : memref<10000x40xf32, #tpu.memory_space<vmem_shared>>)
    %barrier3A_89 = arith.constant 0 : index
    tpu.barrier barrier_id(%barrier3A_89)
    %lt3A_90 = arith.constant 15 : i32
    %lt3A_91 = arith.cmpi slt, %arg1, %lt3A_90 : i32
    %convert_element_type3A_92 = arith.extui %lt3A_91 : i1 to i32
    %cond3A_93 = arith.constant 0 : i32
    %cond3A_94 = arith.cmpi ne, %convert_element_type3A_92, %cond3A_93 : i32
    scf.if %cond3A_94 {
      %mul3A_100 = arith.constant 632 : i32
      %mul3A_101 = arith.muli %arg1, %mul3A_100 : i32
      "tpu.region"() ({
        %run_scoped3A = tpu.sem_alloc : memref<!tpu.dma_semaphore, #tpu.memory_space<semaphore_mem>>
        %dma_start3A_104 = arith.constant 0 : i32
        %dma_start3A_105 = tpu.memref_slice %arg12[%mul3A_101, %dma_start3A_104] : memref<10000x40xf32, #tpu.memory_space<vmem_shared>> -> memref<632x40xf32, #tpu.memory_space<vmem_shared>>
        %dma_start3A_106 = arith.constant 0 : i32
        %dma_start3A_107 = tpu.memref_slice %arg12[%mul3A_101, %dma_start3A_106] : memref<10000x40xf32, #tpu.memory_space<vmem_shared>> -> memref<632x40xf32, #tpu.memory_space<vmem_shared>>
        tpu.enqueue_dma source(%dma_start3A_107 : memref<632x40xf32, #tpu.memory_space<vmem_shared>>) target(%arg11 : memref<632x40xf32, #tpu.memory_space<vmem>>) target_semaphore(%run_scoped3A : memref<!tpu.dma_semaphore, #tpu.memory_space<semaphore_mem>>)
        %dma_wait3A_108 = arith.constant 0 : i32
        %dma_wait3A_109 = tpu.memref_slice %arg12[%mul3A_101, %dma_wait3A_108] : memref<10000x40xf32, #tpu.memory_space<vmem_shared>> -> memref<632x40xf32, #tpu.memory_space<vmem_shared>>
        %dma_wait3A_110 = arith.constant 0 : i32
        %dma_wait3A_111 = tpu.memref_slice %arg12[%mul3A_101, %dma_wait3A_110] : memref<10000x40xf32, #tpu.memory_space<vmem_shared>> -> memref<632x40xf32, #tpu.memory_space<vmem_shared>>
        tpu.wait_dma2 semaphore(%run_scoped3A : memref<!tpu.dma_semaphore, #tpu.memory_space<semaphore_mem>>) src(%dma_wait3A_111 : memref<632x40xf32, #tpu.memory_space<vmem_shared>>) dst(%arg11 : memref<632x40xf32, #tpu.memory_space<vmem>>)
        tpu.yield
      }) : () -> ()
      %mul3A_102 = arith.constant 632 : i32
      %mul3A_103 = arith.muli %arg1, %mul3A_102 : i32
      "tpu.region"() ({
        %run_scoped3A = tpu.sem_alloc : memref<!tpu.dma_semaphore, #tpu.memory_space<semaphore_mem>>
        %dma_start3A_104 = arith.constant 0 : i32
        %dma_start3A_105 = tpu.memref_slice %arg4[%arg0, %mul3A_103, %dma_start3A_104] : memref<2x10000x40xf32, #tpu.memory_space<hbm>> -> memref<1x632x40xf32, #tpu.memory_space<hbm>>
        %dma_start3A_106 = tpu.memref_squeeze %dma_start3A_105 : memref<1x632x40xf32, #tpu.memory_space<hbm>> -> memref<632x40xf32, #tpu.memory_space<hbm>>
        %dma_start3A_107 = arith.constant 0 : i32
        %dma_start3A_108 = tpu.memref_slice %arg4[%arg0, %mul3A_103, %dma_start3A_107] : memref<2x10000x40xf32, #tpu.memory_space<hbm>> -> memref<1x632x40xf32, #tpu.memory_space<hbm>>
        %dma_start3A_109 = tpu.memref_squeeze %dma_start3A_108 : memref<1x632x40xf32, #tpu.memory_space<hbm>> -> memref<632x40xf32, #tpu.memory_space<hbm>>
        tpu.enqueue_dma source(%arg11 : memref<632x40xf32, #tpu.memory_space<vmem>>) target(%dma_start3A_109 : memref<632x40xf32, #tpu.memory_space<hbm>>) target_semaphore(%run_scoped3A : memref<!tpu.dma_semaphore, #tpu.memory_space<semaphore_mem>>)
        %dma_wait3A_110 = arith.constant 0 : i32
        %dma_wait3A_111 = tpu.memref_slice %arg4[%arg0, %mul3A_103, %dma_wait3A_110] : memref<2x10000x40xf32, #tpu.memory_space<hbm>> -> memref<1x632x40xf32, #tpu.memory_space<hbm>>
        %dma_wait3A_112 = tpu.memref_squeeze %dma_wait3A_111 : memref<1x632x40xf32, #tpu.memory_space<hbm>> -> memref<632x40xf32, #tpu.memory_space<hbm>>
        %dma_wait3A_113 = arith.constant 0 : i32
        %dma_wait3A_114 = tpu.memref_slice %arg4[%arg0, %mul3A_103, %dma_wait3A_113] : memref<2x10000x40xf32, #tpu.memory_space<hbm>> -> memref<1x632x40xf32, #tpu.memory_space<hbm>>
        %dma_wait3A_115 = tpu.memref_squeeze %dma_wait3A_114 : memref<1x632x40xf32, #tpu.memory_space<hbm>> -> memref<632x40xf32, #tpu.memory_space<hbm>>
        tpu.wait_dma2 semaphore(%run_scoped3A : memref<!tpu.dma_semaphore, #tpu.memory_space<semaphore_mem>>) src(%arg11 : memref<632x40xf32, #tpu.memory_space<vmem>>) dst(%dma_wait3A_115 : memref<632x40xf32, #tpu.memory_space<hbm>>)
        tpu.yield
      }) : () -> ()
    } else {
    }
    %eq3A_95 = arith.constant 15 : i32
    %eq3A_96 = arith.cmpi eq, %arg1, %eq3A_95 : i32
    %convert_element_type3A_97 = arith.extui %eq3A_96 : i1 to i32
    %cond3A_98 = arith.constant 0 : i32
    %cond3A_99 = arith.cmpi ne, %convert_element_type3A_97, %cond3A_98 : i32
    scf.if %cond3A_99 {
      "tpu.region"() ({
        %run_scoped3A = tpu.sem_alloc : memref<!tpu.dma_semaphore, #tpu.memory_space<semaphore_mem>>
        %dma_start3A_100 = arith.constant 0 : i32
        %dma_start3A_101 = arith.constant 0 : i32
        %dma_start3A_102 = tpu.memref_slice %arg11[%dma_start3A_100, %dma_start3A_101] : memref<632x40xf32, #tpu.memory_space<vmem>> -> memref<520x40xf32, #tpu.memory_space<vmem>>
        %dma_start3A_103 = arith.constant 9480 : i32
        %dma_start3A_104 = arith.constant 0 : i32
        %dma_start3A_105 = tpu.memref_slice %arg12[%dma_start3A_103, %dma_start3A_104] : memref<10000x40xf32, #tpu.memory_space<vmem_shared>> -> memref<520x40xf32, #tpu.memory_space<vmem_shared>>
        %dma_start3A_106 = arith.constant 0 : i32
        %dma_start3A_107 = arith.constant 0 : i32
        %dma_start3A_108 = tpu.memref_slice %arg11[%dma_start3A_106, %dma_start3A_107] : memref<632x40xf32, #tpu.memory_space<vmem>> -> memref<520x40xf32, #tpu.memory_space<vmem>>
        %dma_start3A_109 = arith.constant 9480 : i32
        %dma_start3A_110 = arith.constant 0 : i32
        %dma_start3A_111 = tpu.memref_slice %arg12[%dma_start3A_109, %dma_start3A_110] : memref<10000x40xf32, #tpu.memory_space<vmem_shared>> -> memref<520x40xf32, #tpu.memory_space<vmem_shared>>
        tpu.enqueue_dma source(%dma_start3A_111 : memref<520x40xf32, #tpu.memory_space<vmem_shared>>) target(%dma_start3A_108 : memref<520x40xf32, #tpu.memory_space<vmem>>) target_semaphore(%run_scoped3A : memref<!tpu.dma_semaphore, #tpu.memory_space<semaphore_mem>>)
        %dma_wait3A_112 = arith.constant 0 : i32
        %dma_wait3A_113 = arith.constant 0 : i32
        %dma_wait3A_114 = tpu.memref_slice %arg11[%dma_wait3A_112, %dma_wait3A_113] : memref<632x40xf32, #tpu.memory_space<vmem>> -> memref<520x40xf32, #tpu.memory_space<vmem>>
        %dma_wait3A_115 = arith.constant 9480 : i32
        %dma_wait3A_116 = arith.constant 0 : i32
        %dma_wait3A_117 = tpu.memref_slice %arg12[%dma_wait3A_115, %dma_wait3A_116] : memref<10000x40xf32, #tpu.memory_space<vmem_shared>> -> memref<520x40xf32, #tpu.memory_space<vmem_shared>>
        %dma_wait3A_118 = arith.constant 0 : i32
        %dma_wait3A_119 = arith.constant 0 : i32
        %dma_wait3A_120 = tpu.memref_slice %arg11[%dma_wait3A_118, %dma_wait3A_119] : memref<632x40xf32, #tpu.memory_space<vmem>> -> memref<520x40xf32, #tpu.memory_space<vmem>>
        %dma_wait3A_121 = arith.constant 9480 : i32
        %dma_wait3A_122 = arith.constant 0 : i32
        %dma_wait3A_123 = tpu.memref_slice %arg12[%dma_wait3A_121, %dma_wait3A_122] : memref<10000x40xf32, #tpu.memory_space<vmem_shared>> -> memref<520x40xf32, #tpu.memory_space<vmem_shared>>
        tpu.wait_dma2 semaphore(%run_scoped3A : memref<!tpu.dma_semaphore, #tpu.memory_space<semaphore_mem>>) src(%dma_wait3A_123 : memref<520x40xf32, #tpu.memory_space<vmem_shared>>) dst(%dma_wait3A_120 : memref<520x40xf32, #tpu.memory_space<vmem>>)
        tpu.yield
      }) : () -> ()
      "tpu.region"() ({
        %run_scoped3A = tpu.sem_alloc : memref<!tpu.dma_semaphore, #tpu.memory_space<semaphore_mem>>
        %dma_start3A_100 = arith.constant 0 : i32
        %dma_start3A_101 = arith.constant 0 : i32
        %dma_start3A_102 = tpu.memref_slice %arg11[%dma_start3A_100, %dma_start3A_101] : memref<632x40xf32, #tpu.memory_space<vmem>> -> memref<520x40xf32, #tpu.memory_space<vmem>>
        %dma_start3A_103 = arith.constant 9480 : i32
        %dma_start3A_104 = arith.constant 0 : i32
        %dma_start3A_105 = tpu.memref_slice %arg4[%arg0, %dma_start3A_103, %dma_start3A_104] : memref<2x10000x40xf32, #tpu.memory_space<hbm>> -> memref<1x520x40xf32, #tpu.memory_space<hbm>>
        %dma_start3A_106 = tpu.memref_squeeze %dma_start3A_105 : memref<1x520x40xf32, #tpu.memory_space<hbm>> -> memref<520x40xf32, #tpu.memory_space<hbm>>
        %dma_start3A_107 = arith.constant 9480 : i32
        %dma_start3A_108 = arith.constant 0 : i32
        %dma_start3A_109 = tpu.memref_slice %arg4[%arg0, %dma_start3A_107, %dma_start3A_108] : memref<2x10000x40xf32, #tpu.memory_space<hbm>> -> memref<1x520x40xf32, #tpu.memory_space<hbm>>
        %dma_start3A_110 = tpu.memref_squeeze %dma_start3A_109 : memref<1x520x40xf32, #tpu.memory_space<hbm>> -> memref<520x40xf32, #tpu.memory_space<hbm>>
        %dma_start3A_111 = arith.constant 0 : i32
        %dma_start3A_112 = arith.constant 0 : i32
        %dma_start3A_113 = tpu.memref_slice %arg11[%dma_start3A_111, %dma_start3A_112] : memref<632x40xf32, #tpu.memory_space<vmem>> -> memref<520x40xf32, #tpu.memory_space<vmem>>
        tpu.enqueue_dma source(%dma_start3A_113 : memref<520x40xf32, #tpu.memory_space<vmem>>) target(%dma_start3A_110 : memref<520x40xf32, #tpu.memory_space<hbm>>) target_semaphore(%run_scoped3A : memref<!tpu.dma_semaphore, #tpu.memory_space<semaphore_mem>>)
        %dma_wait3A_114 = arith.constant 0 : i32
        %dma_wait3A_115 = arith.constant 0 : i32
        %dma_wait3A_116 = tpu.memref_slice %arg11[%dma_wait3A_114, %dma_wait3A_115] : memref<632x40xf32, #tpu.memory_space<vmem>> -> memref<520x40xf32, #tpu.memory_space<vmem>>
        %dma_wait3A_117 = arith.constant 9480 : i32
        %dma_wait3A_118 = arith.constant 0 : i32
        %dma_wait3A_119 = tpu.memref_slice %arg4[%arg0, %dma_wait3A_117, %dma_wait3A_118] : memref<2x10000x40xf32, #tpu.memory_space<hbm>> -> memref<1x520x40xf32, #tpu.memory_space<hbm>>
        %dma_wait3A_120 = tpu.memref_squeeze %dma_wait3A_119 : memref<1x520x40xf32, #tpu.memory_space<hbm>> -> memref<520x40xf32, #tpu.memory_space<hbm>>
        %dma_wait3A_121 = arith.constant 9480 : i32
        %dma_wait3A_122 = arith.constant 0 : i32
        %dma_wait3A_123 = tpu.memref_slice %arg4[%arg0, %dma_wait3A_121, %dma_wait3A_122] : memref<2x10000x40xf32, #tpu.memory_space<hbm>> -> memref<1x520x40xf32, #tpu.memory_space<hbm>>
        %dma_wait3A_124 = tpu.memref_squeeze %dma_wait3A_123 : memref<1x520x40xf32, #tpu.memory_space<hbm>> -> memref<520x40xf32, #tpu.memory_space<hbm>>
        %dma_wait3A_125 = arith.constant 0 : i32
        %dma_wait3A_126 = arith.constant 0 : i32
        %dma_wait3A_127 = tpu.memref_slice %arg11[%dma_wait3A_125, %dma_wait3A_126] : memref<632x40xf32, #tpu.memory_space<vmem>> -> memref<520x40xf32, #tpu.memory_space<vmem>>
        tpu.wait_dma2 semaphore(%run_scoped3A : memref<!tpu.dma_semaphore, #tpu.memory_space<semaphore_mem>>) src(%dma_wait3A_127 : memref<520x40xf32, #tpu.memory_space<vmem>>) dst(%dma_wait3A_124 : memref<520x40xf32, #tpu.memory_space<hbm>>)
        tpu.yield
      }) : () -> ()
    } else {
    }
    return
  }
}

#map = affine_map<(d0, d1) -> (0, 0)>
#map1 = affine_map<(d0, d1) -> (0)>
module attributes {stable_mosaic.version = 14 : i64} {
  func.func @_deg_kernel(%arg0: i32, %arg1: i32, %arg2: memref<2x320000xi32, #tpu.memory_space<hbm>>, %arg3: memref<10000xf32, #tpu.memory_space<hbm>>, %arg4: memref<10000xf32, #tpu.memory_space<hbm>>, %arg5: memref<125x80xi32, #tpu.memory_space<vmem>>, %arg6: memref<80xf32, #tpu.memory_space<vmem>>, %arg7: memref<1008xf32, #tpu.memory_space<vmem>>, %arg8: memref<10000xf32, #tpu.memory_space<vmem_shared>>, %arg9: memref<!tpu.dma_semaphore, #tpu.memory_space<semaphore_mem>>, %arg10: memref<!tpu.dma_semaphore, #tpu.memory_space<semaphore_mem>>) attributes {dimension_semantics = [#tpu.dimension_semantics<core_parallel>, #tpu.dimension_semantics<subcore_parallel>], iteration_bounds = array<i64: 2, 16>, scalar_prefetch = 0 : i64, scratch_operands = 6 : i64, tpu.core_type = #tpu.core_type<sc_vector_subcore>, window_params = [{transform_indices = #map}, {transform_indices = #map1}, {transform_indices = #map1}]} {
    %mul3A = arith.constant 16 : i32
    %mul3A_0 = arith.muli %arg0, %mul3A : i32
    %add3A = arith.addi %mul3A_0, %arg1 : i32
    %scan3A = arith.constant 0 : i32
    %scan3A_1 = arith.constant 125 : i32
    %scan3A_2 = arith.addi %scan3A, %scan3A_1 : i32
    %scan3A_3 = arith.constant 1 : i32
    scf.for %scan3A_38 = %scan3A to %scan3A_2 step %scan3A_3  : i32 {
      %mul3A_39 = arith.constant 10000 : i32
      %mul3A_40 = arith.muli %add3A, %mul3A_39 : i32
      %mul3A_41 = arith.constant 80 : i32
      %mul3A_42 = arith.muli %scan3A_38, %mul3A_41 : i32
      %add3A_43 = arith.addi %mul3A_40, %mul3A_42 : i32
      %dma_start3A = arith.constant 1 : i32
      %dma_start3A_44 = arith.constant 0 : i32
      %dma_start3A_45 = tpu.memref_slice %arg5[%scan3A_38, %dma_start3A_44] : memref<125x80xi32, #tpu.memory_space<vmem>> -> memref<1x80xi32, #tpu.memory_space<vmem>>
      %dma_start3A_46 = tpu.memref_squeeze %dma_start3A_45 : memref<1x80xi32, #tpu.memory_space<vmem>> -> memref<80xi32, #tpu.memory_space<vmem>>
      %dma_start3A_47 = tpu.memref_slice %arg2[%dma_start3A, %add3A_43] : memref<2x320000xi32, #tpu.memory_space<hbm>> -> memref<1x80xi32, #tpu.memory_space<hbm>>
      %dma_start3A_48 = tpu.memref_squeeze %dma_start3A_47 : memref<1x80xi32, #tpu.memory_space<hbm>> -> memref<80xi32, #tpu.memory_space<hbm>>
      %dma_start3A_49 = arith.constant 0 : i32
      %dma_start3A_50 = tpu.memref_slice %arg5[%scan3A_38, %dma_start3A_49] : memref<125x80xi32, #tpu.memory_space<vmem>> -> memref<1x80xi32, #tpu.memory_space<vmem>>
      %dma_start3A_51 = tpu.memref_squeeze %dma_start3A_50 : memref<1x80xi32, #tpu.memory_space<vmem>> -> memref<80xi32, #tpu.memory_space<vmem>>
      %dma_start3A_52 = tpu.memref_slice %arg2[%dma_start3A, %add3A_43] : memref<2x320000xi32, #tpu.memory_space<hbm>> -> memref<1x80xi32, #tpu.memory_space<hbm>>
      %dma_start3A_53 = tpu.memref_squeeze %dma_start3A_52 : memref<1x80xi32, #tpu.memory_space<hbm>> -> memref<80xi32, #tpu.memory_space<hbm>>
      tpu.enqueue_dma source(%dma_start3A_53 : memref<80xi32, #tpu.memory_space<hbm>>) target(%dma_start3A_51 : memref<80xi32, #tpu.memory_space<vmem>>) target_semaphore(%arg10 : memref<!tpu.dma_semaphore, #tpu.memory_space<semaphore_mem>>)
    }
    %scan3A_4 = arith.constant 125 : i32
    %scan3A_5 = arith.constant 0 : i32
    %scan3A_6 = arith.constant 125 : i32
    %scan3A_7 = arith.addi %scan3A_5, %scan3A_6 : i32
    %scan3A_8 = arith.constant 1 : i32
    scf.for %scan3A_38 = %scan3A_5 to %scan3A_7 step %scan3A_8  : i32 {
      %mul3A_39 = arith.constant 10000 : i32
      %mul3A_40 = arith.muli %add3A, %mul3A_39 : i32
      %mul3A_41 = arith.constant 80 : i32
      %mul3A_42 = arith.muli %scan3A_38, %mul3A_41 : i32
      %add3A_43 = arith.addi %mul3A_40, %mul3A_42 : i32
      %dma_wait3A = arith.constant 1 : i32
      %dma_wait3A_44 = arith.constant 0 : i32
      %dma_wait3A_45 = tpu.memref_slice %arg5[%scan3A_38, %dma_wait3A_44] : memref<125x80xi32, #tpu.memory_space<vmem>> -> memref<1x80xi32, #tpu.memory_space<vmem>>
      %dma_wait3A_46 = tpu.memref_squeeze %dma_wait3A_45 : memref<1x80xi32, #tpu.memory_space<vmem>> -> memref<80xi32, #tpu.memory_space<vmem>>
      %dma_wait3A_47 = tpu.memref_slice %arg2[%dma_wait3A, %add3A_43] : memref<2x320000xi32, #tpu.memory_space<hbm>> -> memref<1x80xi32, #tpu.memory_space<hbm>>
      %dma_wait3A_48 = tpu.memref_squeeze %dma_wait3A_47 : memref<1x80xi32, #tpu.memory_space<hbm>> -> memref<80xi32, #tpu.memory_space<hbm>>
      %dma_wait3A_49 = arith.constant 0 : i32
      %dma_wait3A_50 = tpu.memref_slice %arg5[%scan3A_38, %dma_wait3A_49] : memref<125x80xi32, #tpu.memory_space<vmem>> -> memref<1x80xi32, #tpu.memory_space<vmem>>
      %dma_wait3A_51 = tpu.memref_squeeze %dma_wait3A_50 : memref<1x80xi32, #tpu.memory_space<vmem>> -> memref<80xi32, #tpu.memory_space<vmem>>
      %dma_wait3A_52 = tpu.memref_slice %arg2[%dma_wait3A, %add3A_43] : memref<2x320000xi32, #tpu.memory_space<hbm>> -> memref<1x80xi32, #tpu.memory_space<hbm>>
      %dma_wait3A_53 = tpu.memref_squeeze %dma_wait3A_52 : memref<1x80xi32, #tpu.memory_space<hbm>> -> memref<80xi32, #tpu.memory_space<hbm>>
      tpu.wait_dma2 semaphore(%arg10 : memref<!tpu.dma_semaphore, #tpu.memory_space<semaphore_mem>>) src(%dma_wait3A_53 : memref<80xi32, #tpu.memory_space<hbm>>) dst(%dma_wait3A_51 : memref<80xi32, #tpu.memory_space<vmem>>)
    }
    %scan3A_9 = arith.constant 125 : i32
    %scan3A_10 = arith.constant 0 : i32
    %scan3A_11 = arith.constant 5 : i32
    %scan3A_12 = arith.addi %scan3A_10, %scan3A_11 : i32
    %scan3A_13 = arith.constant 1 : i32
    scf.for %scan3A_38 = %scan3A_10 to %scan3A_12 step %scan3A_13  : i32 {
      %broadcast_in_dim3A = arith.constant 1.000000e+00 : f32
      %broadcast_in_dim3A_39 = vector.broadcast %broadcast_in_dim3A : f32 to vector<16xf32>
      %mul3A_40 = arith.constant 16 : i32
      %mul3A_41 = arith.muli %scan3A_38, %mul3A_40 : i32
      %swap3A = arith.index_cast %mul3A_41 : i32 to index
      %swap3A_42 = tpu.vector_load %arg6[%swap3A] {strides = array<i32>} : memref<80xf32, #tpu.memory_space<vmem>>, vector<16xf32>,
      %swap3A_43 = vector.shape_cast %swap3A_42 : vector<16xf32> to vector<16xf32>
      %swap3A_44 = vector.shape_cast %broadcast_in_dim3A_39 : vector<16xf32> to vector<16xf32>
      tpu.vector_store %arg6[%swap3A], %swap3A_44 {strides = array<i32>} : memref<80xf32, #tpu.memory_space<vmem>>, vector<16xf32>,
    }
    %scan3A_14 = arith.constant 5 : i32
    %scan3A_15 = arith.constant 0 : i32
    %scan3A_16 = arith.constant 63 : i32
    %scan3A_17 = arith.addi %scan3A_15, %scan3A_16 : i32
    %scan3A_18 = arith.constant 1 : i32
    scf.for %scan3A_38 = %scan3A_15 to %scan3A_17 step %scan3A_18  : i32 {
      %broadcast_in_dim3A = arith.constant 0.000000e+00 : f32
      %broadcast_in_dim3A_39 = vector.broadcast %broadcast_in_dim3A : f32 to vector<16xf32>
      %mul3A_40 = arith.constant 16 : i32
      %mul3A_41 = arith.muli %scan3A_38, %mul3A_40 : i32
      %swap3A = arith.index_cast %mul3A_41 : i32 to index
      %swap3A_42 = tpu.vector_load %arg7[%swap3A] {strides = array<i32>} : memref<1008xf32, #tpu.memory_space<vmem>>, vector<16xf32>,
      %swap3A_43 = vector.shape_cast %swap3A_42 : vector<16xf32> to vector<16xf32>
      %swap3A_44 = vector.shape_cast %broadcast_in_dim3A_39 : vector<16xf32> to vector<16xf32>
      tpu.vector_store %arg7[%swap3A], %swap3A_44 {strides = array<i32>} : memref<1008xf32, #tpu.memory_space<vmem>>, vector<16xf32>,
    }
    %scan3A_19 = arith.constant 63 : i32
    %lt3A = arith.constant 10 : i32
    %lt3A_20 = arith.cmpi slt, %arg1, %lt3A : i32
    %convert_element_type3A = arith.extui %lt3A_20 : i1 to i32
    %cond3A = arith.constant 0 : i32
    %cond3A_21 = arith.cmpi ne, %convert_element_type3A, %cond3A : i32
    scf.if %cond3A_21 {
      %mul3A_38 = arith.constant 1000 : i32
      %mul3A_39 = arith.muli %arg1, %mul3A_38 : i32
      "tpu.region"() ({
        %run_scoped3A = tpu.sem_alloc : memref<!tpu.dma_semaphore, #tpu.memory_space<semaphore_mem>>
        %dma_start3A = arith.constant 0 : i32
        %dma_start3A_40 = tpu.memref_slice %arg7[%dma_start3A] : memref<1008xf32, #tpu.memory_space<vmem>> -> memref<1000xf32, #tpu.memory_space<vmem>>
        %dma_start3A_41 = tpu.memref_slice %arg8[%mul3A_39] : memref<10000xf32, #tpu.memory_space<vmem_shared>> -> memref<1000xf32, #tpu.memory_space<vmem_shared>>
        %dma_start3A_42 = tpu.memref_slice %arg8[%mul3A_39] : memref<10000xf32, #tpu.memory_space<vmem_shared>> -> memref<1000xf32, #tpu.memory_space<vmem_shared>>
        %dma_start3A_43 = arith.constant 0 : i32
        %dma_start3A_44 = tpu.memref_slice %arg7[%dma_start3A_43] : memref<1008xf32, #tpu.memory_space<vmem>> -> memref<1000xf32, #tpu.memory_space<vmem>>
        tpu.enqueue_dma source(%dma_start3A_44 : memref<1000xf32, #tpu.memory_space<vmem>>) target(%dma_start3A_42 : memref<1000xf32, #tpu.memory_space<vmem_shared>>) target_semaphore(%run_scoped3A : memref<!tpu.dma_semaphore, #tpu.memory_space<semaphore_mem>>)
        %dma_wait3A = arith.constant 0 : i32
        %dma_wait3A_45 = tpu.memref_slice %arg7[%dma_wait3A] : memref<1008xf32, #tpu.memory_space<vmem>> -> memref<1000xf32, #tpu.memory_space<vmem>>
        %dma_wait3A_46 = tpu.memref_slice %arg8[%mul3A_39] : memref<10000xf32, #tpu.memory_space<vmem_shared>> -> memref<1000xf32, #tpu.memory_space<vmem_shared>>
        %dma_wait3A_47 = tpu.memref_slice %arg8[%mul3A_39] : memref<10000xf32, #tpu.memory_space<vmem_shared>> -> memref<1000xf32, #tpu.memory_space<vmem_shared>>
        %dma_wait3A_48 = arith.constant 0 : i32
        %dma_wait3A_49 = tpu.memref_slice %arg7[%dma_wait3A_48] : memref<1008xf32, #tpu.memory_space<vmem>> -> memref<1000xf32, #tpu.memory_space<vmem>>
        tpu.wait_dma2 semaphore(%run_scoped3A : memref<!tpu.dma_semaphore, #tpu.memory_space<semaphore_mem>>) src(%dma_wait3A_49 : memref<1000xf32, #tpu.memory_space<vmem>>) dst(%dma_wait3A_47 : memref<1000xf32, #tpu.memory_space<vmem_shared>>)
        tpu.yield
      }) : () -> ()
    } else {
    }
    %barrier3A = arith.constant 0 : index
    tpu.barrier barrier_id(%barrier3A)
    %scan3A_22 = arith.constant 0 : i32
    %scan3A_23 = arith.constant 125 : i32
    %scan3A_24 = arith.addi %scan3A_22, %scan3A_23 : i32
    %scan3A_25 = arith.constant 1 : i32
    scf.for %scan3A_38 = %scan3A_22 to %scan3A_24 step %scan3A_25  : i32 {
      %dma_start3A = arith.constant 0 : i32
      %dma_start3A_39 = tpu.memref_slice %arg5[%scan3A_38, %dma_start3A] : memref<125x80xi32, #tpu.memory_space<vmem>> -> memref<1x80xi32, #tpu.memory_space<vmem>>
      %dma_start3A_40 = tpu.memref_squeeze %dma_start3A_39 : memref<1x80xi32, #tpu.memory_space<vmem>> -> memref<80xi32, #tpu.memory_space<vmem>>
      %dma_start3A_41 = arith.constant 0 : i32
      %dma_start3A_42 = tpu.memref_slice %arg8[%dma_start3A_41] : memref<10000xf32, #tpu.memory_space<vmem_shared>> -> memref<10000xf32, #tpu.memory_space<vmem_shared>>
      tpu.enqueue_indirect_dma source(%arg6 : memref<80xf32, #tpu.memory_space<vmem>>) target(%dma_start3A_42 : memref<10000xf32, #tpu.memory_space<vmem_shared>>) offsets(%dma_start3A_40 : memref<80xi32, #tpu.memory_space<vmem>>) semaphore(%arg9 : memref<!tpu.dma_semaphore, #tpu.memory_space<semaphore_mem>>) {add = true}
    }
    %scan3A_26 = arith.constant 125 : i32
    %scan3A_27 = arith.constant 0 : i32
    %scan3A_28 = arith.constant 125 : i32
    %scan3A_29 = arith.addi %scan3A_27, %scan3A_28 : i32
    %scan3A_30 = arith.constant 1 : i32
    scf.for %scan3A_38 = %scan3A_27 to %scan3A_29 step %scan3A_30  : i32 {
      %dma_wait3A = arith.constant 0 : i32
      %dma_wait3A_39 = tpu.memref_slice %arg5[%scan3A_38, %dma_wait3A] : memref<125x80xi32, #tpu.memory_space<vmem>> -> memref<1x80xi32, #tpu.memory_space<vmem>>
      %dma_wait3A_40 = tpu.memref_squeeze %dma_wait3A_39 : memref<1x80xi32, #tpu.memory_space<vmem>> -> memref<80xi32, #tpu.memory_space<vmem>>
      %dma_wait3A_41 = arith.constant 0 : i32
      %dma_wait3A_42 = tpu.memref_slice %arg8[%dma_wait3A_41] : memref<10000xf32, #tpu.memory_space<vmem_shared>> -> memref<10000xf32, #tpu.memory_space<vmem_shared>>
      tpu.wait_indirect_dma semaphore(%arg9 : memref<!tpu.dma_semaphore, #tpu.memory_space<semaphore_mem>>) src(%arg6 : memref<80xf32, #tpu.memory_space<vmem>>) dst(%dma_wait3A_42 : memref<10000xf32, #tpu.memory_space<vmem_shared>>)
    }
    %scan3A_31 = arith.constant 125 : i32
    %barrier3A_32 = arith.constant 0 : index
    tpu.barrier barrier_id(%barrier3A_32)
    %lt3A_33 = arith.constant 10 : i32
    %lt3A_34 = arith.cmpi slt, %arg1, %lt3A_33 : i32
    %convert_element_type3A_35 = arith.extui %lt3A_34 : i1 to i32
    %cond3A_36 = arith.constant 0 : i32
    %cond3A_37 = arith.cmpi ne, %convert_element_type3A_35, %cond3A_36 : i32
    scf.if %cond3A_37 {
      %mul3A_38 = arith.constant 1000 : i32
      %mul3A_39 = arith.muli %arg1, %mul3A_38 : i32
      "tpu.region"() ({
        %run_scoped3A = tpu.sem_alloc : memref<!tpu.dma_semaphore, #tpu.memory_space<semaphore_mem>>
        %dma_start3A = arith.constant 0 : i32
        %dma_start3A_49 = tpu.memref_slice %arg7[%dma_start3A] : memref<1008xf32, #tpu.memory_space<vmem>> -> memref<1000xf32, #tpu.memory_space<vmem>>
        %dma_start3A_50 = tpu.memref_slice %arg8[%mul3A_39] : memref<10000xf32, #tpu.memory_space<vmem_shared>> -> memref<1000xf32, #tpu.memory_space<vmem_shared>>
        %dma_start3A_51 = arith.constant 0 : i32
        %dma_start3A_52 = tpu.memref_slice %arg7[%dma_start3A_51] : memref<1008xf32, #tpu.memory_space<vmem>> -> memref<1000xf32, #tpu.memory_space<vmem>>
        %dma_start3A_53 = tpu.memref_slice %arg8[%mul3A_39] : memref<10000xf32, #tpu.memory_space<vmem_shared>> -> memref<1000xf32, #tpu.memory_space<vmem_shared>>
        tpu.enqueue_dma source(%dma_start3A_53 : memref<1000xf32, #tpu.memory_space<vmem_shared>>) target(%dma_start3A_52 : memref<1000xf32, #tpu.memory_space<vmem>>) target_semaphore(%run_scoped3A : memref<!tpu.dma_semaphore, #tpu.memory_space<semaphore_mem>>)
        %dma_wait3A = arith.constant 0 : i32
        %dma_wait3A_54 = tpu.memref_slice %arg7[%dma_wait3A] : memref<1008xf32, #tpu.memory_space<vmem>> -> memref<1000xf32, #tpu.memory_space<vmem>>
        %dma_wait3A_55 = tpu.memref_slice %arg8[%mul3A_39] : memref<10000xf32, #tpu.memory_space<vmem_shared>> -> memref<1000xf32, #tpu.memory_space<vmem_shared>>
        %dma_wait3A_56 = arith.constant 0 : i32
        %dma_wait3A_57 = tpu.memref_slice %arg7[%dma_wait3A_56] : memref<1008xf32, #tpu.memory_space<vmem>> -> memref<1000xf32, #tpu.memory_space<vmem>>
        %dma_wait3A_58 = tpu.memref_slice %arg8[%mul3A_39] : memref<10000xf32, #tpu.memory_space<vmem_shared>> -> memref<1000xf32, #tpu.memory_space<vmem_shared>>
        tpu.wait_dma2 semaphore(%run_scoped3A : memref<!tpu.dma_semaphore, #tpu.memory_space<semaphore_mem>>) src(%dma_wait3A_58 : memref<1000xf32, #tpu.memory_space<vmem_shared>>) dst(%dma_wait3A_57 : memref<1000xf32, #tpu.memory_space<vmem>>)
        tpu.yield
      }) : () -> ()
      %eq3A = arith.constant 0 : i32
      %eq3A_40 = arith.cmpi eq, %arg0, %eq3A : i32
      %convert_element_type3A_41 = arith.extui %eq3A_40 : i1 to i32
      %cond3A_42 = arith.constant 0 : i32
      %cond3A_43 = arith.cmpi ne, %convert_element_type3A_41, %cond3A_42 : i32
      scf.if %cond3A_43 {
        %mul3A_49 = arith.constant 1000 : i32
        %mul3A_50 = arith.muli %arg1, %mul3A_49 : i32
        "tpu.region"() ({
          %run_scoped3A = tpu.sem_alloc : memref<!tpu.dma_semaphore, #tpu.memory_space<semaphore_mem>>
          %dma_start3A = arith.constant 0 : i32
          %dma_start3A_51 = tpu.memref_slice %arg7[%dma_start3A] : memref<1008xf32, #tpu.memory_space<vmem>> -> memref<1000xf32, #tpu.memory_space<vmem>>
          %dma_start3A_52 = tpu.memref_slice %arg3[%mul3A_50] : memref<10000xf32, #tpu.memory_space<hbm>> -> memref<1000xf32, #tpu.memory_space<hbm>>
          %dma_start3A_53 = tpu.memref_slice %arg3[%mul3A_50] : memref<10000xf32, #tpu.memory_space<hbm>> -> memref<1000xf32, #tpu.memory_space<hbm>>
          %dma_start3A_54 = arith.constant 0 : i32
          %dma_start3A_55 = tpu.memref_slice %arg7[%dma_start3A_54] : memref<1008xf32, #tpu.memory_space<vmem>> -> memref<1000xf32, #tpu.memory_space<vmem>>
          tpu.enqueue_dma source(%dma_start3A_55 : memref<1000xf32, #tpu.memory_space<vmem>>) target(%dma_start3A_53 : memref<1000xf32, #tpu.memory_space<hbm>>) target_semaphore(%run_scoped3A : memref<!tpu.dma_semaphore, #tpu.memory_space<semaphore_mem>>)
          %dma_wait3A = arith.constant 0 : i32
          %dma_wait3A_56 = tpu.memref_slice %arg7[%dma_wait3A] : memref<1008xf32, #tpu.memory_space<vmem>> -> memref<1000xf32, #tpu.memory_space<vmem>>
          %dma_wait3A_57 = tpu.memref_slice %arg3[%mul3A_50] : memref<10000xf32, #tpu.memory_space<hbm>> -> memref<1000xf32, #tpu.memory_space<hbm>>
          %dma_wait3A_58 = tpu.memref_slice %arg3[%mul3A_50] : memref<10000xf32, #tpu.memory_space<hbm>> -> memref<1000xf32, #tpu.memory_space<hbm>>
          %dma_wait3A_59 = arith.constant 0 : i32
          %dma_wait3A_60 = tpu.memref_slice %arg7[%dma_wait3A_59] : memref<1008xf32, #tpu.memory_space<vmem>> -> memref<1000xf32, #tpu.memory_space<vmem>>
          tpu.wait_dma2 semaphore(%run_scoped3A : memref<!tpu.dma_semaphore, #tpu.memory_space<semaphore_mem>>) src(%dma_wait3A_60 : memref<1000xf32, #tpu.memory_space<vmem>>) dst(%dma_wait3A_58 : memref<1000xf32, #tpu.memory_space<hbm>>)
          tpu.yield
        }) : () -> ()
      } else {
      }
      %eq3A_44 = arith.constant 1 : i32
      %eq3A_45 = arith.cmpi eq, %arg0, %eq3A_44 : i32
      %convert_element_type3A_46 = arith.extui %eq3A_45 : i1 to i32
      %cond3A_47 = arith.constant 0 : i32
      %cond3A_48 = arith.cmpi ne, %convert_element_type3A_46, %cond3A_47 : i32
      scf.if %cond3A_48 {
        %mul3A_49 = arith.constant 1000 : i32
        %mul3A_50 = arith.muli %arg1, %mul3A_49 : i32
        "tpu.region"() ({
          %run_scoped3A = tpu.sem_alloc : memref<!tpu.dma_semaphore, #tpu.memory_space<semaphore_mem>>
          %dma_start3A = arith.constant 0 : i32
          %dma_start3A_51 = tpu.memref_slice %arg7[%dma_start3A] : memref<1008xf32, #tpu.memory_space<vmem>> -> memref<1000xf32, #tpu.memory_space<vmem>>
          %dma_start3A_52 = tpu.memref_slice %arg4[%mul3A_50] : memref<10000xf32, #tpu.memory_space<hbm>> -> memref<1000xf32, #tpu.memory_space<hbm>>
          %dma_start3A_53 = tpu.memref_slice %arg4[%mul3A_50] : memref<10000xf32, #tpu.memory_space<hbm>> -> memref<1000xf32, #tpu.memory_space<hbm>>
          %dma_start3A_54 = arith.constant 0 : i32
          %dma_start3A_55 = tpu.memref_slice %arg7[%dma_start3A_54] : memref<1008xf32, #tpu.memory_space<vmem>> -> memref<1000xf32, #tpu.memory_space<vmem>>
          tpu.enqueue_dma source(%dma_start3A_55 : memref<1000xf32, #tpu.memory_space<vmem>>) target(%dma_start3A_53 : memref<1000xf32, #tpu.memory_space<hbm>>) target_semaphore(%run_scoped3A : memref<!tpu.dma_semaphore, #tpu.memory_space<semaphore_mem>>)
          %dma_wait3A = arith.constant 0 : i32
          %dma_wait3A_56 = tpu.memref_slice %arg7[%dma_wait3A] : memref<1008xf32, #tpu.memory_space<vmem>> -> memref<1000xf32, #tpu.memory_space<vmem>>
          %dma_wait3A_57 = tpu.memref_slice %arg4[%mul3A_50] : memref<10000xf32, #tpu.memory_space<hbm>> -> memref<1000xf32, #tpu.memory_space<hbm>>
          %dma_wait3A_58 = tpu.memref_slice %arg4[%mul3A_50] : memref<10000xf32, #tpu.memory_space<hbm>> -> memref<1000xf32, #tpu.memory_space<hbm>>
          %dma_wait3A_59 = arith.constant 0 : i32
          %dma_wait3A_60 = tpu.memref_slice %arg7[%dma_wait3A_59] : memref<1008xf32, #tpu.memory_space<vmem>> -> memref<1000xf32, #tpu.memory_space<vmem>>
          tpu.wait_dma2 semaphore(%run_scoped3A : memref<!tpu.dma_semaphore, #tpu.memory_space<semaphore_mem>>) src(%dma_wait3A_60 : memref<1000xf32, #tpu.memory_space<vmem>>) dst(%dma_wait3A_58 : memref<1000xf32, #tpu.memory_space<hbm>>)
          tpu.yield
        }) : () -> ()
      } else {
      }
    } else {
    }
    return
  }
}

#map = affine_map<(d0, d1) -> (0, 0)>
#map1 = affine_map<(d0, d1) -> (0, 0, 0)>
module attributes {stable_mosaic.version = 14 : i64} {
  func.func @_agg(%arg0: i32, %arg1: i32, %arg2: memref<10000x16xf32, #tpu.memory_space<hbm>>, %arg3: memref<2x320000xi32, #tpu.memory_space<hbm>>, %arg4: memref<2x10000x16xf32, #tpu.memory_space<hbm>>, %arg5: memref<125x80xi32, #tpu.memory_space<vmem>>, %arg6: memref<125x80xi32, #tpu.memory_space<vmem>>, %arg7: memref<80x16xf32, #tpu.memory_space<vmem>>, %arg8: memref<80x16xf32, #tpu.memory_space<vmem>>, %arg9: memref<80x16xf32, #tpu.memory_space<vmem>>, %arg10: memref<80x16xf32, #tpu.memory_space<vmem>>, %arg11: memref<632x16xf32, #tpu.memory_space<vmem>>, %arg12: memref<10000x16xf32, #tpu.memory_space<vmem_shared>>, %arg13: memref<!tpu.dma_semaphore, #tpu.memory_space<semaphore_mem>>, %arg14: memref<!tpu.dma_semaphore, #tpu.memory_space<semaphore_mem>>, %arg15: memref<!tpu.dma_semaphore, #tpu.memory_space<semaphore_mem>>, %arg16: memref<!tpu.dma_semaphore, #tpu.memory_space<semaphore_mem>>, %arg17: memref<!tpu.dma_semaphore, #tpu.memory_space<semaphore_mem>>, %arg18: memref<!tpu.dma_semaphore, #tpu.memory_space<semaphore_mem>>, %arg19: memref<!tpu.dma_semaphore, #tpu.memory_space<semaphore_mem>>, %arg20: memref<!tpu.dma_semaphore, #tpu.memory_space<semaphore_mem>>, %arg21: memref<!tpu.dma_semaphore, #tpu.memory_space<semaphore_mem>>, %arg22: memref<10000x16xf32, #tpu.memory_space<vmem_shared>>) attributes {dimension_semantics = [#tpu.dimension_semantics<core_parallel>, #tpu.dimension_semantics<subcore_parallel>], iteration_bounds = array<i64: 2, 16>, scalar_prefetch = 0 : i64, scratch_operands = 18 : i64, tpu.core_type = #tpu.core_type<sc_vector_subcore>, window_params = [{transform_indices = #map}, {transform_indices = #map}, {transform_indices = #map1}]} {
    %mul3A = arith.constant 16 : i32
    %mul3A_0 = arith.muli %arg0, %mul3A : i32
    %add3A = arith.addi %mul3A_0, %arg1 : i32
    %scan3A = arith.constant 0 : i32
    %scan3A_1 = arith.constant 125 : i32
    %scan3A_2 = arith.addi %scan3A, %scan3A_1 : i32
    %scan3A_3 = arith.constant 1 : i32
    scf.for %scan3A_100 = %scan3A to %scan3A_2 step %scan3A_3  : i32 {
      %mul3A_101 = arith.constant 10000 : i32
      %mul3A_102 = arith.muli %add3A, %mul3A_101 : i32
      %mul3A_103 = arith.constant 80 : i32
      %mul3A_104 = arith.muli %scan3A_100, %mul3A_103 : i32
      %add3A_105 = arith.addi %mul3A_102, %mul3A_104 : i32
      %dma_start3A_106 = arith.constant 0 : i32
      %dma_start3A_107 = arith.constant 0 : i32
      %dma_start3A_108 = tpu.memref_slice %arg5[%scan3A_100, %dma_start3A_107] : memref<125x80xi32, #tpu.memory_space<vmem>> -> memref<1x80xi32, #tpu.memory_space<vmem>>
      %dma_start3A_109 = tpu.memref_squeeze %dma_start3A_108 : memref<1x80xi32, #tpu.memory_space<vmem>> -> memref<80xi32, #tpu.memory_space<vmem>>
      %dma_start3A_110 = tpu.memref_slice %arg3[%dma_start3A_106, %add3A_105] : memref<2x320000xi32, #tpu.memory_space<hbm>> -> memref<1x80xi32, #tpu.memory_space<hbm>>
      %dma_start3A_111 = tpu.memref_squeeze %dma_start3A_110 : memref<1x80xi32, #tpu.memory_space<hbm>> -> memref<80xi32, #tpu.memory_space<hbm>>
      %dma_start3A_112 = arith.constant 0 : i32
      %dma_start3A_113 = tpu.memref_slice %arg5[%scan3A_100, %dma_start3A_112] : memref<125x80xi32, #tpu.memory_space<vmem>> -> memref<1x80xi32, #tpu.memory_space<vmem>>
      %dma_start3A_114 = tpu.memref_squeeze %dma_start3A_113 : memref<1x80xi32, #tpu.memory_space<vmem>> -> memref<80xi32, #tpu.memory_space<vmem>>
      %dma_start3A_115 = tpu.memref_slice %arg3[%dma_start3A_106, %add3A_105] : memref<2x320000xi32, #tpu.memory_space<hbm>> -> memref<1x80xi32, #tpu.memory_space<hbm>>
      %dma_start3A_116 = tpu.memref_squeeze %dma_start3A_115 : memref<1x80xi32, #tpu.memory_space<hbm>> -> memref<80xi32, #tpu.memory_space<hbm>>
      tpu.enqueue_dma source(%dma_start3A_116 : memref<80xi32, #tpu.memory_space<hbm>>) target(%dma_start3A_114 : memref<80xi32, #tpu.memory_space<vmem>>) target_semaphore(%arg21 : memref<!tpu.dma_semaphore, #tpu.memory_space<semaphore_mem>>)
      %dma_start3A_117 = arith.constant 1 : i32
      %dma_start3A_118 = arith.constant 0 : i32
      %dma_start3A_119 = tpu.memref_slice %arg6[%scan3A_100, %dma_start3A_118] : memref<125x80xi32, #tpu.memory_space<vmem>> -> memref<1x80xi32, #tpu.memory_space<vmem>>
      %dma_start3A_120 = tpu.memref_squeeze %dma_start3A_119 : memref<1x80xi32, #tpu.memory_space<vmem>> -> memref<80xi32, #tpu.memory_space<vmem>>
      %dma_start3A_121 = tpu.memref_slice %arg3[%dma_start3A_117, %add3A_105] : memref<2x320000xi32, #tpu.memory_space<hbm>> -> memref<1x80xi32, #tpu.memory_space<hbm>>
      %dma_start3A_122 = tpu.memref_squeeze %dma_start3A_121 : memref<1x80xi32, #tpu.memory_space<hbm>> -> memref<80xi32, #tpu.memory_space<hbm>>
      %dma_start3A_123 = arith.constant 0 : i32
      %dma_start3A_124 = tpu.memref_slice %arg6[%scan3A_100, %dma_start3A_123] : memref<125x80xi32, #tpu.memory_space<vmem>> -> memref<1x80xi32, #tpu.memory_space<vmem>>
      %dma_start3A_125 = tpu.memref_squeeze %dma_start3A_124 : memref<1x80xi32, #tpu.memory_space<vmem>> -> memref<80xi32, #tpu.memory_space<vmem>>
      %dma_start3A_126 = tpu.memref_slice %arg3[%dma_start3A_117, %add3A_105] : memref<2x320000xi32, #tpu.memory_space<hbm>> -> memref<1x80xi32, #tpu.memory_space<hbm>>
      %dma_start3A_127 = tpu.memref_squeeze %dma_start3A_126 : memref<1x80xi32, #tpu.memory_space<hbm>> -> memref<80xi32, #tpu.memory_space<hbm>>
      tpu.enqueue_dma source(%dma_start3A_127 : memref<80xi32, #tpu.memory_space<hbm>>) target(%dma_start3A_125 : memref<80xi32, #tpu.memory_space<vmem>>) target_semaphore(%arg21 : memref<!tpu.dma_semaphore, #tpu.memory_space<semaphore_mem>>)
    }
    %scan3A_4 = arith.constant 125 : i32
    %scan3A_5 = arith.constant 0 : i32
    %scan3A_6 = arith.constant 125 : i32
    %scan3A_7 = arith.addi %scan3A_5, %scan3A_6 : i32
    %scan3A_8 = arith.constant 1 : i32
    scf.for %scan3A_100 = %scan3A_5 to %scan3A_7 step %scan3A_8  : i32 {
      %mul3A_101 = arith.constant 10000 : i32
      %mul3A_102 = arith.muli %add3A, %mul3A_101 : i32
      %mul3A_103 = arith.constant 80 : i32
      %mul3A_104 = arith.muli %scan3A_100, %mul3A_103 : i32
      %add3A_105 = arith.addi %mul3A_102, %mul3A_104 : i32
      %dma_wait3A_106 = arith.constant 0 : i32
      %dma_wait3A_107 = arith.constant 0 : i32
      %dma_wait3A_108 = tpu.memref_slice %arg5[%scan3A_100, %dma_wait3A_107] : memref<125x80xi32, #tpu.memory_space<vmem>> -> memref<1x80xi32, #tpu.memory_space<vmem>>
      %dma_wait3A_109 = tpu.memref_squeeze %dma_wait3A_108 : memref<1x80xi32, #tpu.memory_space<vmem>> -> memref<80xi32, #tpu.memory_space<vmem>>
      %dma_wait3A_110 = tpu.memref_slice %arg3[%dma_wait3A_106, %add3A_105] : memref<2x320000xi32, #tpu.memory_space<hbm>> -> memref<1x80xi32, #tpu.memory_space<hbm>>
      %dma_wait3A_111 = tpu.memref_squeeze %dma_wait3A_110 : memref<1x80xi32, #tpu.memory_space<hbm>> -> memref<80xi32, #tpu.memory_space<hbm>>
      %dma_wait3A_112 = arith.constant 0 : i32
      %dma_wait3A_113 = tpu.memref_slice %arg5[%scan3A_100, %dma_wait3A_112] : memref<125x80xi32, #tpu.memory_space<vmem>> -> memref<1x80xi32, #tpu.memory_space<vmem>>
      %dma_wait3A_114 = tpu.memref_squeeze %dma_wait3A_113 : memref<1x80xi32, #tpu.memory_space<vmem>> -> memref<80xi32, #tpu.memory_space<vmem>>
      %dma_wait3A_115 = tpu.memref_slice %arg3[%dma_wait3A_106, %add3A_105] : memref<2x320000xi32, #tpu.memory_space<hbm>> -> memref<1x80xi32, #tpu.memory_space<hbm>>
      %dma_wait3A_116 = tpu.memref_squeeze %dma_wait3A_115 : memref<1x80xi32, #tpu.memory_space<hbm>> -> memref<80xi32, #tpu.memory_space<hbm>>
      tpu.wait_dma2 semaphore(%arg21 : memref<!tpu.dma_semaphore, #tpu.memory_space<semaphore_mem>>) src(%dma_wait3A_116 : memref<80xi32, #tpu.memory_space<hbm>>) dst(%dma_wait3A_114 : memref<80xi32, #tpu.memory_space<vmem>>)
      %dma_wait3A_117 = arith.constant 1 : i32
      %dma_wait3A_118 = arith.constant 0 : i32
      %dma_wait3A_119 = tpu.memref_slice %arg6[%scan3A_100, %dma_wait3A_118] : memref<125x80xi32, #tpu.memory_space<vmem>> -> memref<1x80xi32, #tpu.memory_space<vmem>>
      %dma_wait3A_120 = tpu.memref_squeeze %dma_wait3A_119 : memref<1x80xi32, #tpu.memory_space<vmem>> -> memref<80xi32, #tpu.memory_space<vmem>>
      %dma_wait3A_121 = tpu.memref_slice %arg3[%dma_wait3A_117, %add3A_105] : memref<2x320000xi32, #tpu.memory_space<hbm>> -> memref<1x80xi32, #tpu.memory_space<hbm>>
      %dma_wait3A_122 = tpu.memref_squeeze %dma_wait3A_121 : memref<1x80xi32, #tpu.memory_space<hbm>> -> memref<80xi32, #tpu.memory_space<hbm>>
      %dma_wait3A_123 = arith.constant 0 : i32
      %dma_wait3A_124 = tpu.memref_slice %arg6[%scan3A_100, %dma_wait3A_123] : memref<125x80xi32, #tpu.memory_space<vmem>> -> memref<1x80xi32, #tpu.memory_space<vmem>>
      %dma_wait3A_125 = tpu.memref_squeeze %dma_wait3A_124 : memref<1x80xi32, #tpu.memory_space<vmem>> -> memref<80xi32, #tpu.memory_space<vmem>>
      %dma_wait3A_126 = tpu.memref_slice %arg3[%dma_wait3A_117, %add3A_105] : memref<2x320000xi32, #tpu.memory_space<hbm>> -> memref<1x80xi32, #tpu.memory_space<hbm>>
      %dma_wait3A_127 = tpu.memref_squeeze %dma_wait3A_126 : memref<1x80xi32, #tpu.memory_space<hbm>> -> memref<80xi32, #tpu.memory_space<hbm>>
      tpu.wait_dma2 semaphore(%arg21 : memref<!tpu.dma_semaphore, #tpu.memory_space<semaphore_mem>>) src(%dma_wait3A_127 : memref<80xi32, #tpu.memory_space<hbm>>) dst(%dma_wait3A_125 : memref<80xi32, #tpu.memory_space<vmem>>)
    }
    %scan3A_9 = arith.constant 125 : i32
    %lt3A = arith.constant 15 : i32
    %lt3A_10 = arith.cmpi slt, %arg1, %lt3A : i32
    %convert_element_type3A = arith.extui %lt3A_10 : i1 to i32
    %cond3A = arith.constant 0 : i32
    %cond3A_11 = arith.cmpi ne, %convert_element_type3A, %cond3A : i32
    scf.if %cond3A_11 {
      %mul3A_100 = arith.constant 632 : i32
      %mul3A_101 = arith.muli %arg1, %mul3A_100 : i32
      "tpu.region"() ({
        %run_scoped3A = tpu.sem_alloc : memref<!tpu.dma_semaphore, #tpu.memory_space<semaphore_mem>>
        %dma_start3A_106 = arith.constant 0 : i32
        %dma_start3A_107 = tpu.memref_slice %arg2[%mul3A_101, %dma_start3A_106] : memref<10000x16xf32, #tpu.memory_space<hbm>> -> memref<632x16xf32, #tpu.memory_space<hbm>>
        %dma_start3A_108 = arith.constant 0 : i32
        %dma_start3A_109 = tpu.memref_slice %arg2[%mul3A_101, %dma_start3A_108] : memref<10000x16xf32, #tpu.memory_space<hbm>> -> memref<632x16xf32, #tpu.memory_space<hbm>>
        tpu.enqueue_dma source(%dma_start3A_109 : memref<632x16xf32, #tpu.memory_space<hbm>>) target(%arg11 : memref<632x16xf32, #tpu.memory_space<vmem>>) target_semaphore(%run_scoped3A : memref<!tpu.dma_semaphore, #tpu.memory_space<semaphore_mem>>)
        %dma_wait3A_110 = arith.constant 0 : i32
        %dma_wait3A_111 = tpu.memref_slice %arg2[%mul3A_101, %dma_wait3A_110] : memref<10000x16xf32, #tpu.memory_space<hbm>> -> memref<632x16xf32, #tpu.memory_space<hbm>>
        %dma_wait3A_112 = arith.constant 0 : i32
        %dma_wait3A_113 = tpu.memref_slice %arg2[%mul3A_101, %dma_wait3A_112] : memref<10000x16xf32, #tpu.memory_space<hbm>> -> memref<632x16xf32, #tpu.memory_space<hbm>>
        tpu.wait_dma2 semaphore(%run_scoped3A : memref<!tpu.dma_semaphore, #tpu.memory_space<semaphore_mem>>) src(%dma_wait3A_113 : memref<632x16xf32, #tpu.memory_space<hbm>>) dst(%arg11 : memref<632x16xf32, #tpu.memory_space<vmem>>)
        tpu.yield
      }) : () -> ()
      %mul3A_102 = arith.constant 632 : i32
      %mul3A_103 = arith.muli %arg1, %mul3A_102 : i32
      "tpu.region"() ({
        %run_scoped3A = tpu.sem_alloc : memref<!tpu.dma_semaphore, #tpu.memory_space<semaphore_mem>>
        %dma_start3A_106 = arith.constant 0 : i32
        %dma_start3A_107 = tpu.memref_slice %arg12[%mul3A_103, %dma_start3A_106] : memref<10000x16xf32, #tpu.memory_space<vmem_shared>> -> memref<632x16xf32, #tpu.memory_space<vmem_shared>>
        %dma_start3A_108 = arith.constant 0 : i32
        %dma_start3A_109 = tpu.memref_slice %arg12[%mul3A_103, %dma_start3A_108] : memref<10000x16xf32, #tpu.memory_space<vmem_shared>> -> memref<632x16xf32, #tpu.memory_space<vmem_shared>>
        tpu.enqueue_dma source(%arg11 : memref<632x16xf32, #tpu.memory_space<vmem>>) target(%dma_start3A_109 : memref<632x16xf32, #tpu.memory_space<vmem_shared>>) target_semaphore(%run_scoped3A : memref<!tpu.dma_semaphore, #tpu.memory_space<semaphore_mem>>)
        %dma_wait3A_110 = arith.constant 0 : i32
        %dma_wait3A_111 = tpu.memref_slice %arg12[%mul3A_103, %dma_wait3A_110] : memref<10000x16xf32, #tpu.memory_space<vmem_shared>> -> memref<632x16xf32, #tpu.memory_space<vmem_shared>>
        %dma_wait3A_112 = arith.constant 0 : i32
        %dma_wait3A_113 = tpu.memref_slice %arg12[%mul3A_103, %dma_wait3A_112] : memref<10000x16xf32, #tpu.memory_space<vmem_shared>> -> memref<632x16xf32, #tpu.memory_space<vmem_shared>>
        tpu.wait_dma2 semaphore(%run_scoped3A : memref<!tpu.dma_semaphore, #tpu.memory_space<semaphore_mem>>) src(%arg11 : memref<632x16xf32, #tpu.memory_space<vmem>>) dst(%dma_wait3A_113 : memref<632x16xf32, #tpu.memory_space<vmem_shared>>)
        tpu.yield
      }) : () -> ()
      %mul3A_104 = arith.constant 632 : i32
      %mul3A_105 = arith.muli %arg1, %mul3A_104 : i32
      "tpu.region"() ({
        %run_scoped3A = tpu.sem_alloc : memref<!tpu.dma_semaphore, #tpu.memory_space<semaphore_mem>>
        %dma_start3A_106 = arith.constant 0 : i32
        %dma_start3A_107 = tpu.memref_slice %arg22[%mul3A_105, %dma_start3A_106] : memref<10000x16xf32, #tpu.memory_space<vmem_shared>> -> memref<632x16xf32, #tpu.memory_space<vmem_shared>>
        %dma_start3A_108 = arith.constant 0 : i32
        %dma_start3A_109 = tpu.memref_slice %arg22[%mul3A_105, %dma_start3A_108] : memref<10000x16xf32, #tpu.memory_space<vmem_shared>> -> memref<632x16xf32, #tpu.memory_space<vmem_shared>>
        tpu.enqueue_dma source(%arg11 : memref<632x16xf32, #tpu.memory_space<vmem>>) target(%dma_start3A_109 : memref<632x16xf32, #tpu.memory_space<vmem_shared>>) target_semaphore(%run_scoped3A : memref<!tpu.dma_semaphore, #tpu.memory_space<semaphore_mem>>)
        %dma_wait3A_110 = arith.constant 0 : i32
        %dma_wait3A_111 = tpu.memref_slice %arg22[%mul3A_105, %dma_wait3A_110] : memref<10000x16xf32, #tpu.memory_space<vmem_shared>> -> memref<632x16xf32, #tpu.memory_space<vmem_shared>>
        %dma_wait3A_112 = arith.constant 0 : i32
        %dma_wait3A_113 = tpu.memref_slice %arg22[%mul3A_105, %dma_wait3A_112] : memref<10000x16xf32, #tpu.memory_space<vmem_shared>> -> memref<632x16xf32, #tpu.memory_space<vmem_shared>>
        tpu.wait_dma2 semaphore(%run_scoped3A : memref<!tpu.dma_semaphore, #tpu.memory_space<semaphore_mem>>) src(%arg11 : memref<632x16xf32, #tpu.memory_space<vmem>>) dst(%dma_wait3A_113 : memref<632x16xf32, #tpu.memory_space<vmem_shared>>)
        tpu.yield
      }) : () -> ()
    } else {
    }
    %eq3A = arith.constant 15 : i32
    %eq3A_12 = arith.cmpi eq, %arg1, %eq3A : i32
    %convert_element_type3A_13 = arith.extui %eq3A_12 : i1 to i32
    %cond3A_14 = arith.constant 0 : i32
    %cond3A_15 = arith.cmpi ne, %convert_element_type3A_13, %cond3A_14 : i32
    scf.if %cond3A_15 {
      "tpu.region"() ({
        %run_scoped3A = tpu.sem_alloc : memref<!tpu.dma_semaphore, #tpu.memory_space<semaphore_mem>>
        %dma_start3A_100 = arith.constant 0 : i32
        %dma_start3A_101 = arith.constant 0 : i32
        %dma_start3A_102 = tpu.memref_slice %arg11[%dma_start3A_100, %dma_start3A_101] : memref<632x16xf32, #tpu.memory_space<vmem>> -> memref<520x16xf32, #tpu.memory_space<vmem>>
        %dma_start3A_103 = arith.constant 9480 : i32
        %dma_start3A_104 = arith.constant 0 : i32
        %dma_start3A_105 = tpu.memref_slice %arg2[%dma_start3A_103, %dma_start3A_104] : memref<10000x16xf32, #tpu.memory_space<hbm>> -> memref<520x16xf32, #tpu.memory_space<hbm>>
        %dma_start3A_106 = arith.constant 0 : i32
        %dma_start3A_107 = arith.constant 0 : i32
        %dma_start3A_108 = tpu.memref_slice %arg11[%dma_start3A_106, %dma_start3A_107] : memref<632x16xf32, #tpu.memory_space<vmem>> -> memref<520x16xf32, #tpu.memory_space<vmem>>
        %dma_start3A_109 = arith.constant 9480 : i32
        %dma_start3A_110 = arith.constant 0 : i32
        %dma_start3A_111 = tpu.memref_slice %arg2[%dma_start3A_109, %dma_start3A_110] : memref<10000x16xf32, #tpu.memory_space<hbm>> -> memref<520x16xf32, #tpu.memory_space<hbm>>
        tpu.enqueue_dma source(%dma_start3A_111 : memref<520x16xf32, #tpu.memory_space<hbm>>) target(%dma_start3A_108 : memref<520x16xf32, #tpu.memory_space<vmem>>) target_semaphore(%run_scoped3A : memref<!tpu.dma_semaphore, #tpu.memory_space<semaphore_mem>>)
        %dma_wait3A_112 = arith.constant 0 : i32
        %dma_wait3A_113 = arith.constant 0 : i32
        %dma_wait3A_114 = tpu.memref_slice %arg11[%dma_wait3A_112, %dma_wait3A_113] : memref<632x16xf32, #tpu.memory_space<vmem>> -> memref<520x16xf32, #tpu.memory_space<vmem>>
        %dma_wait3A_115 = arith.constant 9480 : i32
        %dma_wait3A_116 = arith.constant 0 : i32
        %dma_wait3A_117 = tpu.memref_slice %arg2[%dma_wait3A_115, %dma_wait3A_116] : memref<10000x16xf32, #tpu.memory_space<hbm>> -> memref<520x16xf32, #tpu.memory_space<hbm>>
        %dma_wait3A_118 = arith.constant 0 : i32
        %dma_wait3A_119 = arith.constant 0 : i32
        %dma_wait3A_120 = tpu.memref_slice %arg11[%dma_wait3A_118, %dma_wait3A_119] : memref<632x16xf32, #tpu.memory_space<vmem>> -> memref<520x16xf32, #tpu.memory_space<vmem>>
        %dma_wait3A_121 = arith.constant 9480 : i32
        %dma_wait3A_122 = arith.constant 0 : i32
        %dma_wait3A_123 = tpu.memref_slice %arg2[%dma_wait3A_121, %dma_wait3A_122] : memref<10000x16xf32, #tpu.memory_space<hbm>> -> memref<520x16xf32, #tpu.memory_space<hbm>>
        tpu.wait_dma2 semaphore(%run_scoped3A : memref<!tpu.dma_semaphore, #tpu.memory_space<semaphore_mem>>) src(%dma_wait3A_123 : memref<520x16xf32, #tpu.memory_space<hbm>>) dst(%dma_wait3A_120 : memref<520x16xf32, #tpu.memory_space<vmem>>)
        tpu.yield
      }) : () -> ()
      "tpu.region"() ({
        %run_scoped3A = tpu.sem_alloc : memref<!tpu.dma_semaphore, #tpu.memory_space<semaphore_mem>>
        %dma_start3A_100 = arith.constant 0 : i32
        %dma_start3A_101 = arith.constant 0 : i32
        %dma_start3A_102 = tpu.memref_slice %arg11[%dma_start3A_100, %dma_start3A_101] : memref<632x16xf32, #tpu.memory_space<vmem>> -> memref<520x16xf32, #tpu.memory_space<vmem>>
        %dma_start3A_103 = arith.constant 9480 : i32
        %dma_start3A_104 = arith.constant 0 : i32
        %dma_start3A_105 = tpu.memref_slice %arg12[%dma_start3A_103, %dma_start3A_104] : memref<10000x16xf32, #tpu.memory_space<vmem_shared>> -> memref<520x16xf32, #tpu.memory_space<vmem_shared>>
        %dma_start3A_106 = arith.constant 9480 : i32
        %dma_start3A_107 = arith.constant 0 : i32
        %dma_start3A_108 = tpu.memref_slice %arg12[%dma_start3A_106, %dma_start3A_107] : memref<10000x16xf32, #tpu.memory_space<vmem_shared>> -> memref<520x16xf32, #tpu.memory_space<vmem_shared>>
        %dma_start3A_109 = arith.constant 0 : i32
        %dma_start3A_110 = arith.constant 0 : i32
        %dma_start3A_111 = tpu.memref_slice %arg11[%dma_start3A_109, %dma_start3A_110] : memref<632x16xf32, #tpu.memory_space<vmem>> -> memref<520x16xf32, #tpu.memory_space<vmem>>
        tpu.enqueue_dma source(%dma_start3A_111 : memref<520x16xf32, #tpu.memory_space<vmem>>) target(%dma_start3A_108 : memref<520x16xf32, #tpu.memory_space<vmem_shared>>) target_semaphore(%run_scoped3A : memref<!tpu.dma_semaphore, #tpu.memory_space<semaphore_mem>>)
        %dma_wait3A_112 = arith.constant 0 : i32
        %dma_wait3A_113 = arith.constant 0 : i32
        %dma_wait3A_114 = tpu.memref_slice %arg11[%dma_wait3A_112, %dma_wait3A_113] : memref<632x16xf32, #tpu.memory_space<vmem>> -> memref<520x16xf32, #tpu.memory_space<vmem>>
        %dma_wait3A_115 = arith.constant 9480 : i32
        %dma_wait3A_116 = arith.constant 0 : i32
        %dma_wait3A_117 = tpu.memref_slice %arg12[%dma_wait3A_115, %dma_wait3A_116] : memref<10000x16xf32, #tpu.memory_space<vmem_shared>> -> memref<520x16xf32, #tpu.memory_space<vmem_shared>>
        %dma_wait3A_118 = arith.constant 9480 : i32
        %dma_wait3A_119 = arith.constant 0 : i32
        %dma_wait3A_120 = tpu.memref_slice %arg12[%dma_wait3A_118, %dma_wait3A_119] : memref<10000x16xf32, #tpu.memory_space<vmem_shared>> -> memref<520x16xf32, #tpu.memory_space<vmem_shared>>
        %dma_wait3A_121 = arith.constant 0 : i32
        %dma_wait3A_122 = arith.constant 0 : i32
        %dma_wait3A_123 = tpu.memref_slice %arg11[%dma_wait3A_121, %dma_wait3A_122] : memref<632x16xf32, #tpu.memory_space<vmem>> -> memref<520x16xf32, #tpu.memory_space<vmem>>
        tpu.wait_dma2 semaphore(%run_scoped3A : memref<!tpu.dma_semaphore, #tpu.memory_space<semaphore_mem>>) src(%dma_wait3A_123 : memref<520x16xf32, #tpu.memory_space<vmem>>) dst(%dma_wait3A_120 : memref<520x16xf32, #tpu.memory_space<vmem_shared>>)
        tpu.yield
      }) : () -> ()
      "tpu.region"() ({
        %run_scoped3A = tpu.sem_alloc : memref<!tpu.dma_semaphore, #tpu.memory_space<semaphore_mem>>
        %dma_start3A_100 = arith.constant 0 : i32
        %dma_start3A_101 = arith.constant 0 : i32
        %dma_start3A_102 = tpu.memref_slice %arg11[%dma_start3A_100, %dma_start3A_101] : memref<632x16xf32, #tpu.memory_space<vmem>> -> memref<520x16xf32, #tpu.memory_space<vmem>>
        %dma_start3A_103 = arith.constant 9480 : i32
        %dma_start3A_104 = arith.constant 0 : i32
        %dma_start3A_105 = tpu.memref_slice %arg22[%dma_start3A_103, %dma_start3A_104] : memref<10000x16xf32, #tpu.memory_space<vmem_shared>> -> memref<520x16xf32, #tpu.memory_space<vmem_shared>>
        %dma_start3A_106 = arith.constant 9480 : i32
        %dma_start3A_107 = arith.constant 0 : i32
        %dma_start3A_108 = tpu.memref_slice %arg22[%dma_start3A_106, %dma_start3A_107] : memref<10000x16xf32, #tpu.memory_space<vmem_shared>> -> memref<520x16xf32, #tpu.memory_space<vmem_shared>>
        %dma_start3A_109 = arith.constant 0 : i32
        %dma_start3A_110 = arith.constant 0 : i32
        %dma_start3A_111 = tpu.memref_slice %arg11[%dma_start3A_109, %dma_start3A_110] : memref<632x16xf32, #tpu.memory_space<vmem>> -> memref<520x16xf32, #tpu.memory_space<vmem>>
        tpu.enqueue_dma source(%dma_start3A_111 : memref<520x16xf32, #tpu.memory_space<vmem>>) target(%dma_start3A_108 : memref<520x16xf32, #tpu.memory_space<vmem_shared>>) target_semaphore(%run_scoped3A : memref<!tpu.dma_semaphore, #tpu.memory_space<semaphore_mem>>)
        %dma_wait3A_112 = arith.constant 0 : i32
        %dma_wait3A_113 = arith.constant 0 : i32
        %dma_wait3A_114 = tpu.memref_slice %arg11[%dma_wait3A_112, %dma_wait3A_113] : memref<632x16xf32, #tpu.memory_space<vmem>> -> memref<520x16xf32, #tpu.memory_space<vmem>>
        %dma_wait3A_115 = arith.constant 9480 : i32
        %dma_wait3A_116 = arith.constant 0 : i32
        %dma_wait3A_117 = tpu.memref_slice %arg22[%dma_wait3A_115, %dma_wait3A_116] : memref<10000x16xf32, #tpu.memory_space<vmem_shared>> -> memref<520x16xf32, #tpu.memory_space<vmem_shared>>
        %dma_wait3A_118 = arith.constant 9480 : i32
        %dma_wait3A_119 = arith.constant 0 : i32
        %dma_wait3A_120 = tpu.memref_slice %arg22[%dma_wait3A_118, %dma_wait3A_119] : memref<10000x16xf32, #tpu.memory_space<vmem_shared>> -> memref<520x16xf32, #tpu.memory_space<vmem_shared>>
        %dma_wait3A_121 = arith.constant 0 : i32
        %dma_wait3A_122 = arith.constant 0 : i32
        %dma_wait3A_123 = tpu.memref_slice %arg11[%dma_wait3A_121, %dma_wait3A_122] : memref<632x16xf32, #tpu.memory_space<vmem>> -> memref<520x16xf32, #tpu.memory_space<vmem>>
        tpu.wait_dma2 semaphore(%run_scoped3A : memref<!tpu.dma_semaphore, #tpu.memory_space<semaphore_mem>>) src(%dma_wait3A_123 : memref<520x16xf32, #tpu.memory_space<vmem>>) dst(%dma_wait3A_120 : memref<520x16xf32, #tpu.memory_space<vmem_shared>>)
        tpu.yield
      }) : () -> ()
    } else {
    }
    %barrier3A = arith.constant 0 : index
    tpu.barrier barrier_id(%barrier3A)
    %dma_start3A = arith.constant 0 : i32
    %dma_start3A_16 = arith.constant 0 : i32
    %dma_start3A_17 = tpu.memref_slice %arg5[%dma_start3A, %dma_start3A_16] : memref<125x80xi32, #tpu.memory_space<vmem>> -> memref<1x80xi32, #tpu.memory_space<vmem>>
    %dma_start3A_18 = tpu.memref_squeeze %dma_start3A_17 : memref<1x80xi32, #tpu.memory_space<vmem>> -> memref<80xi32, #tpu.memory_space<vmem>>
    %dma_start3A_19 = arith.constant 0 : i32
    %dma_start3A_20 = arith.constant 0 : i32
    %dma_start3A_21 = tpu.memref_slice %arg22[%dma_start3A_19, %dma_start3A_20] : memref<10000x16xf32, #tpu.memory_space<vmem_shared>> -> memref<10000x16xf32, #tpu.memory_space<vmem_shared>>
    tpu.enqueue_indirect_dma source(%dma_start3A_21 : memref<10000x16xf32, #tpu.memory_space<vmem_shared>>) target(%arg7 : memref<80x16xf32, #tpu.memory_space<vmem>>) offsets(%dma_start3A_18 : memref<80xi32, #tpu.memory_space<vmem>>) semaphore(%arg13 : memref<!tpu.dma_semaphore, #tpu.memory_space<semaphore_mem>>)
    %dma_start3A_22 = arith.constant 1 : i32
    %dma_start3A_23 = arith.constant 0 : i32
    %dma_start3A_24 = tpu.memref_slice %arg5[%dma_start3A_22, %dma_start3A_23] : memref<125x80xi32, #tpu.memory_space<vmem>> -> memref<1x80xi32, #tpu.memory_space<vmem>>
    %dma_start3A_25 = tpu.memref_squeeze %dma_start3A_24 : memref<1x80xi32, #tpu.memory_space<vmem>> -> memref<80xi32, #tpu.memory_space<vmem>>
    %dma_start3A_26 = arith.constant 0 : i32
    %dma_start3A_27 = arith.constant 0 : i32
    %dma_start3A_28 = tpu.memref_slice %arg22[%dma_start3A_26, %dma_start3A_27] : memref<10000x16xf32, #tpu.memory_space<vmem_shared>> -> memref<10000x16xf32, #tpu.memory_space<vmem_shared>>
    tpu.enqueue_indirect_dma source(%dma_start3A_28 : memref<10000x16xf32, #tpu.memory_space<vmem_shared>>) target(%arg8 : memref<80x16xf32, #tpu.memory_space<vmem>>) offsets(%dma_start3A_25 : memref<80xi32, #tpu.memory_space<vmem>>) semaphore(%arg14 : memref<!tpu.dma_semaphore, #tpu.memory_space<semaphore_mem>>)
    %dma_start3A_29 = arith.constant 2 : i32
    %dma_start3A_30 = arith.constant 0 : i32
    %dma_start3A_31 = tpu.memref_slice %arg5[%dma_start3A_29, %dma_start3A_30] : memref<125x80xi32, #tpu.memory_space<vmem>> -> memref<1x80xi32, #tpu.memory_space<vmem>>
    %dma_start3A_32 = tpu.memref_squeeze %dma_start3A_31 : memref<1x80xi32, #tpu.memory_space<vmem>> -> memref<80xi32, #tpu.memory_space<vmem>>
    %dma_start3A_33 = arith.constant 0 : i32
    %dma_start3A_34 = arith.constant 0 : i32
    %dma_start3A_35 = tpu.memref_slice %arg22[%dma_start3A_33, %dma_start3A_34] : memref<10000x16xf32, #tpu.memory_space<vmem_shared>> -> memref<10000x16xf32, #tpu.memory_space<vmem_shared>>
    tpu.enqueue_indirect_dma source(%dma_start3A_35 : memref<10000x16xf32, #tpu.memory_space<vmem_shared>>) target(%arg9 : memref<80x16xf32, #tpu.memory_space<vmem>>) offsets(%dma_start3A_32 : memref<80xi32, #tpu.memory_space<vmem>>) semaphore(%arg15 : memref<!tpu.dma_semaphore, #tpu.memory_space<semaphore_mem>>)
    %dma_start3A_36 = arith.constant 3 : i32
    %dma_start3A_37 = arith.constant 0 : i32
    %dma_start3A_38 = tpu.memref_slice %arg5[%dma_start3A_36, %dma_start3A_37] : memref<125x80xi32, #tpu.memory_space<vmem>> -> memref<1x80xi32, #tpu.memory_space<vmem>>
    %dma_start3A_39 = tpu.memref_squeeze %dma_start3A_38 : memref<1x80xi32, #tpu.memory_space<vmem>> -> memref<80xi32, #tpu.memory_space<vmem>>
    %dma_start3A_40 = arith.constant 0 : i32
    %dma_start3A_41 = arith.constant 0 : i32
    %dma_start3A_42 = tpu.memref_slice %arg22[%dma_start3A_40, %dma_start3A_41] : memref<10000x16xf32, #tpu.memory_space<vmem_shared>> -> memref<10000x16xf32, #tpu.memory_space<vmem_shared>>
    tpu.enqueue_indirect_dma source(%dma_start3A_42 : memref<10000x16xf32, #tpu.memory_space<vmem_shared>>) target(%arg10 : memref<80x16xf32, #tpu.memory_space<vmem>>) offsets(%dma_start3A_39 : memref<80xi32, #tpu.memory_space<vmem>>) semaphore(%arg16 : memref<!tpu.dma_semaphore, #tpu.memory_space<semaphore_mem>>)
    %scan3A_43 = arith.constant 0 : i32
    %scan3A_44 = arith.constant 31 : i32
    %scan3A_45 = arith.addi %scan3A_43, %scan3A_44 : i32
    %scan3A_46 = arith.constant 1 : i32
    scf.for %scan3A_100 = %scan3A_43 to %scan3A_45 step %scan3A_46  : i32 {
      %mul3A_101 = arith.constant 4 : i32
      %mul3A_102 = arith.muli %mul3A_101, %scan3A_100 : i32
      %add3A_103 = arith.constant 0 : i32
      %add3A_104 = arith.addi %mul3A_102, %add3A_103 : i32
      %dma_wait3A_105 = arith.constant 0 : i32
      %dma_wait3A_106 = tpu.memref_slice %arg5[%add3A_104, %dma_wait3A_105] : memref<125x80xi32, #tpu.memory_space<vmem>> -> memref<1x80xi32, #tpu.memory_space<vmem>>
      %dma_wait3A_107 = tpu.memref_squeeze %dma_wait3A_106 : memref<1x80xi32, #tpu.memory_space<vmem>> -> memref<80xi32, #tpu.memory_space<vmem>>
      %dma_wait3A_108 = arith.constant 0 : i32
      %dma_wait3A_109 = arith.constant 0 : i32
      %dma_wait3A_110 = tpu.memref_slice %arg22[%dma_wait3A_108, %dma_wait3A_109] : memref<10000x16xf32, #tpu.memory_space<vmem_shared>> -> memref<10000x16xf32, #tpu.memory_space<vmem_shared>>
      tpu.wait_indirect_dma semaphore(%arg13 : memref<!tpu.dma_semaphore, #tpu.memory_space<semaphore_mem>>) src(%dma_wait3A_110 : memref<10000x16xf32, #tpu.memory_space<vmem_shared>>) dst(%arg7 : memref<80x16xf32, #tpu.memory_space<vmem>>)
      %dma_start3A_111 = arith.constant 0 : i32
      %dma_start3A_112 = tpu.memref_slice %arg6[%add3A_104, %dma_start3A_111] : memref<125x80xi32, #tpu.memory_space<vmem>> -> memref<1x80xi32, #tpu.memory_space<vmem>>
      %dma_start3A_113 = tpu.memref_squeeze %dma_start3A_112 : memref<1x80xi32, #tpu.memory_space<vmem>> -> memref<80xi32, #tpu.memory_space<vmem>>
      %dma_start3A_114 = arith.constant 0 : i32
      %dma_start3A_115 = arith.constant 0 : i32
      %dma_start3A_116 = tpu.memref_slice %arg12[%dma_start3A_114, %dma_start3A_115] : memref<10000x16xf32, #tpu.memory_space<vmem_shared>> -> memref<10000x16xf32, #tpu.memory_space<vmem_shared>>
      tpu.enqueue_indirect_dma source(%arg7 : memref<80x16xf32, #tpu.memory_space<vmem>>) target(%dma_start3A_116 : memref<10000x16xf32, #tpu.memory_space<vmem_shared>>) offsets(%dma_start3A_113 : memref<80xi32, #tpu.memory_space<vmem>>) semaphore(%arg17 : memref<!tpu.dma_semaphore, #tpu.memory_space<semaphore_mem>>) {add = true}
      %ge3A = arith.constant 2 : i32
      %ge3A_117 = arith.cmpi sge, %add3A_104, %ge3A : i32
      %le3A = arith.constant 122 : i32
      %le3A_118 = arith.cmpi sle, %add3A_104, %le3A : i32
      %and3A = arith.andi %ge3A_117, %le3A_118 : i1
      %convert_element_type3A_119 = arith.extui %and3A : i1 to i32
      %cond3A_120 = arith.constant 0 : i32
      %cond3A_121 = arith.cmpi ne, %convert_element_type3A_119, %cond3A_120 : i32
      scf.if %cond3A_121 {
        %sub3A = arith.constant 2 : i32
        %sub3A_194 = arith.subi %add3A_104, %sub3A : i32
        %dma_wait3A_195 = arith.constant 0 : i32
        %dma_wait3A_196 = tpu.memref_slice %arg6[%sub3A_194, %dma_wait3A_195] : memref<125x80xi32, #tpu.memory_space<vmem>> -> memref<1x80xi32, #tpu.memory_space<vmem>>
        %dma_wait3A_197 = tpu.memref_squeeze %dma_wait3A_196 : memref<1x80xi32, #tpu.memory_space<vmem>> -> memref<80xi32, #tpu.memory_space<vmem>>
        %dma_wait3A_198 = arith.constant 0 : i32
        %dma_wait3A_199 = arith.constant 0 : i32
        %dma_wait3A_200 = tpu.memref_slice %arg12[%dma_wait3A_198, %dma_wait3A_199] : memref<10000x16xf32, #tpu.memory_space<vmem_shared>> -> memref<10000x16xf32, #tpu.memory_space<vmem_shared>>
        tpu.wait_indirect_dma semaphore(%arg19 : memref<!tpu.dma_semaphore, #tpu.memory_space<semaphore_mem>>) src(%arg9 : memref<80x16xf32, #tpu.memory_space<vmem>>) dst(%dma_wait3A_200 : memref<10000x16xf32, #tpu.memory_space<vmem_shared>>)
        %add3A_201 = arith.constant 2 : i32
        %add3A_202 = arith.addi %add3A_104, %add3A_201 : i32
        %dma_start3A_203 = arith.constant 0 : i32
        %dma_start3A_204 = tpu.memref_slice %arg5[%add3A_202, %dma_start3A_203] : memref<125x80xi32, #tpu.memory_space<vmem>> -> memref<1x80xi32, #tpu.memory_space<vmem>>
        %dma_start3A_205 = tpu.memref_squeeze %dma_start3A_204 : memref<1x80xi32, #tpu.memory_space<vmem>> -> memref<80xi32, #tpu.memory_space<vmem>>
        %dma_start3A_206 = arith.constant 0 : i32
        %dma_start3A_207 = arith.constant 0 : i32
        %dma_start3A_208 = tpu.memref_slice %arg22[%dma_start3A_206, %dma_start3A_207] : memref<10000x16xf32, #tpu.memory_space<vmem_shared>> -> memref<10000x16xf32, #tpu.memory_space<vmem_shared>>
        tpu.enqueue_indirect_dma source(%dma_start3A_208 : memref<10000x16xf32, #tpu.memory_space<vmem_shared>>) target(%arg9 : memref<80x16xf32, #tpu.memory_space<vmem>>) offsets(%dma_start3A_205 : memref<80xi32, #tpu.memory_space<vmem>>) semaphore(%arg15 : memref<!tpu.dma_semaphore, #tpu.memory_space<semaphore_mem>>)
      } else {
      }
      %mul3A_122 = arith.constant 4 : i32
      %mul3A_123 = arith.muli %mul3A_122, %scan3A_100 : i32
      %add3A_124 = arith.constant 1 : i32
      %add3A_125 = arith.addi %mul3A_123, %add3A_124 : i32
      %dma_wait3A_126 = arith.constant 0 : i32
      %dma_wait3A_127 = tpu.memref_slice %arg5[%add3A_125, %dma_wait3A_126] : memref<125x80xi32, #tpu.memory_space<vmem>> -> memref<1x80xi32, #tpu.memory_space<vmem>>
      %dma_wait3A_128 = tpu.memref_squeeze %dma_wait3A_127 : memref<1x80xi32, #tpu.memory_space<vmem>> -> memref<80xi32, #tpu.memory_space<vmem>>
      %dma_wait3A_129 = arith.constant 0 : i32
      %dma_wait3A_130 = arith.constant 0 : i32
      %dma_wait3A_131 = tpu.memref_slice %arg22[%dma_wait3A_129, %dma_wait3A_130] : memref<10000x16xf32, #tpu.memory_space<vmem_shared>> -> memref<10000x16xf32, #tpu.memory_space<vmem_shared>>
      tpu.wait_indirect_dma semaphore(%arg14 : memref<!tpu.dma_semaphore, #tpu.memory_space<semaphore_mem>>) src(%dma_wait3A_131 : memref<10000x16xf32, #tpu.memory_space<vmem_shared>>) dst(%arg8 : memref<80x16xf32, #tpu.memory_space<vmem>>)
      %dma_start3A_132 = arith.constant 0 : i32
      %dma_start3A_133 = tpu.memref_slice %arg6[%add3A_125, %dma_start3A_132] : memref<125x80xi32, #tpu.memory_space<vmem>> -> memref<1x80xi32, #tpu.memory_space<vmem>>
      %dma_start3A_134 = tpu.memref_squeeze %dma_start3A_133 : memref<1x80xi32, #tpu.memory_space<vmem>> -> memref<80xi32, #tpu.memory_space<vmem>>
      %dma_start3A_135 = arith.constant 0 : i32
      %dma_start3A_136 = arith.constant 0 : i32
      %dma_start3A_137 = tpu.memref_slice %arg12[%dma_start3A_135, %dma_start3A_136] : memref<10000x16xf32, #tpu.memory_space<vmem_shared>> -> memref<10000x16xf32, #tpu.memory_space<vmem_shared>>
      tpu.enqueue_indirect_dma source(%arg8 : memref<80x16xf32, #tpu.memory_space<vmem>>) target(%dma_start3A_137 : memref<10000x16xf32, #tpu.memory_space<vmem_shared>>) offsets(%dma_start3A_134 : memref<80xi32, #tpu.memory_space<vmem>>) semaphore(%arg18 : memref<!tpu.dma_semaphore, #tpu.memory_space<semaphore_mem>>) {add = true}
      %ge3A_138 = arith.constant 2 : i32
      %ge3A_139 = arith.cmpi sge, %add3A_125, %ge3A_138 : i32
      %le3A_140 = arith.constant 122 : i32
      %le3A_141 = arith.cmpi sle, %add3A_125, %le3A_140 : i32
      %and3A_142 = arith.andi %ge3A_139, %le3A_141 : i1
      %convert_element_type3A_143 = arith.extui %and3A_142 : i1 to i32
      %cond3A_144 = arith.constant 0 : i32
      %cond3A_145 = arith.cmpi ne, %convert_element_type3A_143, %cond3A_144 : i32
      scf.if %cond3A_145 {
        %sub3A = arith.constant 2 : i32
        %sub3A_194 = arith.subi %add3A_125, %sub3A : i32
        %dma_wait3A_195 = arith.constant 0 : i32
        %dma_wait3A_196 = tpu.memref_slice %arg6[%sub3A_194, %dma_wait3A_195] : memref<125x80xi32, #tpu.memory_space<vmem>> -> memref<1x80xi32, #tpu.memory_space<vmem>>
        %dma_wait3A_197 = tpu.memref_squeeze %dma_wait3A_196 : memref<1x80xi32, #tpu.memory_space<vmem>> -> memref<80xi32, #tpu.memory_space<vmem>>
        %dma_wait3A_198 = arith.constant 0 : i32
        %dma_wait3A_199 = arith.constant 0 : i32
        %dma_wait3A_200 = tpu.memref_slice %arg12[%dma_wait3A_198, %dma_wait3A_199] : memref<10000x16xf32, #tpu.memory_space<vmem_shared>> -> memref<10000x16xf32, #tpu.memory_space<vmem_shared>>
        tpu.wait_indirect_dma semaphore(%arg20 : memref<!tpu.dma_semaphore, #tpu.memory_space<semaphore_mem>>) src(%arg10 : memref<80x16xf32, #tpu.memory_space<vmem>>) dst(%dma_wait3A_200 : memref<10000x16xf32, #tpu.memory_space<vmem_shared>>)
        %add3A_201 = arith.constant 2 : i32
        %add3A_202 = arith.addi %add3A_125, %add3A_201 : i32
        %dma_start3A_203 = arith.constant 0 : i32
        %dma_start3A_204 = tpu.memref_slice %arg5[%add3A_202, %dma_start3A_203] : memref<125x80xi32, #tpu.memory_space<vmem>> -> memref<1x80xi32, #tpu.memory_space<vmem>>
        %dma_start3A_205 = tpu.memref_squeeze %dma_start3A_204 : memref<1x80xi32, #tpu.memory_space<vmem>> -> memref<80xi32, #tpu.memory_space<vmem>>
        %dma_start3A_206 = arith.constant 0 : i32
        %dma_start3A_207 = arith.constant 0 : i32
        %dma_start3A_208 = tpu.memref_slice %arg22[%dma_start3A_206, %dma_start3A_207] : memref<10000x16xf32, #tpu.memory_space<vmem_shared>> -> memref<10000x16xf32, #tpu.memory_space<vmem_shared>>
        tpu.enqueue_indirect_dma source(%dma_start3A_208 : memref<10000x16xf32, #tpu.memory_space<vmem_shared>>) target(%arg10 : memref<80x16xf32, #tpu.memory_space<vmem>>) offsets(%dma_start3A_205 : memref<80xi32, #tpu.memory_space<vmem>>) semaphore(%arg16 : memref<!tpu.dma_semaphore, #tpu.memory_space<semaphore_mem>>)
      } else {
      }
      %mul3A_146 = arith.constant 4 : i32
      %mul3A_147 = arith.muli %mul3A_146, %scan3A_100 : i32
      %add3A_148 = arith.constant 2 : i32
      %add3A_149 = arith.addi %mul3A_147, %add3A_148 : i32
      %dma_wait3A_150 = arith.constant 0 : i32
      %dma_wait3A_151 = tpu.memref_slice %arg5[%add3A_149, %dma_wait3A_150] : memref<125x80xi32, #tpu.memory_space<vmem>> -> memref<1x80xi32, #tpu.memory_space<vmem>>
      %dma_wait3A_152 = tpu.memref_squeeze %dma_wait3A_151 : memref<1x80xi32, #tpu.memory_space<vmem>> -> memref<80xi32, #tpu.memory_space<vmem>>
      %dma_wait3A_153 = arith.constant 0 : i32
      %dma_wait3A_154 = arith.constant 0 : i32
      %dma_wait3A_155 = tpu.memref_slice %arg22[%dma_wait3A_153, %dma_wait3A_154] : memref<10000x16xf32, #tpu.memory_space<vmem_shared>> -> memref<10000x16xf32, #tpu.memory_space<vmem_shared>>
      tpu.wait_indirect_dma semaphore(%arg15 : memref<!tpu.dma_semaphore, #tpu.memory_space<semaphore_mem>>) src(%dma_wait3A_155 : memref<10000x16xf32, #tpu.memory_space<vmem_shared>>) dst(%arg9 : memref<80x16xf32, #tpu.memory_space<vmem>>)
      %dma_start3A_156 = arith.constant 0 : i32
      %dma_start3A_157 = tpu.memref_slice %arg6[%add3A_149, %dma_start3A_156] : memref<125x80xi32, #tpu.memory_space<vmem>> -> memref<1x80xi32, #tpu.memory_space<vmem>>
      %dma_start3A_158 = tpu.memref_squeeze %dma_start3A_157 : memref<1x80xi32, #tpu.memory_space<vmem>> -> memref<80xi32, #tpu.memory_space<vmem>>
      %dma_start3A_159 = arith.constant 0 : i32
      %dma_start3A_160 = arith.constant 0 : i32
      %dma_start3A_161 = tpu.memref_slice %arg12[%dma_start3A_159, %dma_start3A_160] : memref<10000x16xf32, #tpu.memory_space<vmem_shared>> -> memref<10000x16xf32, #tpu.memory_space<vmem_shared>>
      tpu.enqueue_indirect_dma source(%arg9 : memref<80x16xf32, #tpu.memory_space<vmem>>) target(%dma_start3A_161 : memref<10000x16xf32, #tpu.memory_space<vmem_shared>>) offsets(%dma_start3A_158 : memref<80xi32, #tpu.memory_space<vmem>>) semaphore(%arg19 : memref<!tpu.dma_semaphore, #tpu.memory_space<semaphore_mem>>) {add = true}
      %ge3A_162 = arith.constant 2 : i32
      %ge3A_163 = arith.cmpi sge, %add3A_149, %ge3A_162 : i32
      %le3A_164 = arith.constant 122 : i32
      %le3A_165 = arith.cmpi sle, %add3A_149, %le3A_164 : i32
      %and3A_166 = arith.andi %ge3A_163, %le3A_165 : i1
      %convert_element_type3A_167 = arith.extui %and3A_166 : i1 to i32
      %cond3A_168 = arith.constant 0 : i32
      %cond3A_169 = arith.cmpi ne, %convert_element_type3A_167, %cond3A_168 : i32
      scf.if %cond3A_169 {
        %sub3A = arith.constant 2 : i32
        %sub3A_194 = arith.subi %add3A_149, %sub3A : i32
        %dma_wait3A_195 = arith.constant 0 : i32
        %dma_wait3A_196 = tpu.memref_slice %arg6[%sub3A_194, %dma_wait3A_195] : memref<125x80xi32, #tpu.memory_space<vmem>> -> memref<1x80xi32, #tpu.memory_space<vmem>>
        %dma_wait3A_197 = tpu.memref_squeeze %dma_wait3A_196 : memref<1x80xi32, #tpu.memory_space<vmem>> -> memref<80xi32, #tpu.memory_space<vmem>>
        %dma_wait3A_198 = arith.constant 0 : i32
        %dma_wait3A_199 = arith.constant 0 : i32
        %dma_wait3A_200 = tpu.memref_slice %arg12[%dma_wait3A_198, %dma_wait3A_199] : memref<10000x16xf32, #tpu.memory_space<vmem_shared>> -> memref<10000x16xf32, #tpu.memory_space<vmem_shared>>
        tpu.wait_indirect_dma semaphore(%arg17 : memref<!tpu.dma_semaphore, #tpu.memory_space<semaphore_mem>>) src(%arg7 : memref<80x16xf32, #tpu.memory_space<vmem>>) dst(%dma_wait3A_200 : memref<10000x16xf32, #tpu.memory_space<vmem_shared>>)
        %add3A_201 = arith.constant 2 : i32
        %add3A_202 = arith.addi %add3A_149, %add3A_201 : i32
        %dma_start3A_203 = arith.constant 0 : i32
        %dma_start3A_204 = tpu.memref_slice %arg5[%add3A_202, %dma_start3A_203] : memref<125x80xi32, #tpu.memory_space<vmem>> -> memref<1x80xi32, #tpu.memory_space<vmem>>
        %dma_start3A_205 = tpu.memref_squeeze %dma_start3A_204 : memref<1x80xi32, #tpu.memory_space<vmem>> -> memref<80xi32, #tpu.memory_space<vmem>>
        %dma_start3A_206 = arith.constant 0 : i32
        %dma_start3A_207 = arith.constant 0 : i32
        %dma_start3A_208 = tpu.memref_slice %arg22[%dma_start3A_206, %dma_start3A_207] : memref<10000x16xf32, #tpu.memory_space<vmem_shared>> -> memref<10000x16xf32, #tpu.memory_space<vmem_shared>>
        tpu.enqueue_indirect_dma source(%dma_start3A_208 : memref<10000x16xf32, #tpu.memory_space<vmem_shared>>) target(%arg7 : memref<80x16xf32, #tpu.memory_space<vmem>>) offsets(%dma_start3A_205 : memref<80xi32, #tpu.memory_space<vmem>>) semaphore(%arg13 : memref<!tpu.dma_semaphore, #tpu.memory_space<semaphore_mem>>)
      } else {
      }
      %mul3A_170 = arith.constant 4 : i32
      %mul3A_171 = arith.muli %mul3A_170, %scan3A_100 : i32
      %add3A_172 = arith.constant 3 : i32
      %add3A_173 = arith.addi %mul3A_171, %add3A_172 : i32
      %dma_wait3A_174 = arith.constant 0 : i32
      %dma_wait3A_175 = tpu.memref_slice %arg5[%add3A_173, %dma_wait3A_174] : memref<125x80xi32, #tpu.memory_space<vmem>> -> memref<1x80xi32, #tpu.memory_space<vmem>>
      %dma_wait3A_176 = tpu.memref_squeeze %dma_wait3A_175 : memref<1x80xi32, #tpu.memory_space<vmem>> -> memref<80xi32, #tpu.memory_space<vmem>>
      %dma_wait3A_177 = arith.constant 0 : i32
      %dma_wait3A_178 = arith.constant 0 : i32
      %dma_wait3A_179 = tpu.memref_slice %arg22[%dma_wait3A_177, %dma_wait3A_178] : memref<10000x16xf32, #tpu.memory_space<vmem_shared>> -> memref<10000x16xf32, #tpu.memory_space<vmem_shared>>
      tpu.wait_indirect_dma semaphore(%arg16 : memref<!tpu.dma_semaphore, #tpu.memory_space<semaphore_mem>>) src(%dma_wait3A_179 : memref<10000x16xf32, #tpu.memory_space<vmem_shared>>) dst(%arg10 : memref<80x16xf32, #tpu.memory_space<vmem>>)
      %dma_start3A_180 = arith.constant 0 : i32
      %dma_start3A_181 = tpu.memref_slice %arg6[%add3A_173, %dma_start3A_180] : memref<125x80xi32, #tpu.memory_space<vmem>> -> memref<1x80xi32, #tpu.memory_space<vmem>>
      %dma_start3A_182 = tpu.memref_squeeze %dma_start3A_181 : memref<1x80xi32, #tpu.memory_space<vmem>> -> memref<80xi32, #tpu.memory_space<vmem>>
      %dma_start3A_183 = arith.constant 0 : i32
      %dma_start3A_184 = arith.constant 0 : i32
      %dma_start3A_185 = tpu.memref_slice %arg12[%dma_start3A_183, %dma_start3A_184] : memref<10000x16xf32, #tpu.memory_space<vmem_shared>> -> memref<10000x16xf32, #tpu.memory_space<vmem_shared>>
      tpu.enqueue_indirect_dma source(%arg10 : memref<80x16xf32, #tpu.memory_space<vmem>>) target(%dma_start3A_185 : memref<10000x16xf32, #tpu.memory_space<vmem_shared>>) offsets(%dma_start3A_182 : memref<80xi32, #tpu.memory_space<vmem>>) semaphore(%arg20 : memref<!tpu.dma_semaphore, #tpu.memory_space<semaphore_mem>>) {add = true}
      %ge3A_186 = arith.constant 2 : i32
      %ge3A_187 = arith.cmpi sge, %add3A_173, %ge3A_186 : i32
      %le3A_188 = arith.constant 122 : i32
      %le3A_189 = arith.cmpi sle, %add3A_173, %le3A_188 : i32
      %and3A_190 = arith.andi %ge3A_187, %le3A_189 : i1
      %convert_element_type3A_191 = arith.extui %and3A_190 : i1 to i32
      %cond3A_192 = arith.constant 0 : i32
      %cond3A_193 = arith.cmpi ne, %convert_element_type3A_191, %cond3A_192 : i32
      scf.if %cond3A_193 {
        %sub3A = arith.constant 2 : i32
        %sub3A_194 = arith.subi %add3A_173, %sub3A : i32
        %dma_wait3A_195 = arith.constant 0 : i32
        %dma_wait3A_196 = tpu.memref_slice %arg6[%sub3A_194, %dma_wait3A_195] : memref<125x80xi32, #tpu.memory_space<vmem>> -> memref<1x80xi32, #tpu.memory_space<vmem>>
        %dma_wait3A_197 = tpu.memref_squeeze %dma_wait3A_196 : memref<1x80xi32, #tpu.memory_space<vmem>> -> memref<80xi32, #tpu.memory_space<vmem>>
        %dma_wait3A_198 = arith.constant 0 : i32
        %dma_wait3A_199 = arith.constant 0 : i32
        %dma_wait3A_200 = tpu.memref_slice %arg12[%dma_wait3A_198, %dma_wait3A_199] : memref<10000x16xf32, #tpu.memory_space<vmem_shared>> -> memref<10000x16xf32, #tpu.memory_space<vmem_shared>>
        tpu.wait_indirect_dma semaphore(%arg18 : memref<!tpu.dma_semaphore, #tpu.memory_space<semaphore_mem>>) src(%arg8 : memref<80x16xf32, #tpu.memory_space<vmem>>) dst(%dma_wait3A_200 : memref<10000x16xf32, #tpu.memory_space<vmem_shared>>)
        %add3A_201 = arith.constant 2 : i32
        %add3A_202 = arith.addi %add3A_173, %add3A_201 : i32
        %dma_start3A_203 = arith.constant 0 : i32
        %dma_start3A_204 = tpu.memref_slice %arg5[%add3A_202, %dma_start3A_203] : memref<125x80xi32, #tpu.memory_space<vmem>> -> memref<1x80xi32, #tpu.memory_space<vmem>>
        %dma_start3A_205 = tpu.memref_squeeze %dma_start3A_204 : memref<1x80xi32, #tpu.memory_space<vmem>> -> memref<80xi32, #tpu.memory_space<vmem>>
        %dma_start3A_206 = arith.constant 0 : i32
        %dma_start3A_207 = arith.constant 0 : i32
        %dma_start3A_208 = tpu.memref_slice %arg22[%dma_start3A_206, %dma_start3A_207] : memref<10000x16xf32, #tpu.memory_space<vmem_shared>> -> memref<10000x16xf32, #tpu.memory_space<vmem_shared>>
        tpu.enqueue_indirect_dma source(%dma_start3A_208 : memref<10000x16xf32, #tpu.memory_space<vmem_shared>>) target(%arg8 : memref<80x16xf32, #tpu.memory_space<vmem>>) offsets(%dma_start3A_205 : memref<80xi32, #tpu.memory_space<vmem>>) semaphore(%arg14 : memref<!tpu.dma_semaphore, #tpu.memory_space<semaphore_mem>>)
      } else {
      }
    }
    %scan3A_47 = arith.constant 31 : i32
    %dma_wait3A = arith.constant 124 : i32
    %dma_wait3A_48 = arith.constant 0 : i32
    %dma_wait3A_49 = tpu.memref_slice %arg5[%dma_wait3A, %dma_wait3A_48] : memref<125x80xi32, #tpu.memory_space<vmem>> -> memref<1x80xi32, #tpu.memory_space<vmem>>
    %dma_wait3A_50 = tpu.memref_squeeze %dma_wait3A_49 : memref<1x80xi32, #tpu.memory_space<vmem>> -> memref<80xi32, #tpu.memory_space<vmem>>
    %dma_wait3A_51 = arith.constant 0 : i32
    %dma_wait3A_52 = arith.constant 0 : i32
    %dma_wait3A_53 = tpu.memref_slice %arg22[%dma_wait3A_51, %dma_wait3A_52] : memref<10000x16xf32, #tpu.memory_space<vmem_shared>> -> memref<10000x16xf32, #tpu.memory_space<vmem_shared>>
    tpu.wait_indirect_dma semaphore(%arg13 : memref<!tpu.dma_semaphore, #tpu.memory_space<semaphore_mem>>) src(%dma_wait3A_53 : memref<10000x16xf32, #tpu.memory_space<vmem_shared>>) dst(%arg7 : memref<80x16xf32, #tpu.memory_space<vmem>>)
    %dma_start3A_54 = arith.constant 124 : i32
    %dma_start3A_55 = arith.constant 0 : i32
    %dma_start3A_56 = tpu.memref_slice %arg6[%dma_start3A_54, %dma_start3A_55] : memref<125x80xi32, #tpu.memory_space<vmem>> -> memref<1x80xi32, #tpu.memory_space<vmem>>
    %dma_start3A_57 = tpu.memref_squeeze %dma_start3A_56 : memref<1x80xi32, #tpu.memory_space<vmem>> -> memref<80xi32, #tpu.memory_space<vmem>>
    %dma_start3A_58 = arith.constant 0 : i32
    %dma_start3A_59 = arith.constant 0 : i32
    %dma_start3A_60 = tpu.memref_slice %arg12[%dma_start3A_58, %dma_start3A_59] : memref<10000x16xf32, #tpu.memory_space<vmem_shared>> -> memref<10000x16xf32, #tpu.memory_space<vmem_shared>>
    tpu.enqueue_indirect_dma source(%arg7 : memref<80x16xf32, #tpu.memory_space<vmem>>) target(%dma_start3A_60 : memref<10000x16xf32, #tpu.memory_space<vmem_shared>>) offsets(%dma_start3A_57 : memref<80xi32, #tpu.memory_space<vmem>>) semaphore(%arg17 : memref<!tpu.dma_semaphore, #tpu.memory_space<semaphore_mem>>) {add = true}
    %dma_wait3A_61 = arith.constant 0 : i32
    %dma_wait3A_62 = arith.constant 0 : i32
    %dma_wait3A_63 = tpu.memref_slice %arg6[%dma_wait3A_61, %dma_wait3A_62] : memref<125x80xi32, #tpu.memory_space<vmem>> -> memref<1x80xi32, #tpu.memory_space<vmem>>
    %dma_wait3A_64 = tpu.memref_squeeze %dma_wait3A_63 : memref<1x80xi32, #tpu.memory_space<vmem>> -> memref<80xi32, #tpu.memory_space<vmem>>
    %dma_wait3A_65 = arith.constant 0 : i32
    %dma_wait3A_66 = arith.constant 0 : i32
    %dma_wait3A_67 = tpu.memref_slice %arg12[%dma_wait3A_65, %dma_wait3A_66] : memref<10000x16xf32, #tpu.memory_space<vmem_shared>> -> memref<10000x16xf32, #tpu.memory_space<vmem_shared>>
    tpu.wait_indirect_dma semaphore(%arg17 : memref<!tpu.dma_semaphore, #tpu.memory_space<semaphore_mem>>) src(%arg7 : memref<80x16xf32, #tpu.memory_space<vmem>>) dst(%dma_wait3A_67 : memref<10000x16xf32, #tpu.memory_space<vmem_shared>>)
    %dma_wait3A_68 = arith.constant 0 : i32
    %dma_wait3A_69 = arith.constant 0 : i32
    %dma_wait3A_70 = tpu.memref_slice %arg6[%dma_wait3A_68, %dma_wait3A_69] : memref<125x80xi32, #tpu.memory_space<vmem>> -> memref<1x80xi32, #tpu.memory_space<vmem>>
    %dma_wait3A_71 = tpu.memref_squeeze %dma_wait3A_70 : memref<1x80xi32, #tpu.memory_space<vmem>> -> memref<80xi32, #tpu.memory_space<vmem>>
    %dma_wait3A_72 = arith.constant 0 : i32
    %dma_wait3A_73 = arith.constant 0 : i32
    %dma_wait3A_74 = tpu.memref_slice %arg12[%dma_wait3A_72, %dma_wait3A_73] : memref<10000x16xf32, #tpu.memory_space<vmem_shared>> -> memref<10000x16xf32, #tpu.memory_space<vmem_shared>>
    tpu.wait_indirect_dma semaphore(%arg18 : memref<!tpu.dma_semaphore, #tpu.memory_space<semaphore_mem>>) src(%arg8 : memref<80x16xf32, #tpu.memory_space<vmem>>) dst(%dma_wait3A_74 : memref<10000x16xf32, #tpu.memory_space<vmem_shared>>)
    %dma_wait3A_75 = arith.constant 0 : i32
    %dma_wait3A_76 = arith.constant 0 : i32
    %dma_wait3A_77 = tpu.memref_slice %arg6[%dma_wait3A_75, %dma_wait3A_76] : memref<125x80xi32, #tpu.memory_space<vmem>> -> memref<1x80xi32, #tpu.memory_space<vmem>>
    %dma_wait3A_78 = tpu.memref_squeeze %dma_wait3A_77 : memref<1x80xi32, #tpu.memory_space<vmem>> -> memref<80xi32, #tpu.memory_space<vmem>>
    %dma_wait3A_79 = arith.constant 0 : i32
    %dma_wait3A_80 = arith.constant 0 : i32
    %dma_wait3A_81 = tpu.memref_slice %arg12[%dma_wait3A_79, %dma_wait3A_80] : memref<10000x16xf32, #tpu.memory_space<vmem_shared>> -> memref<10000x16xf32, #tpu.memory_space<vmem_shared>>
    tpu.wait_indirect_dma semaphore(%arg19 : memref<!tpu.dma_semaphore, #tpu.memory_space<semaphore_mem>>) src(%arg9 : memref<80x16xf32, #tpu.memory_space<vmem>>) dst(%dma_wait3A_81 : memref<10000x16xf32, #tpu.memory_space<vmem_shared>>)
    %dma_wait3A_82 = arith.constant 0 : i32
    %dma_wait3A_83 = arith.constant 0 : i32
    %dma_wait3A_84 = tpu.memref_slice %arg6[%dma_wait3A_82, %dma_wait3A_83] : memref<125x80xi32, #tpu.memory_space<vmem>> -> memref<1x80xi32, #tpu.memory_space<vmem>>
    %dma_wait3A_85 = tpu.memref_squeeze %dma_wait3A_84 : memref<1x80xi32, #tpu.memory_space<vmem>> -> memref<80xi32, #tpu.memory_space<vmem>>
    %dma_wait3A_86 = arith.constant 0 : i32
    %dma_wait3A_87 = arith.constant 0 : i32
    %dma_wait3A_88 = tpu.memref_slice %arg12[%dma_wait3A_86, %dma_wait3A_87] : memref<10000x16xf32, #tpu.memory_space<vmem_shared>> -> memref<10000x16xf32, #tpu.memory_space<vmem_shared>>
    tpu.wait_indirect_dma semaphore(%arg20 : memref<!tpu.dma_semaphore, #tpu.memory_space<semaphore_mem>>) src(%arg10 : memref<80x16xf32, #tpu.memory_space<vmem>>) dst(%dma_wait3A_88 : memref<10000x16xf32, #tpu.memory_space<vmem_shared>>)
    %barrier3A_89 = arith.constant 0 : index
    tpu.barrier barrier_id(%barrier3A_89)
    %lt3A_90 = arith.constant 15 : i32
    %lt3A_91 = arith.cmpi slt, %arg1, %lt3A_90 : i32
    %convert_element_type3A_92 = arith.extui %lt3A_91 : i1 to i32
    %cond3A_93 = arith.constant 0 : i32
    %cond3A_94 = arith.cmpi ne, %convert_element_type3A_92, %cond3A_93 : i32
    scf.if %cond3A_94 {
      %mul3A_100 = arith.constant 632 : i32
      %mul3A_101 = arith.muli %arg1, %mul3A_100 : i32
      "tpu.region"() ({
        %run_scoped3A = tpu.sem_alloc : memref<!tpu.dma_semaphore, #tpu.memory_space<semaphore_mem>>
        %dma_start3A_104 = arith.constant 0 : i32
        %dma_start3A_105 = tpu.memref_slice %arg12[%mul3A_101, %dma_start3A_104] : memref<10000x16xf32, #tpu.memory_space<vmem_shared>> -> memref<632x16xf32, #tpu.memory_space<vmem_shared>>
        %dma_start3A_106 = arith.constant 0 : i32
        %dma_start3A_107 = tpu.memref_slice %arg12[%mul3A_101, %dma_start3A_106] : memref<10000x16xf32, #tpu.memory_space<vmem_shared>> -> memref<632x16xf32, #tpu.memory_space<vmem_shared>>
        tpu.enqueue_dma source(%dma_start3A_107 : memref<632x16xf32, #tpu.memory_space<vmem_shared>>) target(%arg11 : memref<632x16xf32, #tpu.memory_space<vmem>>) target_semaphore(%run_scoped3A : memref<!tpu.dma_semaphore, #tpu.memory_space<semaphore_mem>>)
        %dma_wait3A_108 = arith.constant 0 : i32
        %dma_wait3A_109 = tpu.memref_slice %arg12[%mul3A_101, %dma_wait3A_108] : memref<10000x16xf32, #tpu.memory_space<vmem_shared>> -> memref<632x16xf32, #tpu.memory_space<vmem_shared>>
        %dma_wait3A_110 = arith.constant 0 : i32
        %dma_wait3A_111 = tpu.memref_slice %arg12[%mul3A_101, %dma_wait3A_110] : memref<10000x16xf32, #tpu.memory_space<vmem_shared>> -> memref<632x16xf32, #tpu.memory_space<vmem_shared>>
        tpu.wait_dma2 semaphore(%run_scoped3A : memref<!tpu.dma_semaphore, #tpu.memory_space<semaphore_mem>>) src(%dma_wait3A_111 : memref<632x16xf32, #tpu.memory_space<vmem_shared>>) dst(%arg11 : memref<632x16xf32, #tpu.memory_space<vmem>>)
        tpu.yield
      }) : () -> ()
      %mul3A_102 = arith.constant 632 : i32
      %mul3A_103 = arith.muli %arg1, %mul3A_102 : i32
      "tpu.region"() ({
        %run_scoped3A = tpu.sem_alloc : memref<!tpu.dma_semaphore, #tpu.memory_space<semaphore_mem>>
        %dma_start3A_104 = arith.constant 0 : i32
        %dma_start3A_105 = tpu.memref_slice %arg4[%arg0, %mul3A_103, %dma_start3A_104] : memref<2x10000x16xf32, #tpu.memory_space<hbm>> -> memref<1x632x16xf32, #tpu.memory_space<hbm>>
        %dma_start3A_106 = tpu.memref_squeeze %dma_start3A_105 : memref<1x632x16xf32, #tpu.memory_space<hbm>> -> memref<632x16xf32, #tpu.memory_space<hbm>>
        %dma_start3A_107 = arith.constant 0 : i32
        %dma_start3A_108 = tpu.memref_slice %arg4[%arg0, %mul3A_103, %dma_start3A_107] : memref<2x10000x16xf32, #tpu.memory_space<hbm>> -> memref<1x632x16xf32, #tpu.memory_space<hbm>>
        %dma_start3A_109 = tpu.memref_squeeze %dma_start3A_108 : memref<1x632x16xf32, #tpu.memory_space<hbm>> -> memref<632x16xf32, #tpu.memory_space<hbm>>
        tpu.enqueue_dma source(%arg11 : memref<632x16xf32, #tpu.memory_space<vmem>>) target(%dma_start3A_109 : memref<632x16xf32, #tpu.memory_space<hbm>>) target_semaphore(%run_scoped3A : memref<!tpu.dma_semaphore, #tpu.memory_space<semaphore_mem>>)
        %dma_wait3A_110 = arith.constant 0 : i32
        %dma_wait3A_111 = tpu.memref_slice %arg4[%arg0, %mul3A_103, %dma_wait3A_110] : memref<2x10000x16xf32, #tpu.memory_space<hbm>> -> memref<1x632x16xf32, #tpu.memory_space<hbm>>
        %dma_wait3A_112 = tpu.memref_squeeze %dma_wait3A_111 : memref<1x632x16xf32, #tpu.memory_space<hbm>> -> memref<632x16xf32, #tpu.memory_space<hbm>>
        %dma_wait3A_113 = arith.constant 0 : i32
        %dma_wait3A_114 = tpu.memref_slice %arg4[%arg0, %mul3A_103, %dma_wait3A_113] : memref<2x10000x16xf32, #tpu.memory_space<hbm>> -> memref<1x632x16xf32, #tpu.memory_space<hbm>>
        %dma_wait3A_115 = tpu.memref_squeeze %dma_wait3A_114 : memref<1x632x16xf32, #tpu.memory_space<hbm>> -> memref<632x16xf32, #tpu.memory_space<hbm>>
        tpu.wait_dma2 semaphore(%run_scoped3A : memref<!tpu.dma_semaphore, #tpu.memory_space<semaphore_mem>>) src(%arg11 : memref<632x16xf32, #tpu.memory_space<vmem>>) dst(%dma_wait3A_115 : memref<632x16xf32, #tpu.memory_space<hbm>>)
        tpu.yield
      }) : () -> ()
    } else {
    }
    %eq3A_95 = arith.constant 15 : i32
    %eq3A_96 = arith.cmpi eq, %arg1, %eq3A_95 : i32
    %convert_element_type3A_97 = arith.extui %eq3A_96 : i1 to i32
    %cond3A_98 = arith.constant 0 : i32
    %cond3A_99 = arith.cmpi ne, %convert_element_type3A_97, %cond3A_98 : i32
    scf.if %cond3A_99 {
      "tpu.region"() ({
        %run_scoped3A = tpu.sem_alloc : memref<!tpu.dma_semaphore, #tpu.memory_space<semaphore_mem>>
        %dma_start3A_100 = arith.constant 0 : i32
        %dma_start3A_101 = arith.constant 0 : i32
        %dma_start3A_102 = tpu.memref_slice %arg11[%dma_start3A_100, %dma_start3A_101] : memref<632x16xf32, #tpu.memory_space<vmem>> -> memref<520x16xf32, #tpu.memory_space<vmem>>
        %dma_start3A_103 = arith.constant 9480 : i32
        %dma_start3A_104 = arith.constant 0 : i32
        %dma_start3A_105 = tpu.memref_slice %arg12[%dma_start3A_103, %dma_start3A_104] : memref<10000x16xf32, #tpu.memory_space<vmem_shared>> -> memref<520x16xf32, #tpu.memory_space<vmem_shared>>
        %dma_start3A_106 = arith.constant 0 : i32
        %dma_start3A_107 = arith.constant 0 : i32
        %dma_start3A_108 = tpu.memref_slice %arg11[%dma_start3A_106, %dma_start3A_107] : memref<632x16xf32, #tpu.memory_space<vmem>> -> memref<520x16xf32, #tpu.memory_space<vmem>>
        %dma_start3A_109 = arith.constant 9480 : i32
        %dma_start3A_110 = arith.constant 0 : i32
        %dma_start3A_111 = tpu.memref_slice %arg12[%dma_start3A_109, %dma_start3A_110] : memref<10000x16xf32, #tpu.memory_space<vmem_shared>> -> memref<520x16xf32, #tpu.memory_space<vmem_shared>>
        tpu.enqueue_dma source(%dma_start3A_111 : memref<520x16xf32, #tpu.memory_space<vmem_shared>>) target(%dma_start3A_108 : memref<520x16xf32, #tpu.memory_space<vmem>>) target_semaphore(%run_scoped3A : memref<!tpu.dma_semaphore, #tpu.memory_space<semaphore_mem>>)
        %dma_wait3A_112 = arith.constant 0 : i32
        %dma_wait3A_113 = arith.constant 0 : i32
        %dma_wait3A_114 = tpu.memref_slice %arg11[%dma_wait3A_112, %dma_wait3A_113] : memref<632x16xf32, #tpu.memory_space<vmem>> -> memref<520x16xf32, #tpu.memory_space<vmem>>
        %dma_wait3A_115 = arith.constant 9480 : i32
        %dma_wait3A_116 = arith.constant 0 : i32
        %dma_wait3A_117 = tpu.memref_slice %arg12[%dma_wait3A_115, %dma_wait3A_116] : memref<10000x16xf32, #tpu.memory_space<vmem_shared>> -> memref<520x16xf32, #tpu.memory_space<vmem_shared>>
        %dma_wait3A_118 = arith.constant 0 : i32
        %dma_wait3A_119 = arith.constant 0 : i32
        %dma_wait3A_120 = tpu.memref_slice %arg11[%dma_wait3A_118, %dma_wait3A_119] : memref<632x16xf32, #tpu.memory_space<vmem>> -> memref<520x16xf32, #tpu.memory_space<vmem>>
        %dma_wait3A_121 = arith.constant 9480 : i32
        %dma_wait3A_122 = arith.constant 0 : i32
        %dma_wait3A_123 = tpu.memref_slice %arg12[%dma_wait3A_121, %dma_wait3A_122] : memref<10000x16xf32, #tpu.memory_space<vmem_shared>> -> memref<520x16xf32, #tpu.memory_space<vmem_shared>>
        tpu.wait_dma2 semaphore(%run_scoped3A : memref<!tpu.dma_semaphore, #tpu.memory_space<semaphore_mem>>) src(%dma_wait3A_123 : memref<520x16xf32, #tpu.memory_space<vmem_shared>>) dst(%dma_wait3A_120 : memref<520x16xf32, #tpu.memory_space<vmem>>)
        tpu.yield
      }) : () -> ()
      "tpu.region"() ({
        %run_scoped3A = tpu.sem_alloc : memref<!tpu.dma_semaphore, #tpu.memory_space<semaphore_mem>>
        %dma_start3A_100 = arith.constant 0 : i32
        %dma_start3A_101 = arith.constant 0 : i32
        %dma_start3A_102 = tpu.memref_slice %arg11[%dma_start3A_100, %dma_start3A_101] : memref<632x16xf32, #tpu.memory_space<vmem>> -> memref<520x16xf32, #tpu.memory_space<vmem>>
        %dma_start3A_103 = arith.constant 9480 : i32
        %dma_start3A_104 = arith.constant 0 : i32
        %dma_start3A_105 = tpu.memref_slice %arg4[%arg0, %dma_start3A_103, %dma_start3A_104] : memref<2x10000x16xf32, #tpu.memory_space<hbm>> -> memref<1x520x16xf32, #tpu.memory_space<hbm>>
        %dma_start3A_106 = tpu.memref_squeeze %dma_start3A_105 : memref<1x520x16xf32, #tpu.memory_space<hbm>> -> memref<520x16xf32, #tpu.memory_space<hbm>>
        %dma_start3A_107 = arith.constant 9480 : i32
        %dma_start3A_108 = arith.constant 0 : i32
        %dma_start3A_109 = tpu.memref_slice %arg4[%arg0, %dma_start3A_107, %dma_start3A_108] : memref<2x10000x16xf32, #tpu.memory_space<hbm>> -> memref<1x520x16xf32, #tpu.memory_space<hbm>>
        %dma_start3A_110 = tpu.memref_squeeze %dma_start3A_109 : memref<1x520x16xf32, #tpu.memory_space<hbm>> -> memref<520x16xf32, #tpu.memory_space<hbm>>
        %dma_start3A_111 = arith.constant 0 : i32
        %dma_start3A_112 = arith.constant 0 : i32
        %dma_start3A_113 = tpu.memref_slice %arg11[%dma_start3A_111, %dma_start3A_112] : memref<632x16xf32, #tpu.memory_space<vmem>> -> memref<520x16xf32, #tpu.memory_space<vmem>>
        tpu.enqueue_dma source(%dma_start3A_113 : memref<520x16xf32, #tpu.memory_space<vmem>>) target(%dma_start3A_110 : memref<520x16xf32, #tpu.memory_space<hbm>>) target_semaphore(%run_scoped3A : memref<!tpu.dma_semaphore, #tpu.memory_space<semaphore_mem>>)
        %dma_wait3A_114 = arith.constant 0 : i32
        %dma_wait3A_115 = arith.constant 0 : i32
        %dma_wait3A_116 = tpu.memref_slice %arg11[%dma_wait3A_114, %dma_wait3A_115] : memref<632x16xf32, #tpu.memory_space<vmem>> -> memref<520x16xf32, #tpu.memory_space<vmem>>
        %dma_wait3A_117 = arith.constant 9480 : i32
        %dma_wait3A_118 = arith.constant 0 : i32
        %dma_wait3A_119 = tpu.memref_slice %arg4[%arg0, %dma_wait3A_117, %dma_wait3A_118] : memref<2x10000x16xf32, #tpu.memory_space<hbm>> -> memref<1x520x16xf32, #tpu.memory_space<hbm>>
        %dma_wait3A_120 = tpu.memref_squeeze %dma_wait3A_119 : memref<1x520x16xf32, #tpu.memory_space<hbm>> -> memref<520x16xf32, #tpu.memory_space<hbm>>
        %dma_wait3A_121 = arith.constant 9480 : i32
        %dma_wait3A_122 = arith.constant 0 : i32
        %dma_wait3A_123 = tpu.memref_slice %arg4[%arg0, %dma_wait3A_121, %dma_wait3A_122] : memref<2x10000x16xf32, #tpu.memory_space<hbm>> -> memref<1x520x16xf32, #tpu.memory_space<hbm>>
        %dma_wait3A_124 = tpu.memref_squeeze %dma_wait3A_123 : memref<1x520x16xf32, #tpu.memory_space<hbm>> -> memref<520x16xf32, #tpu.memory_space<hbm>>
        %dma_wait3A_125 = arith.constant 0 : i32
        %dma_wait3A_126 = arith.constant 0 : i32
        %dma_wait3A_127 = tpu.memref_slice %arg11[%dma_wait3A_125, %dma_wait3A_126] : memref<632x16xf32, #tpu.memory_space<vmem>> -> memref<520x16xf32, #tpu.memory_space<vmem>>
        tpu.wait_dma2 semaphore(%run_scoped3A : memref<!tpu.dma_semaphore, #tpu.memory_space<semaphore_mem>>) src(%dma_wait3A_127 : memref<520x16xf32, #tpu.memory_space<vmem>>) dst(%dma_wait3A_124 : memref<520x16xf32, #tpu.memory_space<hbm>>)
        tpu.yield
      }) : () -> ()
    } else {
    }
    return
  }
}

module attributes {stable_mosaic.version = 14 : i64} {
  func.func @_tc1_body(%arg0: i32, %arg1: memref<2048x128xf32, #tpu.memory_space<vmem>>, %arg2: memref<128x16xf32, #tpu.memory_space<vmem>>, %arg3: memref<2048xf32, #tpu.memory_space<vmem>>, %arg4: memref<2048xf32, #tpu.memory_space<vmem>>, %arg5: memref<2048x16xf32, #tpu.memory_space<vmem>>, %arg6: memref<2048x1xf32, #tpu.memory_space<vmem>>) attributes {dimension_semantics = [#tpu.dimension_semantics<arbitrary>], iteration_bounds = array<i64: 5>, scalar_prefetch = 0 : i64, scratch_operands = 0 : i64, tpu.core_type = #tpu.core_type<tc>, window_params = [{transform_indices = @transform_0, window_bounds = array<i64: 2048, 128>}, {pipeline_mode = #tpu.pipeline_mode<synchronous>, transform_indices = @transform_1, window_bounds = array<i64: 128, 16>}, {transform_indices = @transform_2, window_bounds = array<i64: 2048>}, {transform_indices = @transform_3, window_bounds = array<i64: 2048>}, {transform_indices = @transform_4, window_bounds = array<i64: 2048, 16>}, {transform_indices = @transform_5, window_bounds = array<i64: 2048, 1>}]} {
    %get3A = arith.constant 0 : index
    %get3A_0 = vector.load %arg3[%get3A] : memref<2048xf32, #tpu.memory_space<vmem>>, vector<2048xf32>
    %get3A_1 = arith.constant 0 : index
    %get3A_2 = vector.load %arg4[%get3A_1] : memref<2048xf32, #tpu.memory_space<vmem>>, vector<2048xf32>
    %add3A = arith.addf %get3A_0, %get3A_2 : vector<2048xf32>
    %add3A_3 = arith.constant 1.000000e+00 : f32
    %add3A_4 = vector.broadcast %add3A_3 : f32 to vector<2048xf32>
    %add3A_5 = arith.addf %add3A, %add3A_4 : vector<2048xf32>
    %rsqrt3A = math.rsqrt %add3A_5 : vector<2048xf32>
    %reshape3A = vector.shape_cast %rsqrt3A : vector<2048xf32> to vector<2048x1xf32>
    %get3A_6 = arith.constant 0 : index
    %get3A_7 = arith.constant 0 : index
    %get3A_8 = vector.load %arg1[%get3A_6, %get3A_7] : memref<2048x128xf32, #tpu.memory_space<vmem>>, vector<2048x128xf32>
    %get3A_9 = arith.constant 0 : index
    %get3A_10 = arith.constant 0 : index
    %get3A_11 = vector.load %arg2[%get3A_9, %get3A_10] : memref<128x16xf32, #tpu.memory_space<vmem>>, vector<128x16xf32>
    %dot_general3A = arith.constant dense<0.000000e+00> : vector<2048x16xf32>
    %dot_general3A_12 = tpu.matmul %get3A_8, %get3A_11, %dot_general3A {dimension_numbers = #tpu.dot_dimension_numbers<[1], [0], [0], [1], [0, 0, 1, 1], [], []>, transpose_lhs_hint = false} : vector<2048x128xf32>, vector<128x16xf32>, vector<2048x16xf32> -> vector<2048x16xf32>
    %mul3A = vector.broadcast %reshape3A : vector<2048x1xf32> to vector<2048x16xf32>
    %mul3A_13 = arith.mulf %dot_general3A_12, %mul3A : vector<2048x16xf32>
    %swap3A = arith.constant 0 : index
    %swap3A_14 = arith.constant 0 : index
    %swap3A_15 = vector.load %arg5[%swap3A, %swap3A_14] : memref<2048x16xf32, #tpu.memory_space<vmem>>, vector<2048x16xf32>
    tpu.vector_store %arg5[%swap3A, %swap3A_14], %mul3A_13 {strides = array<i32>} : memref<2048x16xf32, #tpu.memory_space<vmem>>, vector<2048x16xf32>,
    %swap3A_16 = arith.constant 0 : index
    %swap3A_17 = arith.constant 0 : index
    %swap3A_18 = vector.load %arg6[%swap3A_16, %swap3A_17] : memref<2048x1xf32, #tpu.memory_space<vmem>>, vector<2048x1xf32>
    tpu.vector_store %arg6[%swap3A_16, %swap3A_17], %reshape3A {strides = array<i32>} : memref<2048x1xf32, #tpu.memory_space<vmem>>, vector<2048x1xf32>,
    return
  }
  func.func @transform_0(%arg0: i32) -> (i32, i32) {
    %c0_i32 = arith.constant 0 : i32
    %c0_i32_0 = arith.constant 0 : i32
    return %arg0, %c0_i32 : i32, i32
  }
  func.func @transform_1(%arg0: i32) -> (i32, i32) {
    %c0_i32 = arith.constant 0 : i32
    %c0_i32_0 = arith.constant 0 : i32
    %c0_i32_1 = arith.constant 0 : i32
    return %c0_i32, %c0_i32_0 : i32, i32
  }
  func.func @transform_2(%arg0: i32) -> i32 {
    %c0_i32 = arith.constant 0 : i32
    return %arg0 : i32
  }
  func.func @transform_3(%arg0: i32) -> i32 {
    %c0_i32 = arith.constant 0 : i32
    return %arg0 : i32
  }
  func.func @transform_4(%arg0: i32) -> (i32, i32) {
    %c0_i32 = arith.constant 0 : i32
    %c0_i32_0 = arith.constant 0 : i32
    return %arg0, %c0_i32 : i32, i32
  }
  func.func @transform_5(%arg0: i32) -> (i32, i32) {
    %c0_i32 = arith.constant 0 : i32
    %c0_i32_0 = arith.constant 0 : i32
    return %arg0, %c0_i32 : i32, i32
  }
}

module attributes {stable_mosaic.version = 14 : i64} {
  func.func @_tc2_body(%arg0: i32, %arg1: memref<2x2048x16xf32, #tpu.memory_space<vmem>>, %arg2: memref<2048x16xf32, #tpu.memory_space<vmem>>, %arg3: memref<2048x1xf32, #tpu.memory_space<vmem>>, %arg4: memref<1x16xf32, #tpu.memory_space<vmem>>, %arg5: memref<16x40xf32, #tpu.memory_space<vmem>>, %arg6: memref<2048x40xf32, #tpu.memory_space<vmem>>) attributes {dimension_semantics = [#tpu.dimension_semantics<arbitrary>], iteration_bounds = array<i64: 5>, scalar_prefetch = 0 : i64, scratch_operands = 0 : i64, tpu.core_type = #tpu.core_type<tc>, window_params = [{transform_indices = @transform_0, window_bounds = array<i64: 2, 2048, 16>}, {transform_indices = @transform_1, window_bounds = array<i64: 2048, 16>}, {transform_indices = @transform_2, window_bounds = array<i64: 2048, 1>}, {pipeline_mode = #tpu.pipeline_mode<synchronous>, transform_indices = @transform_3, window_bounds = array<i64: 1, 16>}, {pipeline_mode = #tpu.pipeline_mode<synchronous>, transform_indices = @transform_4, window_bounds = array<i64: 16, 40>}, {transform_indices = @transform_5, window_bounds = array<i64: 2048, 40>}]} {
    %get3A = arith.constant 0 : index
    %get3A_0 = arith.constant 0 : index
    %get3A_1 = vector.load %arg3[%get3A, %get3A_0] : memref<2048x1xf32, #tpu.memory_space<vmem>>, vector<2048x1xf32>
    %get3A_2 = arith.constant 0 : index
    %get3A_3 = arith.constant 0 : index
    %get3A_4 = arith.constant 0 : index
    %get3A_5 = vector.load %arg1[%get3A_2, %get3A_3, %get3A_4] : memref<2x2048x16xf32, #tpu.memory_space<vmem>>, vector<1x2048x16xf32>
    %get3A_6 = vector.shape_cast %get3A_5 : vector<1x2048x16xf32> to vector<2048x16xf32>
    %get3A_7 = arith.constant 1 : index
    %get3A_8 = arith.constant 0 : index
    %get3A_9 = arith.constant 0 : index
    %get3A_10 = vector.load %arg1[%get3A_7, %get3A_8, %get3A_9] : memref<2x2048x16xf32, #tpu.memory_space<vmem>>, vector<1x2048x16xf32>
    %get3A_11 = vector.shape_cast %get3A_10 : vector<1x2048x16xf32> to vector<2048x16xf32>
    %add3A = arith.addf %get3A_6, %get3A_11 : vector<2048x16xf32>
    %get3A_12 = arith.constant 0 : index
    %get3A_13 = arith.constant 0 : index
    %get3A_14 = vector.load %arg2[%get3A_12, %get3A_13] : memref<2048x16xf32, #tpu.memory_space<vmem>>, vector<2048x16xf32>
    %sub3A = arith.subf %add3A, %get3A_14 : vector<2048x16xf32>
    %mul3A = vector.broadcast %get3A_1 : vector<2048x1xf32> to vector<2048x16xf32>
    %mul3A_15 = arith.mulf %sub3A, %mul3A : vector<2048x16xf32>
    %get3A_16 = arith.constant 0 : index
    %get3A_17 = arith.constant 0 : index
    %get3A_18 = vector.load %arg4[%get3A_16, %get3A_17] : memref<1x16xf32, #tpu.memory_space<vmem>>, vector<1x16xf32>
    %add3A_19 = vector.broadcast %get3A_18 : vector<1x16xf32> to vector<2048x16xf32>
    %add3A_20 = arith.addf %mul3A_15, %add3A_19 : vector<2048x16xf32>
    %max3A = arith.constant 0.000000e+00 : f32
    %max3A_21 = vector.broadcast %max3A : f32 to vector<2048x16xf32>
    %max3A_22 = arith.maximumf %add3A_20, %max3A_21 : vector<2048x16xf32>
    %get3A_23 = arith.constant 0 : index
    %get3A_24 = arith.constant 0 : index
    %get3A_25 = vector.load %arg5[%get3A_23, %get3A_24] : memref<16x40xf32, #tpu.memory_space<vmem>>, vector<16x40xf32>
    %dot_general3A = arith.constant dense<0.000000e+00> : vector<2048x40xf32>
    %dot_general3A_26 = tpu.matmul %max3A_22, %get3A_25, %dot_general3A {dimension_numbers = #tpu.dot_dimension_numbers<[1], [0], [0], [1], [0, 0, 1, 1], [], []>, transpose_lhs_hint = false} : vector<2048x16xf32>, vector<16x40xf32>, vector<2048x40xf32> -> vector<2048x40xf32>
    %mul3A_27 = vector.broadcast %get3A_1 : vector<2048x1xf32> to vector<2048x40xf32>
    %mul3A_28 = arith.mulf %dot_general3A_26, %mul3A_27 : vector<2048x40xf32>
    %swap3A = arith.constant 0 : index
    %swap3A_29 = arith.constant 0 : index
    %swap3A_30 = vector.load %arg6[%swap3A, %swap3A_29] : memref<2048x40xf32, #tpu.memory_space<vmem>>, vector<2048x40xf32>
    tpu.vector_store %arg6[%swap3A, %swap3A_29], %mul3A_28 {strides = array<i32>} : memref<2048x40xf32, #tpu.memory_space<vmem>>, vector<2048x40xf32>,
    return
  }
  func.func @transform_0(%arg0: i32) -> (i32, i32, i32) {
    %c0_i32 = arith.constant 0 : i32
    %c0_i32_0 = arith.constant 0 : i32
    %c0_i32_1 = arith.constant 0 : i32
    return %c0_i32, %arg0, %c0_i32_0 : i32, i32, i32
  }
  func.func @transform_1(%arg0: i32) -> (i32, i32) {
    %c0_i32 = arith.constant 0 : i32
    %c0_i32_0 = arith.constant 0 : i32
    return %arg0, %c0_i32 : i32, i32
  }
  func.func @transform_2(%arg0: i32) -> (i32, i32) {
    %c0_i32 = arith.constant 0 : i32
    %c0_i32_0 = arith.constant 0 : i32
    return %arg0, %c0_i32 : i32, i32
  }
  func.func @transform_3(%arg0: i32) -> (i32, i32) {
    %c0_i32 = arith.constant 0 : i32
    %c0_i32_0 = arith.constant 0 : i32
    %c0_i32_1 = arith.constant 0 : i32
    return %c0_i32, %c0_i32_0 : i32, i32
  }
  func.func @transform_4(%arg0: i32) -> (i32, i32) {
    %c0_i32 = arith.constant 0 : i32
    %c0_i32_0 = arith.constant 0 : i32
    %c0_i32_1 = arith.constant 0 : i32
    return %c0_i32, %c0_i32_0 : i32, i32
  }
  func.func @transform_5(%arg0: i32) -> (i32, i32) {
    %c0_i32 = arith.constant 0 : i32
    %c0_i32_0 = arith.constant 0 : i32
    return %arg0, %c0_i32 : i32, i32
  }
}

module attributes {stable_mosaic.version = 14 : i64} {
  func.func @_tc3_body(%arg0: i32, %arg1: memref<2x2048x40xf32, #tpu.memory_space<vmem>>, %arg2: memref<2048x40xf32, #tpu.memory_space<vmem>>, %arg3: memref<2048x1xf32, #tpu.memory_space<vmem>>, %arg4: memref<1x40xf32, #tpu.memory_space<vmem>>, %arg5: memref<2048x40xf32, #tpu.memory_space<vmem>>) attributes {dimension_semantics = [#tpu.dimension_semantics<arbitrary>], iteration_bounds = array<i64: 5>, scalar_prefetch = 0 : i64, scratch_operands = 0 : i64, tpu.core_type = #tpu.core_type<tc>, window_params = [{transform_indices = @transform_0, window_bounds = array<i64: 2, 2048, 40>}, {transform_indices = @transform_1, window_bounds = array<i64: 2048, 40>}, {transform_indices = @transform_2, window_bounds = array<i64: 2048, 1>}, {pipeline_mode = #tpu.pipeline_mode<synchronous>, transform_indices = @transform_3, window_bounds = array<i64: 1, 40>}, {transform_indices = @transform_4, window_bounds = array<i64: 2048, 40>}]} {
    %get3A = arith.constant 0 : index
    %get3A_0 = arith.constant 0 : index
    %get3A_1 = arith.constant 0 : index
    %get3A_2 = vector.load %arg1[%get3A, %get3A_0, %get3A_1] : memref<2x2048x40xf32, #tpu.memory_space<vmem>>, vector<1x2048x40xf32>
    %get3A_3 = vector.shape_cast %get3A_2 : vector<1x2048x40xf32> to vector<2048x40xf32>
    %get3A_4 = arith.constant 1 : index
    %get3A_5 = arith.constant 0 : index
    %get3A_6 = arith.constant 0 : index
    %get3A_7 = vector.load %arg1[%get3A_4, %get3A_5, %get3A_6] : memref<2x2048x40xf32, #tpu.memory_space<vmem>>, vector<1x2048x40xf32>
    %get3A_8 = vector.shape_cast %get3A_7 : vector<1x2048x40xf32> to vector<2048x40xf32>
    %add3A = arith.addf %get3A_3, %get3A_8 : vector<2048x40xf32>
    %get3A_9 = arith.constant 0 : index
    %get3A_10 = arith.constant 0 : index
    %get3A_11 = vector.load %arg2[%get3A_9, %get3A_10] : memref<2048x40xf32, #tpu.memory_space<vmem>>, vector<2048x40xf32>
    %sub3A = arith.subf %add3A, %get3A_11 : vector<2048x40xf32>
    %get3A_12 = arith.constant 0 : index
    %get3A_13 = arith.constant 0 : index
    %get3A_14 = vector.load %arg3[%get3A_12, %get3A_13] : memref<2048x1xf32, #tpu.memory_space<vmem>>, vector<2048x1xf32>
    %mul3A = vector.broadcast %get3A_14 : vector<2048x1xf32> to vector<2048x40xf32>
    %mul3A_15 = arith.mulf %sub3A, %mul3A : vector<2048x40xf32>
    %get3A_16 = arith.constant 0 : index
    %get3A_17 = arith.constant 0 : index
    %get3A_18 = vector.load %arg4[%get3A_16, %get3A_17] : memref<1x40xf32, #tpu.memory_space<vmem>>, vector<1x40xf32>
    %add3A_19 = vector.broadcast %get3A_18 : vector<1x40xf32> to vector<2048x40xf32>
    %add3A_20 = arith.addf %mul3A_15, %add3A_19 : vector<2048x40xf32>
    %reduce_max3A = arith.constant dense<0xFF800000> : vector<2048xf32>
    %reduce_max3A_21 = vector.multi_reduction <maximumf>, %add3A_20, %reduce_max3A [1] : vector<2048x40xf32> to vector<2048xf32>
    %broadcast_in_dim3A = vector.shape_cast %reduce_max3A_21 : vector<2048xf32> to vector<2048x1xf32>
    %sub3A_22 = vector.broadcast %broadcast_in_dim3A : vector<2048x1xf32> to vector<2048x40xf32>
    %sub3A_23 = arith.subf %add3A_20, %sub3A_22 : vector<2048x40xf32>
    %exp3A = math.exp %sub3A_23 : vector<2048x40xf32>
    %reduce_sum3A = arith.constant dense<0.000000e+00> : vector<2048xf32>
    %reduce_sum3A_24 = vector.multi_reduction <add>, %exp3A, %reduce_sum3A [1] : vector<2048x40xf32> to vector<2048xf32>
    %broadcast_in_dim3A_25 = vector.shape_cast %reduce_sum3A_24 : vector<2048xf32> to vector<2048x1xf32>
    %sub3A_26 = vector.broadcast %broadcast_in_dim3A : vector<2048x1xf32> to vector<2048x40xf32>
    %sub3A_27 = arith.subf %add3A_20, %sub3A_26 : vector<2048x40xf32>
    %log3A = math.log %broadcast_in_dim3A_25 : vector<2048x1xf32>
    %sub3A_28 = vector.broadcast %log3A : vector<2048x1xf32> to vector<2048x40xf32>
    %sub3A_29 = arith.subf %sub3A_27, %sub3A_28 : vector<2048x40xf32>
    %swap3A = arith.constant 0 : index
    %swap3A_30 = arith.constant 0 : index
    %swap3A_31 = vector.load %arg5[%swap3A, %swap3A_30] : memref<2048x40xf32, #tpu.memory_space<vmem>>, vector<2048x40xf32>
    tpu.vector_store %arg5[%swap3A, %swap3A_30], %sub3A_29 {strides = array<i32>} : memref<2048x40xf32, #tpu.memory_space<vmem>>, vector<2048x40xf32>,
    return
  }
  func.func @transform_0(%arg0: i32) -> (i32, i32, i32) {
    %c0_i32 = arith.constant 0 : i32
    %c0_i32_0 = arith.constant 0 : i32
    %c0_i32_1 = arith.constant 0 : i32
    return %c0_i32, %arg0, %c0_i32_0 : i32, i32, i32
  }
  func.func @transform_1(%arg0: i32) -> (i32, i32) {
    %c0_i32 = arith.constant 0 : i32
    %c0_i32_0 = arith.constant 0 : i32
    return %arg0, %c0_i32 : i32, i32
  }
  func.func @transform_2(%arg0: i32) -> (i32, i32) {
    %c0_i32 = arith.constant 0 : i32
    %c0_i32_0 = arith.constant 0 : i32
    return %arg0, %c0_i32 : i32, i32
  }
  func.func @transform_3(%arg0: i32) -> (i32, i32) {
    %c0_i32 = arith.constant 0 : i32
    %c0_i32_0 = arith.constant 0 : i32
    %c0_i32_1 = arith.constant 0 : i32
    return %c0_i32, %c0_i32_0 : i32, i32
  }
  func.func @transform_4(%arg0: i32) -> (i32, i32) {
    %c0_i32 = arith.constant 0 : i32
    %c0_i32_0 = arith.constant 0 : i32
    return %arg0, %c0_i32 : i32, i32
  }
}

</mosaic_0001>

<sc_bundles>
// kernel: kernel.11.cloned.1.call-start
scs
__scs_entry_jumppad:
0x0: {  	(pc) =	sbr.rel $0x88, $3  }
0x1: {  	(tag) =	ssettag $0x0;
	lr =	simm.s32 $0x1  }
0x2: {  	[smem:$0x3F9B] =	sst lr;
	_ =	strace $0xD0000000  }
0x3: {  	_ = 	snop  }
0x4: {  	_ = 	snop  }
0x5: {  	_ = 	snop  }
0x6: {  	_ = 	snop  }
0x7: {  	_ = 	snop  }
__scs_overlays_trampoline_lowered:
0x8: {  	[smem:$0x3FAA] =	sst s0  }
0x9: {  	[smem:$0x3FAB] =	sst s1  }
0xa: {  	[smem:$0x3FAC] =	sst s2  }
0xb: {  	[smem:$0x3FAD] =	sst s3  }
0xc: {  	[smem:$0x3FAE] =	sst s4  }
0xd: {  	[smem:$0x3FAF] =	sst s5  }
0xe: {  	[smem:$0x3FB0] =	sst s6  }
0xf: {  	[smem:$0x3FB1] =	sst s7  }
0x10: {  	[smem:$0x3FB2] =	sst s8  }
0x11: {  	[smem:$0x3FB3] =	sst s9;
	s0 =	simm.s32 @!p0 $0x0  }
0x12: {  	s1 =	sld [smem:$0x3F99];
	s0 =	simm.s32 @p0 $0x1  }
0x13: {  	[smem:$0x3FB4] =	sst s0;
	s0 =	simm.s32 @!p1 $0x0  }
0x14: {  	s2 =	sld [smem:$0x3F98];
	s0 =	simm.s32 @p1 $0x1  }
0x15: {  	[smem:$0x3FB5] =	sst s0;
	s0 =	simm.s32 @!p2 $0x0  }
0x16: {  	s3 =	sld [smem:$0x3FDB];
	s0 =	simm.s32 @p2 $0x1  }
0x17: {  	s4 =	simm.s32 $0x1BF5;
	[smem:$0x3FB7] =	sst s0  }
0x18: {  	s0 =	sld [smem:$0x3F9A];
	_ =	swait.ge [sflag:s4], $0x0  }
0x19: {  	s7 =	sld [smem:$0x3F9B]  }
0x1a: {  	s8 =	sadd.s32 $0xFFFFE003, lr  }
0x1b: {  	s9 =	sadd.s32 $0xFFFFFEF7, lr;
	s5 =	simm.s32 $0xFFFFFFFF;
	p2 =	slt.u32 s8, $0xFFFFF086  }
0x1c: {  	p1 =	slt.u32 s9, $0xF7A;
	s5 =	simm.s32 @!p2 $0x0  }
0x1d: {  	s5 =	simm.s32 @p1 $0x1;
	p0 =	seq.s32 s7, s2  }
0x1e: {  	s7 =	smul.u32 @!p0 $0xF7A, s2;
	p2 =	seq.s32 @!p0 s5, $0x0  }
0x1f: {  	s9 =	smul.u32 $0xF7A, s1;
	s8 =	simm.s32 @!p0 $0x1BF5;
	p2 =	por !p2, p0  }
0x20: {  	[sflag:s8] =	ssyncset.s32 @!p0 $0xFFFFF086;
	s6 =	sadd.s32 @!p0 s3, s7;
	s7 =	simm.s32 @!p0 $0x108  }
0x21: {  	s3 =	sadd.s32 s3, s9;
	s6 =	sadd.s32 @!p0 $0x88, s6;
	s7 =	simm.s32 @p2 $0x1082  }
0x22: {  	[simem:s7], [sflag:s8] =	dma.local @!p0 [hbm:s6], $0xF7A  }
0x23: {  	s9 =	sor.u32 $0xD0000000, s2;
	s6 =	simm.s32 $0x108;
	_ =	swait.ge @!p0 [sflag:s8], $0x0  }
0x24: {  	s3 =	sadd.s32 $0x88, s3;
	s6 =	simm.s32 @!p1 $0x1082;
	[sflag:s4] =	ssyncset.s32 $0xFFFFF086  }
0x25: {  	[simem:s6], [sflag:s4] =	dma.local [hbm:s3], $0xF7A  }
0x26: {  	[smem:$0x3F9B] =	sst s1;
	(tag) =	ssettag s2;
	_ =	strace s9  }
0x27: {  	s1 =	sld [smem:$0x3FAB]  }
0x28: {  	s2 =	sld [smem:$0x3FAC]  }
0x29: {  	s4 =	sld [smem:$0x3FAE]  }
0x2a: {  	p0 =	seq.s32 s5, $0x0;
	s5 =	sld [smem:$0x3FAF]  }
0x2b: {  	s6 =	sld [smem:$0x3FB0]  }
0x2c: {  	s7 =	sld [smem:$0x3FB1]  }
0x2d: {  	s3 =	simm.s32 $0x108;
	s8 =	sld [smem:$0x3FB2]  }
0x2e: {  	s3 =	simm.s32 @!p0 $0x1082;
	s9 =	sld [smem:$0x3FB3]  }
0x2f: {  	lr =	sadd.s32 s0, s3;
	s0 =	sld [smem:$0x3FAA]  }
0x30: {  	s3 =	sld [smem:$0x3FAD]  }
0x31: {  	[smem:$0x3FB6] =	sst s10  }
0x32: {  	s10 =	sld [smem:$0x3FB4];
	_ =	sdelay $0x3  }
0x33: {  	p0 =	seq.s32 s10, $0x1;
	s10 =	sld [smem:$0x3FB6];
	_ =	sdelay $0x3  }
0x34: {  	[smem:$0x3FB6] =	sst s10  }
0x35: {  	s10 =	sld [smem:$0x3FB5];
	_ =	sdelay $0x3  }
0x36: {  	p1 =	seq.s32 s10, $0x1;
	s10 =	sld [smem:$0x3FB6];
	_ =	sdelay $0x3  }
0x37: {  	[smem:$0x3FB6] =	sst s10  }
0x38: {  	s10 =	sld [smem:$0x3FB7]  }
0x39: {  	_ = 	snop;
	(pc) =	sbr.ind lr, $3  }
0x3a: {  	_ = 	snop  }
0x3b: {  	_ = 	snop  }
0x3c: {  	p2 =	seq.s32 s10, $0x1;
	s10 =	sld [smem:$0x3FB6]  }
0x3d: {  	_ =	shalt  }
0x3e: {  	_ =	shalt  }
0x3f: {  	_ =	shalt  }
0x40: {  	_ =	shalt  }
0x41: {  	_ =	shalt  }
0x42: {  	_ =	shalt  }
0x43: {  	_ =	shalt  }
0x44: {  	_ =	shalt  }
0x45: {  	_ =	shalt  }
0x46: {  	_ =	shalt  }
0x47: {  	_ =	shalt  }
0x48: {  	_ =	shalt  }
0x49: {  	_ =	shalt  }
0x4a: {  	_ =	shalt  }
0x4b: {  	_ =	shalt  }
0x4c: {  	_ =	shalt  }
0x4d: {  	_ =	shalt  }
0x4e: {  	_ =	shalt  }
0x4f: {  	_ =	shalt  }
0x50: {  	_ =	shalt  }
0x51: {  	_ =	shalt  }
0x52: {  	_ =	shalt  }
0x53: {  	_ =	shalt  }
0x54: {  	_ =	shalt  }
0x55: {  	_ =	shalt  }
0x56: {  	_ =	shalt  }
0x57: {  	_ =	shalt  }
0x58: {  	_ =	shalt  }
0x59: {  	_ =	shalt  }
0x5a: {  	_ =	shalt  }
0x5b: {  	_ =	shalt  }
0x5c: {  	_ =	shalt  }
0x5d: {  	_ =	shalt  }
0x5e: {  	_ =	shalt  }
0x5f: {  	_ =	shalt  }
0x60: {  	_ =	shalt  }
0x61: {  	_ =	shalt  }
0x62: {  	_ =	shalt  }
0x63: {  	_ =	shalt  }
0x64: {  	_ =	shalt  }
0x65: {  	_ =	shalt  }
0x66: {  	_ =	shalt  }
0x67: {  	_ =	shalt  }
0x68: {  	_ =	shalt  }
0x69: {  	_ =	shalt  }
0x6a: {  	_ =	shalt  }
0x6b: {  	_ =	shalt  }
0x6c: {  	_ =	shalt  }
0x6d: {  	_ =	shalt  }
0x6e: {  	_ =	shalt  }
0x6f: {  	_ =	shalt  }
0x70: {  	_ =	shalt  }
0x71: {  	_ =	shalt  }
0x72: {  	_ =	shalt  }
0x73: {  	_ =	shalt  }
0x74: {  	_ =	shalt  }
0x75: {  	_ =	shalt  }
0x76: {  	_ =	shalt  }
0x77: {  	_ =	shalt  }
0x78: {  	_ =	shalt  }
0x79: {  	_ =	shalt  }
0x7a: {  	_ =	shalt  }
0x7b: {  	_ =	shalt  }
0x7c: {  	_ =	shalt  }
0x7d: {  	_ =	shalt  }
0x7e: {  	_ =	shalt  }
0x7f: {  	_ =	shalt  }
0x80: {  	_ =	shalt  }
0x81: {  	_ =	shalt  }
0x82: {  	_ =	shalt  }
0x83: {  	_ =	shalt  }
0x84: {  	_ =	shalt  }
0x85: {  	_ =	shalt  }
0x86: {  	_ =	shalt  }
0x87: {  	_ =	shalt  }
.Lfunc_end0:
.L_simem_size_0:
called_computation.1_lowered:
.L_overlay_start_0:
0x88: {  	s2 =	sld [smem:$0x3FD9]  }
0x89: {  	s3 =	sld [smem:$0x3FFE];
	_ =	sdelay $0x1  }
0x8a: {  	s1 =	srdreg.scid  }
0x8b: {  	s0 =	sand.u32 $0x1, s1  }
0x8c: {  	s17 =	sshll.u32 s0, $0xA;
	s2 =	sadd.s32 s3, s2  }
0x8d: {  	s2 =	sadd.s32 s2, s17  }
0x8e: {  	[smem:$0x3FC2] =	sst s2  }
0x8f: {  	_ = 	snop  }
0x90: {  	s2 =	sld [smem:$0x3FD0];
	(tm) =	ssettm $0x1  }
0x91: {  	s18 =	sld [smem:$0x3FFB];
	_ =	sdelay $0x3  }
0x92: {  	_ =	strace s18  }
0x93: {  	s3 =	sld [smem:$0x3FFC];
	_ =	sdelay $0x3  }
0x94: {  	_ =	strace s3  }
0x95: {  	s3 =	sld [smem:$0x3FFD];
	_ =	sdelay $0x3  }
0x96: {  	_ =	strace s3  }
0x97: {  	_ =	strace $0x8FFFFFFF  }
0x98: {  	s19 =	sld [smem:$0x3FDB];
	_ =	sdelay $0x1  }
0x99: {  	s4 =	simm.s32 $_scs_section_size  }
0x9a: {  	s5 =	simm.s32 $_size__tile_overlayer_lowered;
	s6 =	simm.s32 $_tile_overlayer_lowered  }
0x9b: {  	s22 =	simm.s32 $0x1BFF;
	s21 =	sshll.u32 s6, $0x1;
	s3 =	sadd.s32 s4, s19  }
0x9c: {  	s7 =	simm.s32 $0x0;
	s20 =	sshll.u32 s5, $0x1;
	s5 =	sadd.s32 s21, s3  }
0x9d: {  	[timem:s7], [sflag:s22] =	dma.local [hbm:s5], s20  }
0x9e: {  	_ =	swait.ge [sflag:s22], s20  }
0x9f: {  	s4 =	ssub.s32 $0x0, s20;
	[sflag:s22] =	ssyncset.done $0x0  }
0xa0: {  	[sflag:s22] =	ssyncadd.s32 s4;
	_ =	sdelay $0x1  }
0xa1: {  	s23 =	simm.s32 $0x1B8B  }
0xa2: {  	_ =	swait.ge [sflag:s23], $0x1  }
0xa3: {  	[sflag:s23] =	ssyncset.done $0x0  }
0xa4: {  	s25 =	simm.s32 $0x1B8E;
	s24 =	sld [smem:$0x3FFE];
	[sflag:s23] =	ssyncadd.s32 $0xFFFFFFFF  }
0xa5: {  	s26 =	simm.s32 $execute0_lowered;
	[smem:$0x3FD2] =	sst s25  }
0xa6: {  	s5 =	sshll.u32 s26, $0x1;
	_ =	strace $0x80000049;
	[dreg:$0x1] =	wrdreg $0xFFFFFFFF  }
0xa7: {  	s28 =	simm.s32 $_size_execute0_lowered;
	s3 =	sadd.s32 s3, s5;
	[dreg:$0x0] =	wrdreg $0x0  }
0xa8: {  	s5 =	sshll.u32 s28, $0x1;
	[dreg:$0x2] =	wrdreg s3  }
0xa9: {  	[dreg:$0x3] =	wrdreg s5  }
0xaa: {  	[dreg:$0x4] =	wrdreg $0xC0  }
0xab: {  	_ =	task [dreg:s7], $0x5FFFF  }
0xac: {  	[dreg:$0x1] =	wrdreg $0xFFFFFFFF  }
0xad: {  	[dreg:$0x0] =	wrdreg $0x60  }
0xae: {  	[dreg:$0x2] =	wrdreg s24  }
0xaf: {  	[dreg:$0x3] =	wrdreg s2  }
0xb0: {  	[dreg:$0x4] =	wrdreg $0x89A00  }
0xb1: {  	[dreg:$0x5] =	wrdreg $0xB0B00  }
0xb2: {  	[dreg:$0x6] =	wrdreg $0x9  }
0xb3: {  	_ =	task.clear_ibuf [dreg:s7], $0x7FFFF;
	_ =	strace $0x90000049  }
0xb4: {  	s29 =	simm.s32 $0x9;
	_ =	strace $0x8000004B  }
0xb5: {  	_ =	swait.ge [sflag:s29], $0x1  }
0xb6: {  	[sflag:s29] =	ssyncadd.s32 $0xFFFFFFFF  }
0xb7: {  	_ =	strace $0x9000004B  }
0xb8: {  	_ =	sfence  }
0xb9: {  	s30 =	sld [smem:$0x0];
	_ =	sdelay $0x2  }
0xba: {  	s31 =	sshll.u32 s1, $0xD;
	s1 =	sshrl.u32 s1, $0x2  }
0xbb: {  	s3 =	sand.u32 $0x4000, s31;
	s1 =	sadd.s32 s1, s30  }
0xbc: {  	s0 =	sor.u32 s3, s0;
	s1 =	sshll.u32 s1, $0x11  }
0xbd: {  	s0 =	sor.u32 s1, s0  }
0xbe: {  	s0 =	sadd.s32 $0x8F2B, s0  }
0xbf: {  	[sflag:s0] =	ssyncadd.remote.s32 $0x1  }
0xc0: {  	_ =	sfence.sel $0xFFFF  }
0xc1: {  	[dreg:$0x0] =	wrdreg $0xFFFFFFFF;
	(pc) =	sbr.abs _section_cstart, $3  }
0xc2: {  	[dreg:$0x1] =	wrdreg $0xFFFFFFFF  }
0xc3: {  	_ =	task.clear_ibuf [dreg:s7], $0x2FFFF;
	_ =	strace $0x9FFFFFFF  }
0xc4: {  	(tm) =	ssettm $0x7FFFFFFF  }
0xc5: {  	_ =	shalt  }
tec
execute0_lowered:
.L_overlay_start_1:
0x0: {  	(tag) =	ssettag $0x1  }
0x1: {  	s0 =	rddreg [dreg:$0x0]  }
0x2: {  	s1 =	rddreg [dreg:$0x1]  }
0x3: {  	s2 =	rddreg [dreg:$0x2]  }
0x4: {  	s3 =	rddreg [dreg:$0x3];
	s10 =	stileid.u32  }
0x5: {  	s4 =	simm.s32 $0x0;
	s6 =	srdreg.scid;
	s16 =	simm.s32 $0x9  }
0x6: {  	s17 =	simm.s32 $0x50;
	s18 =	simm.s32 $0x4E20;
	s29 =	simm.s32 $0x3  }
0x7: {  	s31 =	simm.s32 $0x5;
	s30 =	simm.s32 $0x7;
	s5 =	smul.u32 $0x2780, s10  }
0x8: {  	[smem:$0x7FF] =	sst s4;
	s6 =	sand.u32 $0x1, s6;
	s15 =	sadd.s32 $0x2600, s0  }
0x9: {  	s22 =	smul.u32 $0x2710, s10;
	s23 =	sadd.s32 $0x25080, s3;
	p0 =	seq.s32 s10, $0xF  }
0xa: {  	_ =	strace $0x8000004A;
	s8 =	ssub.s32 $0x2, s6;
	s19 =	smul.u32 $0x27100, s6  }
0xb: {  	[dreg:$0x8] =	wrdreg s23;
	s23 =	simm.s32 $0x5D20;
	s7 =	sshrl.u32 s5, $0x3  }
0xc: {  	s9 =	sshrl.u32 s8, $0x1;
	s6 =	sadd.s32 s5, s2;
	s20 =	sadd.s32 s5, s3  }
0xd: {  	s7 =	sadd.s32 s7, s0;
	s13 =	ssub.s32 s8, s9;
	[dreg:$0x6] =	wrdreg s20  }
0xe: {  	s0 =	sadd.s32 $0x1AA10, s0;
	s9 =	sadd.s32 $0x25080, s2;
	s21 =	sadd.s32 s5, s19  }
0xf: {  	s12 =	sshrl.u32 s19, $0x3;
	s25 =	sadd.s32 s22, s19;
	s19 =	simm.s32 $0x5320  }
0x10: {  	s22 =	simm.s32 $0x6;
	s20 =	simm.s32 $0x0;
	s7 =	sadd.s32 $0x16000, s7  }
0x11: {  	[dreg:$0x7] =	wrdreg s0;
	s0 =	sshrl.u32 s21, $0x3;
	s24 =	sadd.s32 s1, s12  }
0x12: {  	s26 =	sshrl.u32 s25, $0x3;
	s13 =	smax.u32 s13, $0x1;
	s21 =	simm.s32 $0x5820  }
0x13: {  	[dreg:$0x5] =	wrdreg s7;
	s11 =	sadd.s32 s1, s0;
	s12 =	sadd.s32 $0x4A10, s24  }
0x14: {  	s1 =	sadd.s32 $0x4E200, s25;
	s14 =	sadd.s32 s26, s15;
	s24 =	simm.s32 $0x1  }
0x15: {  	s25 =	simm.s32 $0x2710;
	s26 =	simm.s32 $0x2;
	s28 =	sshrl.u32 s1, $0x3  }
0x16: {  	s0 =	simm.s32 $0x8;
	s1 =	simm.s32 $0x4;
	s15 =	sadd.s32 s28, s15  }
.LBB2_1:
0x17: {  	s5 =	sadd.s32 $0x0, s14;
	s10 =	sadd.s32 $0x0, s15  }
0x18: {  	[tilespmem:s4], [sflag:$0x9] =	stream.linear.gather [hbm4b:s5+s4], $0x50, $0x38;
	[tilespmem:$0xD7C0] =	vst v63  }
0x19: {  	s28 =	simm.s32 $0x50;
	s7 =	simm.s32 $0x2710;
	s5 =	simm.s32 $0xA  }
0x1a: {  	[tilespmem:s25], [sflag:$0x9] =	stream.linear.gather [hbm4b:s10+s4], $0x50, $0x38;
	[tilespmem:$0xD7C0] =	vst v63  }
.LBB2_2:
0x1b: {  	s8 =	sadd.s32 s5, s14  }
0x1c: {  	p1 =	sne.s32 s5, $0x4D8;
	s10 =	smov.u32 s5;
	s5 =	sadd.s32 $0xA, s5  }
0x1d: {  	[tilespmem:s28], [sflag:$0x9] =	stream.linear.gather [hbm4b:s8+s4], $0x50, $0x38;
	[tilespmem:$0xD7C0] =	vst v63  }
.Ltmp0:
0x1e: {  	_ = 	snop;
	(pc) =	sbr.rel @p1 .LBB2_2-.Ltmp0, $4  }
0x1f: {  	s7 =	sadd.s32 $0x50, s7;
	s8 =	sadd.s32 s10, s15  }
0x20: {  	[tilespmem:s7], [sflag:$0x9] =	stream.linear.gather [hbm4b:s8+s4], $0x50, $0x38;
	[tilespmem:$0xD7C0] =	vst v63  }
0x21: {  	_ = 	snop  }
0x22: {  	s28 =	sadd.s32 $0x50, s28  }
0x23: {  	_ =	swait.ge [sflag:s16], $0x50  }
0x24: {  	[sflag:s16] =	ssyncset.done $0x0  }
0x25: {  	[sflag:s16] =	ssyncadd.s32 $0xFFFFFFB0  }
0x26: {  	_ =	swait.ge [sflag:s16], $0x50  }
0x27: {  	s5 =	simm.s32 $0x7C;
	[sflag:s16] =	ssyncset.done $0x0  }
.LBB2_4:
0x28: {  	p1 =	sne.s32 s5, $0x1;
	s5 =	sadd.s32 $0xFFFFFFFF, s5;
	[sflag:s16] =	ssyncadd.s32 $0xFFFFFFB0  }
.Ltmp1:
0x29: {  	_ =	swait.ge [sflag:s16], $0x50;
	(pc) =	sbr.rel @p1 .LBB2_4-.Ltmp1, $4  }
0x2a: {  	[sflag:s16] =	ssyncset.done $0x0  }
0x2b: {  	[sflag:s16] =	ssyncadd.s32 $0xFFFFFFB0  }
0x2c: {  	_ =	swait.ge [sflag:s16], $0x50  }
0x2d: {  	[sflag:s16] =	ssyncset.done $0x0  }
0x2e: {  	[sflag:s16] =	ssyncadd.s32 $0xFFFFFFB0  }
0x2f: {  	s5 =	simm.s32 @p0 $0x0;
	s7 =	simm.s32 @p0 $0x6220;
	s8 =	rddreg [dreg:$0x7]  }
0x30: {  	[tilespmem:s7], [sflag:$0xA] =	stream.linear.gather @p0 [hbm4b:s8+s5], $0x2080, $0x38;
	[tilespmem:$0xD7C0] =	vst v63  }
0x31: {  	s5 =	simm.s32 @p0 $0xA  }
0x32: {  	_ =	swait.ge @p0 [sflag:s5], $0x2080  }
0x33: {  	[sflag:s5] =	ssyncset.done @p0 $0x0  }
0x34: {  	[sflag:s5] =	ssyncadd.s32 @p0 $0xFFFFDF80  }
0x35: {  	[spmem:s9] =	stream.linear.scatter @p0 [tilespmem:s7], [sflag:$0xA], $0x2080, $0x38;
	[tilespmem:$0xD7C0] =	vst v63  }
0x36: {  	_ =	swait.ge @p0 [sflag:s5], $0x2080  }
0x37: {  	[sflag:s5] =	ssyncset.done @p0 $0x0  }
0x38: {  	s8 =	rddreg [dreg:$0x8];
	[sflag:s5] =	ssyncadd.s32 @p0 $0xFFFFDF80  }
0x39: {  	[spmem:s8] =	stream.linear.scatter @p0 [tilespmem:s7], [sflag:$0xA], $0x2080, $0x38;
	[tilespmem:$0xD7C0] =	vst v63  }
0x3a: {  	_ =	swait.ge @p0 [sflag:s5], $0x2080  }
0x3b: {  	s7 =	simm.s32 @!p0 $0x6220;
	[sflag:s5] =	ssyncset.done @p0 $0x0  }
0x3c: {  	s8 =	rddreg [dreg:$0x5];
	[sflag:s5] =	ssyncadd.s32 @p0 $0xFFFFDF80;
	s5 =	simm.s32 @!p0 $0x0  }
0x3d: {  	[tilespmem:s7], [sflag:$0xA] =	stream.linear.gather @!p0 [hbm4b:s8+s5], $0x2780, $0x38;
	[tilespmem:$0xD7C0] =	vst v63  }
0x3e: {  	s5 =	simm.s32 @!p0 $0xA  }
0x3f: {  	_ =	swait.ge @!p0 [sflag:s5], $0x2780  }
0x40: {  	[sflag:s5] =	ssyncset.done @!p0 $0x0  }
0x41: {  	[sflag:s5] =	ssyncadd.s32 @!p0 $0xFFFFD880  }
0x42: {  	[spmem:s6] =	stream.linear.scatter @!p0 [tilespmem:s7], [sflag:$0xA], $0x2780, $0x38;
	[tilespmem:$0xD7C0] =	vst v63  }
0x43: {  	_ =	swait.ge @!p0 [sflag:s5], $0x2780  }
0x44: {  	[sflag:s5] =	ssyncset.done @!p0 $0x0  }
0x45: {  	s8 =	rddreg [dreg:$0x6];
	[sflag:s5] =	ssyncadd.s32 @!p0 $0xFFFFD880  }
0x46: {  	[spmem:s8] =	stream.linear.scatter @!p0 [tilespmem:s7], [sflag:$0xA], $0x2780, $0x38;
	[tilespmem:$0xD7C0] =	vst v63  }
0x47: {  	_ =	swait.ge @!p0 [sflag:s5], $0x2780  }
0x48: {  	[sflag:s5] =	ssyncset.done @!p0 $0x0  }
0x49: {  	[sflag:s5] =	ssyncadd.s32 @!p0 $0xFFFFD880  }
0x4a: {  	s7 =	simm.s32 $0x0;
	[bflag:$0x0] =	sbarrier.arrive $0xFFFF  }
0x4b: {  	[tilespmem:s18], [sflag:$0x1] =	stream.indirect.gather [spmem:s3], $0x10, s7, s17, $0xb8;
	[tilespmem:$0xD7C0] =	vst v63  }
0x4c: {  	_ = 	snop  }
0x4d: {  	[tilespmem:s19], [sflag:$0x2] =	stream.indirect.gather [spmem:s3], $0x10, s17, s17, $0xb8;
	[tilespmem:$0xD7C0] =	vst v63  }
0x4e: {  	s8 =	simm.s32 $0xA0  }
0x4f: {  	[tilespmem:s21], [sflag:$0x3] =	stream.indirect.gather [spmem:s3], $0x10, s8, s17, $0xb8;
	[tilespmem:$0xD7C0] =	vst v63  }
0x50: {  	s10 =	simm.s32 $0xF0  }
0x51: {  	[tilespmem:s23], [sflag:$0x4] =	stream.indirect.gather [spmem:s3], $0x10, s10, s17, $0xb8;
	[tilespmem:$0xD7C0] =	vst v63  }
0x52: {  	_ =	swait.ge [sflag:s24], $0x500  }
0x53: {  	[sflag:s24] =	ssyncset.done $0x0  }
0x54: {  	[sflag:s24] =	ssyncadd.s32 $0xFFFFFB00  }
0x55: {  	[spmem:s2] =	stream.indirect.scatter.add.f32 [tilespmem:s18], [sflag:$0x5], $0x10, s25, s17, $0xb8;
	[tilespmem:$0xD7C0] =	vst v63  }
0x56: {  	_ =	swait.ge [sflag:s26], $0x500  }
0x57: {  	[sflag:s26] =	ssyncset.done $0x0  }
0x58: {  	s7 =	simm.s32 $0x2760;
	[sflag:s26] =	ssyncadd.s32 $0xFFFFFB00  }
0x59: {  	[spmem:s2] =	stream.indirect.scatter.add.f32 [tilespmem:s19], [sflag:$0x6], $0x10, s7, s17, $0xb8;
	[tilespmem:$0xD7C0] =	vst v63  }
0x5a: {  	_ =	swait.ge [sflag:s29], $0x500  }
0x5b: {  	[sflag:s29] =	ssyncset.done $0x0  }
0x5c: {  	s8 =	simm.s32 $0x27B0;
	[sflag:s29] =	ssyncadd.s32 $0xFFFFFB00  }
0x5d: {  	[spmem:s2] =	stream.indirect.scatter.add.f32 [tilespmem:s21], [sflag:$0x7], $0x10, s8, s17, $0xb8;
	[tilespmem:$0xD7C0] =	vst v63  }
0x5e: {  	_ =	swait.ge [sflag:s31], $0x500  }
0x5f: {  	[sflag:s31] =	ssyncset.done $0x0  }
0x60: {  	s10 =	simm.s32 $0x140;
	[sflag:s31] =	ssyncadd.s32 $0xFFFFFB00  }
0x61: {  	[tilespmem:s18], [sflag:$0x1] =	stream.indirect.gather [spmem:s3], $0x10, s10, s17, $0xb8;
	[tilespmem:$0xD7C0] =	vst v63  }
0x62: {  	_ =	swait.ge [sflag:s1], $0x500  }
0x63: {  	[sflag:s1] =	ssyncset.done $0x0  }
0x64: {  	s7 =	simm.s32 $0x2800;
	[sflag:s1] =	ssyncadd.s32 $0xFFFFFB00  }
0x65: {  	[spmem:s2] =	stream.indirect.scatter.add.f32 [tilespmem:s23], [sflag:$0x8], $0x10, s7, s17, $0xb8;
	[tilespmem:$0xD7C0] =	vst v63  }
0x66: {  	_ =	swait.ge [sflag:s22], $0x500  }
0x67: {  	[sflag:s22] =	ssyncset.done $0x0  }
0x68: {  	s8 =	simm.s32 $0x190;
	[sflag:s22] =	ssyncadd.s32 $0xFFFFFB00  }
0x69: {  	[tilespmem:s19], [sflag:$0x2] =	stream.indirect.gather [spmem:s3], $0x10, s8, s17, $0xb8;
	[tilespmem:$0xD7C0] =	vst v63  }
0x6a: {  	_ =	swait.ge [sflag:s24], $0x500  }
0x6b: {  	[sflag:s24] =	ssyncset.done $0x0  }
0x6c: {  	s10 =	simm.s32 $0x2850;
	[sflag:s24] =	ssyncadd.s32 $0xFFFFFB00  }
0x6d: {  	[spmem:s2] =	stream.indirect.scatter.add.f32 [tilespmem:s18], [sflag:$0x5], $0x10, s10, s17, $0xb8;
	[tilespmem:$0xD7C0] =	vst v63  }
0x6e: {  	_ =	swait.ge [sflag:s30], $0x500  }
0x6f: {  	[sflag:s30] =	ssyncset.done $0x0  }
0x70: {  	s7 =	simm.s32 $0x1E0;
	[sflag:s30] =	ssyncadd.s32 $0xFFFFFB00  }
0x71: {  	[tilespmem:s21], [sflag:$0x3] =	stream.indirect.gather [spmem:s3], $0x10, s7, s17, $0xb8;
	[tilespmem:$0xD7C0] =	vst v63  }
0x72: {  	_ =	swait.ge [sflag:s26], $0x500  }
0x73: {  	[sflag:s26] =	ssyncset.done $0x0  }
0x74: {  	s8 =	simm.s32 $0x28A0;
	[sflag:s26] =	ssyncadd.s32 $0xFFFFFB00  }
0x75: {  	[spmem:s2] =	stream.indirect.scatter.add.f32 [tilespmem:s19], [sflag:$0x6], $0x10, s8, s17, $0xb8;
	[tilespmem:$0xD7C0] =	vst v63  }
0x76: {  	_ =	swait.ge [sflag:s0], $0x500  }
0x77: {  	[sflag:s0] =	ssyncset.done $0x0  }
0x78: {  	s10 =	simm.s32 $0x230;
	[sflag:s0] =	ssyncadd.s32 $0xFFFFFB00  }
0x79: {  	[tilespmem:s23], [sflag:$0x4] =	stream.indirect.gather [spmem:s3], $0x10, s10, s17, $0xb8;
	[tilespmem:$0xD7C0] =	vst v63  }
0x7a: {  	_ =	swait.ge [sflag:s29], $0x500  }
0x7b: {  	[sflag:s29] =	ssyncset.done $0x0  }
0x7c: {  	s7 =	simm.s32 $0x28F0;
	[sflag:s29] =	ssyncadd.s32 $0xFFFFFB00  }
0x7d: {  	[spmem:s2] =	stream.indirect.scatter.add.f32 [tilespmem:s21], [sflag:$0x7], $0x10, s7, s17, $0xb8;
	[tilespmem:$0xD7C0] =	vst v63  }
0x7e: {  	_ =	swait.ge [sflag:s31], $0x500  }
0x7f: {  	[sflag:s31] =	ssyncset.done $0x0  }
0x80: {  	s8 =	simm.s32 $0x280;
	[sflag:s31] =	ssyncadd.s32 $0xFFFFFB00  }
0x81: {  	[tilespmem:s18], [sflag:$0x1] =	stream.indirect.gather [spmem:s3], $0x10, s8, s17, $0xb8;
	[tilespmem:$0xD7C0] =	vst v63  }
0x82: {  	_ =	swait.ge [sflag:s1], $0x500  }
0x83: {  	[sflag:s1] =	ssyncset.done $0x0  }
0x84: {  	s10 =	simm.s32 $0x2940;
	[sflag:s1] =	ssyncadd.s32 $0xFFFFFB00  }
0x85: {  	[spmem:s2] =	stream.indirect.scatter.add.f32 [tilespmem:s23], [sflag:$0x8], $0x10, s10, s17, $0xb8;
	[tilespmem:$0xD7C0] =	vst v63  }
0x86: {  	_ =	swait.ge [sflag:s22], $0x500  }
0x87: {  	[sflag:s22] =	ssyncset.done $0x0  }
0x88: {  	s28 =	simm.s32 $0x500;
	s5 =	simm.s32 $0x2D0;
	[sflag:s22] =	ssyncadd.s32 $0xFFFFFB00  }
.LBB2_6:
0x89: {  	[tilespmem:s19], [sflag:$0x2] =	stream.indirect.gather [spmem:s3], $0x10, s5, s17, $0xb8;
	[tilespmem:$0xD7C0] =	vst v63  }
0x8a: {  	s5 =	smov.u32 s28;
	s28 =	sadd.s32 $0x500, s28;
	_ =	swait.ge [sflag:s24], $0x500  }
0x8b: {  	s5 =	sshra.s32 s5, $0x2;
	p1 =	sne.s32 s28, $0x9100;
	[sflag:s24] =	ssyncset.done $0x0  }
0x8c: {  	s7 =	sadd.s32 $0x2850, s5;
	[sflag:s24] =	ssyncadd.s32 $0xFFFFFB00  }
0x8d: {  	[spmem:s2] =	stream.indirect.scatter.add.f32 [tilespmem:s18], [sflag:$0x5], $0x10, s7, s17, $0xb8;
	[tilespmem:$0xD7C0] =	vst v63  }
0x8e: {  	_ =	swait.ge [sflag:s30], $0x500  }
0x8f: {  	[sflag:s30] =	ssyncset.done $0x0  }
0x90: {  	s7 =	sadd.s32 $0x1E0, s5;
	[sflag:s30] =	ssyncadd.s32 $0xFFFFFB00  }
0x91: {  	[tilespmem:s21], [sflag:$0x3] =	stream.indirect.gather [spmem:s3], $0x10, s7, s17, $0xb8;
	[tilespmem:$0xD7C0] =	vst v63  }
0x92: {  	_ =	swait.ge [sflag:s26], $0x500  }
0x93: {  	[sflag:s26] =	ssyncset.done $0x0  }
0x94: {  	s7 =	sadd.s32 $0x28A0, s5;
	[sflag:s26] =	ssyncadd.s32 $0xFFFFFB00  }
0x95: {  	[spmem:s2] =	stream.indirect.scatter.add.f32 [tilespmem:s19], [sflag:$0x6], $0x10, s7, s17, $0xb8;
	[tilespmem:$0xD7C0] =	vst v63  }
0x96: {  	_ =	swait.ge [sflag:s0], $0x500  }
0x97: {  	[sflag:s0] =	ssyncset.done $0x0  }
0x98: {  	s7 =	sadd.s32 $0x230, s5;
	[sflag:s0] =	ssyncadd.s32 $0xFFFFFB00  }
0x99: {  	[tilespmem:s23], [sflag:$0x4] =	stream.indirect.gather [spmem:s3], $0x10, s7, s17, $0xb8;
	[tilespmem:$0xD7C0] =	vst v63  }
0x9a: {  	_ =	swait.ge [sflag:s29], $0x500  }
0x9b: {  	[sflag:s29] =	ssyncset.done $0x0  }
0x9c: {  	s7 =	sadd.s32 $0x28F0, s5;
	[sflag:s29] =	ssyncadd.s32 $0xFFFFFB00  }
0x9d: {  	[spmem:s2] =	stream.indirect.scatter.add.f32 [tilespmem:s21], [sflag:$0x7], $0x10, s7, s17, $0xb8;
	[tilespmem:$0xD7C0] =	vst v63  }
0x9e: {  	_ =	swait.ge [sflag:s31], $0x500  }
0x9f: {  	[sflag:s31] =	ssyncset.done $0x0  }
0xa0: {  	s7 =	sadd.s32 $0x280, s5;
	[sflag:s31] =	ssyncadd.s32 $0xFFFFFB00  }
0xa1: {  	[tilespmem:s18], [sflag:$0x1] =	stream.indirect.gather [spmem:s3], $0x10, s7, s17, $0xb8;
	[tilespmem:$0xD7C0] =	vst v63  }
0xa2: {  	_ =	swait.ge [sflag:s1], $0x500  }
0xa3: {  	[sflag:s1] =	ssyncset.done $0x0  }
.Ltmp2:
0xa4: {  	s7 =	sadd.s32 $0x2940, s5;
	[sflag:s1] =	ssyncadd.s32 $0xFFFFFB00;
	(pc) =	sbr.rel @p1 .LBB2_6-.Ltmp2, $4  }
0xa5: {  	[spmem:s2] =	stream.indirect.scatter.add.f32 [tilespmem:s23], [sflag:$0x8], $0x10, s7, s17, $0xb8;
	[tilespmem:$0xD7C0] =	vst v63  }
0xa6: {  	_ =	swait.ge [sflag:s22], $0x500  }
0xa7: {  	[sflag:s22] =	ssyncset.done $0x0  }
0xa8: {  	s5 =	sadd.s32 $0x2D0, s5;
	[sflag:s22] =	ssyncadd.s32 $0xFFFFFB00  }
0xa9: {  	[tilespmem:s19], [sflag:$0x2] =	stream.indirect.gather [spmem:s3], $0x10, s5, s17, $0xb8;
	[tilespmem:$0xD7C0] =	vst v63  }
0xaa: {  	_ =	swait.ge [sflag:s24], $0x500  }
0xab: {  	s5 =	sshra.s32 s28, $0x2;
	[sflag:s24] =	ssyncset.done $0x0  }
0xac: {  	s7 =	sadd.s32 $0x2850, s5;
	[sflag:s24] =	ssyncadd.s32 $0xFFFFFB00  }
0xad: {  	[spmem:s2] =	stream.indirect.scatter.add.f32 [tilespmem:s18], [sflag:$0x5], $0x10, s7, s17, $0xb8;
	[tilespmem:$0xD7C0] =	vst v63  }
0xae: {  	_ =	swait.ge [sflag:s30], $0x500  }
0xaf: {  	[sflag:s30] =	ssyncset.done $0x0  }
0xb0: {  	s8 =	sadd.s32 $0x1E0, s5;
	[sflag:s30] =	ssyncadd.s32 $0xFFFFFB00  }
0xb1: {  	[tilespmem:s21], [sflag:$0x3] =	stream.indirect.gather [spmem:s3], $0x10, s8, s17, $0xb8;
	[tilespmem:$0xD7C0] =	vst v63  }
0xb2: {  	_ =	swait.ge [sflag:s26], $0x500  }
0xb3: {  	[sflag:s26] =	ssyncset.done $0x0  }
0xb4: {  	s10 =	sadd.s32 $0x28A0, s5;
	[sflag:s26] =	ssyncadd.s32 $0xFFFFFB00  }
0xb5: {  	[spmem:s2] =	stream.indirect.scatter.add.f32 [tilespmem:s19], [sflag:$0x6], $0x10, s10, s17, $0xb8;
	[tilespmem:$0xD7C0] =	vst v63  }
0xb6: {  	_ =	swait.ge [sflag:s0], $0x500  }
0xb7: {  	[sflag:s0] =	ssyncset.done $0x0  }
0xb8: {  	s28 =	sadd.s32 $0x230, s5;
	[sflag:s0] =	ssyncadd.s32 $0xFFFFFB00  }
0xb9: {  	[tilespmem:s23], [sflag:$0x4] =	stream.indirect.gather [spmem:s3], $0x10, s28, s17, $0xb8;
	[tilespmem:$0xD7C0] =	vst v63  }
0xba: {  	_ =	swait.ge [sflag:s29], $0x500  }
0xbb: {  	[sflag:s29] =	ssyncset.done $0x0  }
0xbc: {  	s8 =	sadd.s32 $0x28F0, s5;
	[sflag:s29] =	ssyncadd.s32 $0xFFFFFB00  }
0xbd: {  	[spmem:s2] =	stream.indirect.scatter.add.f32 [tilespmem:s21], [sflag:$0x7], $0x10, s8, s17, $0xb8;
	[tilespmem:$0xD7C0] =	vst v63  }
0xbe: {  	_ =	swait.ge [sflag:s31], $0x500  }
0xbf: {  	[sflag:s31] =	ssyncset.done $0x0  }
0xc0: {  	s5 =	sadd.s32 $0x280, s5;
	[sflag:s31] =	ssyncadd.s32 $0xFFFFFB00  }
0xc1: {  	[tilespmem:s18], [sflag:$0x1] =	stream.indirect.gather [spmem:s3], $0x10, s5, s17, $0xb8;
	[tilespmem:$0xD7C0] =	vst v63  }
0xc2: {  	_ =	swait.ge [sflag:s1], $0x500  }
0xc3: {  	[sflag:s1] =	ssyncset.done $0x0  }
0xc4: {  	s10 =	simm.s32 $0x4D80;
	[sflag:s1] =	ssyncadd.s32 $0xFFFFFB00  }
0xc5: {  	[spmem:s2] =	stream.indirect.scatter.add.f32 [tilespmem:s23], [sflag:$0x8], $0x10, s10, s17, $0xb8;
	[tilespmem:$0xD7C0] =	vst v63  }
0xc6: {  	_ =	swait.ge [sflag:s24], $0x500  }
0xc7: {  	[sflag:s24] =	ssyncset.done $0x0  }
0xc8: {  	s28 =	simm.s32 $0x4DD0;
	[sflag:s24] =	ssyncadd.s32 $0xFFFFFB00  }
0xc9: {  	[spmem:s2] =	stream.indirect.scatter.add.f32 [tilespmem:s18], [sflag:$0x5], $0x10, s28, s17, $0xb8;
	[tilespmem:$0xD7C0] =	vst v63  }
0xca: {  	_ =	swait.ge [sflag:s31], $0x500  }
0xcb: {  	[sflag:s31] =	ssyncset.done $0x0  }
0xcc: {  	[sflag:s31] =	ssyncadd.s32 $0xFFFFFB00  }
0xcd: {  	_ =	swait.ge [sflag:s22], $0x500  }
0xce: {  	[sflag:s22] =	ssyncset.done $0x0  }
0xcf: {  	[sflag:s22] =	ssyncadd.s32 $0xFFFFFB00  }
0xd0: {  	_ =	swait.ge [sflag:s30], $0x500  }
0xd1: {  	[sflag:s30] =	ssyncset.done $0x0  }
0xd2: {  	[sflag:s30] =	ssyncadd.s32 $0xFFFFFB00  }
0xd3: {  	_ =	swait.ge [sflag:s0], $0x500  }
0xd4: {  	[sflag:s0] =	ssyncset.done $0x0  }
0xd5: {  	[sflag:s0] =	ssyncadd.s32 $0xFFFFFB00  }
0xd6: {  	s7 =	simm.s32 @p0 $0xA;
	s5 =	simm.s32 @p0 $0x6220;
	[bflag:$0x0] =	sbarrier.arrive $0xFFFF  }
0xd7: {  	[tilespmem:s5], [sflag:$0xA] =	stream.linear.gather @p0 [spmem:s9], $0x2080, $0x38;
	[tilespmem:$0xD7C0] =	vst v63  }
0xd8: {  	_ =	swait.ge @p0 [sflag:s7], $0x2080  }
0xd9: {  	[sflag:s7] =	ssyncset.done @p0 $0x0  }
0xda: {  	s8 =	simm.s32 @p0 $0x0;
	[sflag:s7] =	ssyncadd.s32 @p0 $0xFFFFDF80  }
0xdb: {  	[hbm4b:s12+s8] =	stream.linear.scatter @p0 [tilespmem:s5], [sflag:$0xA], $0x2080, $0x38;
	[tilespmem:$0xD7C0] =	vst v63  }
0xdc: {  	_ =	swait.ge @p0 [sflag:s7], $0x2080  }
0xdd: {  	[sflag:s7] =	ssyncset.done @p0 $0x0  }
0xde: {  	s5 =	simm.s32 @!p0 $0x6220;
	[sflag:s7] =	ssyncadd.s32 @p0 $0xFFFFDF80;
	s7 =	simm.s32 @!p0 $0xA  }
0xdf: {  	[tilespmem:s5], [sflag:$0xA] =	stream.linear.gather @!p0 [spmem:s6], $0x2780, $0x38;
	[tilespmem:$0xD7C0] =	vst v63  }
0xe0: {  	s20 =	sadd.s32 $0x1, s20;
	_ =	swait.ge @!p0 [sflag:s7], $0x2780  }
0xe1: {  	p1 =	sne.s32 s20, s13;
	[sflag:s7] =	ssyncset.done @!p0 $0x0  }
.Ltmp3:
0xe2: {  	s8 =	simm.s32 @!p0 $0x0;
	[sflag:s7] =	ssyncadd.s32 @!p0 $0xFFFFD880;
	(pc) =	sbr.rel @p1 .LBB2_1-.Ltmp3, $4  }
0xe3: {  	[hbm4b:s11+s8] =	stream.linear.scatter @!p0 [tilespmem:s5], [sflag:$0xA], $0x2780, $0x38;
	[tilespmem:$0xD7C0] =	vst v63  }
0xe4: {  	_ =	swait.ge @!p0 [sflag:s7], $0x2780  }
0xe5: {  	[sflag:s7] =	ssyncset.done @!p0 $0x0  }
0xe6: {  	[sflag:s7] =	ssyncadd.s32 @!p0 $0xFFFFD880  }
0xe7: {  	_ =	sfence.sel $0x180000  }
0xe8: {  	[bflag:$0x0] =	sbarrier.arrive $0xFFFF  }
0xe9: {  	_ =	strace $0x9000004A  }
0xea: {  	s0 =	stileid.u32;
	[bflag:$0x2] =	sbarrier.arrive $0xFFFF  }
0xeb: {  	p0 =	sne.s32 s0, $0x0;
	s0 =	rddreg [dreg:$0x4]  }
0xec: {  	s0 =	sadd.s32 @!p0 $0x100000, s0  }
0xed: {  	[sflag:s0] =	ssyncadd.tile.s32 @!p0 $0x1;
	_ =	shalt  }
.Lfunc_end2:
_tile_overlayer_lowered:
.L_overlay_start_2:
0xee: {  	(tag) =	ssettag $0x2  }
0xef: {  	s0 =	rddreg [dreg:$0x0];
	s2 =	stileid.u32  }
0xf0: {  	s1 =	rddreg [dreg:$0x1];
	p0 =	sne.s32 s2, $0x0  }
0xf1: {  	s3 =	rddreg [dreg:$0x2];
	[bflag:$0x3] =	sbarrier.arrive $0xFFFF;
	s2 =	simm.s32 @!p0 $0x1C0A  }
0xf2: {  	[timem:s3], [sflag:s2] =	dma.local @!p0 [hbm:s0], s1  }
0xf3: {  	s0 =	simm.s32 @!p0 $0xA  }
0xf4: {  	_ =	swait.ge @!p0 [sflag:s0], s1  }
0xf5: {  	s1 =	ssub.s32 @!p0 $0x0, s1;
	[sflag:s0] =	ssyncset.done @!p0 $0x0  }
0xf6: {  	[sflag:s0] =	ssyncadd.s32 @!p0 s1  }
0xf7: {  	[bflag:$0x3] =	sbarrier.arrive $0xFFFF  }
0xf8: {  	_ =	shalt  }

// kernel: kernel.14.cloned.1.call-start
scs
__scs_entry_jumppad:
0x0: {  	(pc) =	sbr.rel $0x88, $3  }
0x1: {  	(tag) =	ssettag $0x0;
	lr =	simm.s32 $0x1  }
0x2: {  	[smem:$0x3F9B] =	sst lr;
	_ =	strace $0xD0000000  }
0x3: {  	_ = 	snop  }
0x4: {  	_ = 	snop  }
0x5: {  	_ = 	snop  }
0x6: {  	_ = 	snop  }
0x7: {  	_ = 	snop  }
__scs_overlays_trampoline_lowered:
0x8: {  	[smem:$0x3FAA] =	sst s0  }
0x9: {  	[smem:$0x3FAB] =	sst s1  }
0xa: {  	[smem:$0x3FAC] =	sst s2  }
0xb: {  	[smem:$0x3FAD] =	sst s3  }
0xc: {  	[smem:$0x3FAE] =	sst s4  }
0xd: {  	[smem:$0x3FAF] =	sst s5  }
0xe: {  	[smem:$0x3FB0] =	sst s6  }
0xf: {  	[smem:$0x3FB1] =	sst s7  }
0x10: {  	[smem:$0x3FB2] =	sst s8  }
0x11: {  	[smem:$0x3FB3] =	sst s9;
	s0 =	simm.s32 @!p0 $0x0  }
0x12: {  	s1 =	sld [smem:$0x3F99];
	s0 =	simm.s32 @p0 $0x1  }
0x13: {  	[smem:$0x3FB4] =	sst s0;
	s0 =	simm.s32 @!p1 $0x0  }
0x14: {  	s2 =	sld [smem:$0x3F98];
	s0 =	simm.s32 @p1 $0x1  }
0x15: {  	[smem:$0x3FB5] =	sst s0;
	s0 =	simm.s32 @!p2 $0x0  }
0x16: {  	s3 =	sld [smem:$0x3FDB];
	s0 =	simm.s32 @p2 $0x1  }
0x17: {  	s4 =	simm.s32 $0x1BF5;
	[smem:$0x3FB7] =	sst s0  }
0x18: {  	s0 =	sld [smem:$0x3F9A];
	_ =	swait.ge [sflag:s4], $0x0  }
0x19: {  	s7 =	sld [smem:$0x3F9B]  }
0x1a: {  	s8 =	sadd.s32 $0xFFFFE003, lr  }
0x1b: {  	s9 =	sadd.s32 $0xFFFFFEF7, lr;
	s5 =	simm.s32 $0xFFFFFFFF;
	p2 =	slt.u32 s8, $0xFFFFF086  }
0x1c: {  	p1 =	slt.u32 s9, $0xF7A;
	s5 =	simm.s32 @!p2 $0x0  }
0x1d: {  	s5 =	simm.s32 @p1 $0x1;
	p0 =	seq.s32 s7, s2  }
0x1e: {  	s7 =	smul.u32 @!p0 $0xF7A, s2;
	p2 =	seq.s32 @!p0 s5, $0x0  }
0x1f: {  	s9 =	smul.u32 $0xF7A, s1;
	s8 =	simm.s32 @!p0 $0x1BF5;
	p2 =	por !p2, p0  }
0x20: {  	[sflag:s8] =	ssyncset.s32 @!p0 $0xFFFFF086;
	s6 =	sadd.s32 @!p0 s3, s7;
	s7 =	simm.s32 @!p0 $0x108  }
0x21: {  	s3 =	sadd.s32 s3, s9;
	s6 =	sadd.s32 @!p0 $0x88, s6;
	s7 =	simm.s32 @p2 $0x1082  }
0x22: {  	[simem:s7], [sflag:s8] =	dma.local @!p0 [hbm:s6], $0xF7A  }
0x23: {  	s9 =	sor.u32 $0xD0000000, s2;
	s6 =	simm.s32 $0x108;
	_ =	swait.ge @!p0 [sflag:s8], $0x0  }
0x24: {  	s3 =	sadd.s32 $0x88, s3;
	s6 =	simm.s32 @!p1 $0x1082;
	[sflag:s4] =	ssyncset.s32 $0xFFFFF086  }
0x25: {  	[simem:s6], [sflag:s4] =	dma.local [hbm:s3], $0xF7A  }
0x26: {  	[smem:$0x3F9B] =	sst s1;
	(tag) =	ssettag s2;
	_ =	strace s9  }
0x27: {  	s1 =	sld [smem:$0x3FAB]  }
0x28: {  	s2 =	sld [smem:$0x3FAC]  }
0x29: {  	s4 =	sld [smem:$0x3FAE]  }
0x2a: {  	p0 =	seq.s32 s5, $0x0;
	s5 =	sld [smem:$0x3FAF]  }
0x2b: {  	s6 =	sld [smem:$0x3FB0]  }
0x2c: {  	s7 =	sld [smem:$0x3FB1]  }
0x2d: {  	s3 =	simm.s32 $0x108;
	s8 =	sld [smem:$0x3FB2]  }
0x2e: {  	s3 =	simm.s32 @!p0 $0x1082;
	s9 =	sld [smem:$0x3FB3]  }
0x2f: {  	lr =	sadd.s32 s0, s3;
	s0 =	sld [smem:$0x3FAA]  }
0x30: {  	s3 =	sld [smem:$0x3FAD]  }
0x31: {  	[smem:$0x3FB6] =	sst s10  }
0x32: {  	s10 =	sld [smem:$0x3FB4];
	_ =	sdelay $0x3  }
0x33: {  	p0 =	seq.s32 s10, $0x1;
	s10 =	sld [smem:$0x3FB6];
	_ =	sdelay $0x3  }
0x34: {  	[smem:$0x3FB6] =	sst s10  }
0x35: {  	s10 =	sld [smem:$0x3FB5];
	_ =	sdelay $0x3  }
0x36: {  	p1 =	seq.s32 s10, $0x1;
	s10 =	sld [smem:$0x3FB6];
	_ =	sdelay $0x3  }
0x37: {  	[smem:$0x3FB6] =	sst s10  }
0x38: {  	s10 =	sld [smem:$0x3FB7]  }
0x39: {  	_ = 	snop;
	(pc) =	sbr.ind lr, $3  }
0x3a: {  	_ = 	snop  }
0x3b: {  	_ = 	snop  }
0x3c: {  	p2 =	seq.s32 s10, $0x1;
	s10 =	sld [smem:$0x3FB6]  }
0x3d: {  	_ =	shalt  }
0x3e: {  	_ =	shalt  }
0x3f: {  	_ =	shalt  }
0x40: {  	_ =	shalt  }
0x41: {  	_ =	shalt  }
0x42: {  	_ =	shalt  }
0x43: {  	_ =	shalt  }
0x44: {  	_ =	shalt  }
0x45: {  	_ =	shalt  }
0x46: {  	_ =	shalt  }
0x47: {  	_ =	shalt  }
0x48: {  	_ =	shalt  }
0x49: {  	_ =	shalt  }
0x4a: {  	_ =	shalt  }
0x4b: {  	_ =	shalt  }
0x4c: {  	_ =	shalt  }
0x4d: {  	_ =	shalt  }
0x4e: {  	_ =	shalt  }
0x4f: {  	_ =	shalt  }
0x50: {  	_ =	shalt  }
0x51: {  	_ =	shalt  }
0x52: {  	_ =	shalt  }
0x53: {  	_ =	shalt  }
0x54: {  	_ =	shalt  }
0x55: {  	_ =	shalt  }
0x56: {  	_ =	shalt  }
0x57: {  	_ =	shalt  }
0x58: {  	_ =	shalt  }
0x59: {  	_ =	shalt  }
0x5a: {  	_ =	shalt  }
0x5b: {  	_ =	shalt  }
0x5c: {  	_ =	shalt  }
0x5d: {  	_ =	shalt  }
0x5e: {  	_ =	shalt  }
0x5f: {  	_ =	shalt  }
0x60: {  	_ =	shalt  }
0x61: {  	_ =	shalt  }
0x62: {  	_ =	shalt  }
0x63: {  	_ =	shalt  }
0x64: {  	_ =	shalt  }
0x65: {  	_ =	shalt  }
0x66: {  	_ =	shalt  }
0x67: {  	_ =	shalt  }
0x68: {  	_ =	shalt  }
0x69: {  	_ =	shalt  }
0x6a: {  	_ =	shalt  }
0x6b: {  	_ =	shalt  }
0x6c: {  	_ =	shalt  }
0x6d: {  	_ =	shalt  }
0x6e: {  	_ =	shalt  }
0x6f: {  	_ =	shalt  }
0x70: {  	_ =	shalt  }
0x71: {  	_ =	shalt  }
0x72: {  	_ =	shalt  }
0x73: {  	_ =	shalt  }
0x74: {  	_ =	shalt  }
0x75: {  	_ =	shalt  }
0x76: {  	_ =	shalt  }
0x77: {  	_ =	shalt  }
0x78: {  	_ =	shalt  }
0x79: {  	_ =	shalt  }
0x7a: {  	_ =	shalt  }
0x7b: {  	_ =	shalt  }
0x7c: {  	_ =	shalt  }
0x7d: {  	_ =	shalt  }
0x7e: {  	_ =	shalt  }
0x7f: {  	_ =	shalt  }
0x80: {  	_ =	shalt  }
0x81: {  	_ =	shalt  }
0x82: {  	_ =	shalt  }
0x83: {  	_ =	shalt  }
0x84: {  	_ =	shalt  }
0x85: {  	_ =	shalt  }
0x86: {  	_ =	shalt  }
0x87: {  	_ =	shalt  }
.Lfunc_end0:
.L_simem_size_0:
called_computation.2_lowered:
.L_overlay_start_0:
0x88: {  	s2 =	sld [smem:$0x3FD9]  }
0x89: {  	s3 =	sld [smem:$0x3FFE];
	_ =	sdelay $0x1  }
0x8a: {  	s1 =	srdreg.scid  }
0x8b: {  	s0 =	sand.u32 $0x1, s1  }
0x8c: {  	s17 =	sshll.u32 s0, $0xA;
	s2 =	sadd.s32 s3, s2  }
0x8d: {  	s2 =	sadd.s32 s2, s17  }
0x8e: {  	[smem:$0x3FC2] =	sst s2  }
0x8f: {  	_ = 	snop  }
0x90: {  	s2 =	sld [smem:$0x3FD0];
	(tm) =	ssettm $0x1  }
0x91: {  	s18 =	sld [smem:$0x3FFB];
	_ =	sdelay $0x3  }
0x92: {  	_ =	strace s18  }
0x93: {  	s3 =	sld [smem:$0x3FFC];
	_ =	sdelay $0x3  }
0x94: {  	_ =	strace s3  }
0x95: {  	s3 =	sld [smem:$0x3FFD];
	_ =	sdelay $0x3  }
0x96: {  	_ =	strace s3  }
0x97: {  	_ =	strace $0x8FFFFFFF  }
0x98: {  	s19 =	sld [smem:$0x3FDB];
	_ =	sdelay $0x1  }
0x99: {  	s4 =	simm.s32 $_scs_section_size  }
0x9a: {  	s5 =	simm.s32 $_size__tile_overlayer_lowered;
	s6 =	simm.s32 $_tile_overlayer_lowered  }
0x9b: {  	s22 =	simm.s32 $0x1BFF;
	s21 =	sshll.u32 s6, $0x1;
	s3 =	sadd.s32 s4, s19  }
0x9c: {  	s7 =	simm.s32 $0x0;
	s20 =	sshll.u32 s5, $0x1;
	s5 =	sadd.s32 s21, s3  }
0x9d: {  	[timem:s7], [sflag:s22] =	dma.local [hbm:s5], s20  }
0x9e: {  	_ =	swait.ge [sflag:s22], s20  }
0x9f: {  	s4 =	ssub.s32 $0x0, s20;
	[sflag:s22] =	ssyncset.done $0x0  }
0xa0: {  	[sflag:s22] =	ssyncadd.s32 s4;
	_ =	sdelay $0x1  }
0xa1: {  	s23 =	simm.s32 $0x1B8B  }
0xa2: {  	_ =	swait.ge [sflag:s23], $0x1  }
0xa3: {  	[sflag:s23] =	ssyncset.done $0x0  }
0xa4: {  	s25 =	simm.s32 $0x1B8E;
	s24 =	sld [smem:$0x3FFE];
	[sflag:s23] =	ssyncadd.s32 $0xFFFFFFFF  }
0xa5: {  	s26 =	simm.s32 $execute0_lowered;
	[smem:$0x3FD2] =	sst s25  }
0xa6: {  	s5 =	sshll.u32 s26, $0x1;
	_ =	strace $0x8000004C;
	[dreg:$0x1] =	wrdreg $0xFFFFFFFF  }
0xa7: {  	s28 =	simm.s32 $_size_execute0_lowered;
	s3 =	sadd.s32 s3, s5;
	[dreg:$0x0] =	wrdreg $0x0  }
0xa8: {  	s5 =	sshll.u32 s28, $0x1;
	[dreg:$0x2] =	wrdreg s3  }
0xa9: {  	[dreg:$0x3] =	wrdreg s5  }
0xaa: {  	[dreg:$0x4] =	wrdreg $0xC0  }
0xab: {  	_ =	task [dreg:s7], $0x5FFFF  }
0xac: {  	[dreg:$0x1] =	wrdreg $0xFFFFFFFF  }
0xad: {  	[dreg:$0x0] =	wrdreg $0x60  }
0xae: {  	[dreg:$0x2] =	wrdreg s2  }
0xaf: {  	[dreg:$0x3] =	wrdreg s24  }
0xb0: {  	[dreg:$0x4] =	wrdreg $0xE2E00  }
0xb1: {  	[dreg:$0x5] =	wrdreg $0x144880  }
0xb2: {  	[dreg:$0x6] =	wrdreg $0x9  }
0xb3: {  	_ =	task.clear_ibuf [dreg:s7], $0x7FFFF;
	_ =	strace $0x9000004C  }
0xb4: {  	s29 =	simm.s32 $0x9;
	_ =	strace $0x8000004E  }
0xb5: {  	_ =	swait.ge [sflag:s29], $0x1  }
0xb6: {  	[sflag:s29] =	ssyncadd.s32 $0xFFFFFFFF  }
0xb7: {  	_ =	strace $0x9000004E  }
0xb8: {  	_ =	sfence  }
0xb9: {  	s30 =	sld [smem:$0x0];
	_ =	sdelay $0x2  }
0xba: {  	s31 =	sshll.u32 s1, $0xD;
	s1 =	sshrl.u32 s1, $0x2  }
0xbb: {  	s3 =	sand.u32 $0x4000, s31;
	s1 =	sadd.s32 s1, s30  }
0xbc: {  	s0 =	sor.u32 s3, s0;
	s1 =	sshll.u32 s1, $0x11  }
0xbd: {  	s0 =	sor.u32 s1, s0  }
0xbe: {  	s0 =	sadd.s32 $0x8F2B, s0  }
0xbf: {  	[sflag:s0] =	ssyncadd.remote.s32 $0x1  }
0xc0: {  	_ =	sfence.sel $0xFFFF  }
0xc1: {  	[dreg:$0x0] =	wrdreg $0xFFFFFFFF;
	(pc) =	sbr.abs _section_cstart, $3  }
0xc2: {  	[dreg:$0x1] =	wrdreg $0xFFFFFFFF  }
0xc3: {  	_ =	task.clear_ibuf [dreg:s7], $0x2FFFF;
	_ =	strace $0x9FFFFFFF  }
0xc4: {  	(tm) =	ssettm $0x7FFFFFFF  }
0xc5: {  	_ =	shalt  }
tec
execute0_lowered:
.L_overlay_start_1:
0x0: {  	(tag) =	ssettag $0x1  }
0x1: {  	s0 =	rddreg [dreg:$0x0]  }
0x2: {  	s2 =	rddreg [dreg:$0x1]  }
0x3: {  	s1 =	rddreg [dreg:$0x2]  }
0x4: {  	s3 =	rddreg [dreg:$0x3];
	s5 =	srdreg.scid;
	s4 =	simm.s32 $0x0  }
0x5: {  	s10 =	stileid.u32;
	s16 =	simm.s32 $0x9;
	s17 =	simm.s32 $0x50  }
0x6: {  	s18 =	simm.s32 $0x4E20;
	s19 =	simm.s32 $0x5AA0;
	s29 =	simm.s32 $0x3  }
0x7: {  	s31 =	simm.s32 $0x5;
	s30 =	simm.s32 $0x7;
	s20 =	simm.s32 $0x0  }
0x8: {  	s5 =	sand.u32 $0x1, s5;
	[smem:$0x7FF] =	sst s4;
	s7 =	smul.u32 $0x62C0, s10  }
0x9: {  	s15 =	sadd.s32 $0x2600, s2;
	s2 =	sadd.s32 $0x16000, s2;
	s9 =	sadd.s32 $0x5C940, s1  }
0xa: {  	s25 =	smul.u32 $0x2710, s10;
	s26 =	sadd.s32 $0x5C940, s3;
	p0 =	seq.s32 s10, $0xF  }
0xb: {  	s6 =	ssub.s32 $0x2, s5;
	_ =	strace $0x8000004D;
	s11 =	smul.u32 $0x61A80, s5  }
0xc: {  	s23 =	smul.u32 $0x27100, s5;
	[dreg:$0x8] =	wrdreg s26;
	s26 =	simm.s32 $0x2  }
0xd: {  	s8 =	sshrl.u32 s6, $0x1;
	s21 =	sshrl.u32 s7, $0x3;
	s22 =	sadd.s32 s7, s3  }
0xe: {  	s13 =	ssub.s32 s6, s8;
	s6 =	sadd.s32 s0, s21;
	[dreg:$0x6] =	wrdreg s22  }
0xf: {  	s0 =	sadd.s32 $0xB928, s0;
	s24 =	sadd.s32 s7, s11;
	s12 =	sshrl.u32 s11, $0x3  }
0x10: {  	s21 =	simm.s32 $0x6720;
	s22 =	simm.s32 $0x6;
	[dreg:$0x5] =	wrdreg s6  }
0x11: {  	s6 =	sadd.s32 s7, s1;
	[dreg:$0x7] =	wrdreg s0;
	s5 =	sshrl.u32 s24, $0x3  }
0x12: {  	s0 =	sadd.s32 s25, s23;
	s13 =	smax.u32 s13, $0x1;
	s23 =	simm.s32 $0x73A0  }
0x13: {  	s24 =	simm.s32 $0x1;
	s25 =	simm.s32 $0x2710;
	s11 =	sadd.s32 s2, s5  }
0x14: {  	s2 =	sadd.s32 s2, s12;
	s28 =	sshrl.u32 s0, $0x3;
	s0 =	sadd.s32 $0x4E200, s0  }
0x15: {  	s12 =	sadd.s32 $0xB928, s2;
	s14 =	sadd.s32 s28, s15;
	s0 =	sshrl.u32 s0, $0x3  }
0x16: {  	s2 =	simm.s32 $0x4;
	s15 =	sadd.s32 s0, s15;
	s0 =	simm.s32 $0x8  }
.LBB2_1:
0x17: {  	s5 =	sadd.s32 $0x0, s14;
	s10 =	sadd.s32 $0x0, s15  }
0x18: {  	[tilespmem:s4], [sflag:$0x9] =	stream.linear.gather [hbm4b:s5+s4], $0x50, $0x38;
	[tilespmem:$0x1A630] =	vst v63  }
0x19: {  	s28 =	simm.s32 $0x50;
	s7 =	simm.s32 $0x2710;
	s5 =	simm.s32 $0xA  }
0x1a: {  	[tilespmem:s25], [sflag:$0x9] =	stream.linear.gather [hbm4b:s10+s4], $0x50, $0x38;
	[tilespmem:$0x1A630] =	vst v63  }
.LBB2_2:
0x1b: {  	s8 =	sadd.s32 s5, s14  }
0x1c: {  	p1 =	sne.s32 s5, $0x4D8;
	s10 =	smov.u32 s5;
	s5 =	sadd.s32 $0xA, s5  }
0x1d: {  	[tilespmem:s28], [sflag:$0x9] =	stream.linear.gather [hbm4b:s8+s4], $0x50, $0x38;
	[tilespmem:$0x1A630] =	vst v63  }
.Ltmp0:
0x1e: {  	_ = 	snop;
	(pc) =	sbr.rel @p1 .LBB2_2-.Ltmp0, $4  }
0x1f: {  	s7 =	sadd.s32 $0x50, s7;
	s8 =	sadd.s32 s10, s15  }
0x20: {  	[tilespmem:s7], [sflag:$0x9] =	stream.linear.gather [hbm4b:s8+s4], $0x50, $0x38;
	[tilespmem:$0x1A630] =	vst v63  }
0x21: {  	_ = 	snop  }
0x22: {  	s28 =	sadd.s32 $0x50, s28  }
0x23: {  	_ =	swait.ge [sflag:s16], $0x50  }
0x24: {  	[sflag:s16] =	ssyncset.done $0x0  }
0x25: {  	[sflag:s16] =	ssyncadd.s32 $0xFFFFFFB0  }
0x26: {  	_ =	swait.ge [sflag:s16], $0x50  }
0x27: {  	s5 =	simm.s32 $0x7C;
	[sflag:s16] =	ssyncset.done $0x0  }
.LBB2_4:
0x28: {  	p1 =	sne.s32 s5, $0x1;
	s5 =	sadd.s32 $0xFFFFFFFF, s5;
	[sflag:s16] =	ssyncadd.s32 $0xFFFFFFB0  }
.Ltmp1:
0x29: {  	_ =	swait.ge [sflag:s16], $0x50;
	(pc) =	sbr.rel @p1 .LBB2_4-.Ltmp1, $4  }
0x2a: {  	[sflag:s16] =	ssyncset.done $0x0  }
0x2b: {  	[sflag:s16] =	ssyncadd.s32 $0xFFFFFFB0  }
0x2c: {  	_ =	swait.ge [sflag:s16], $0x50  }
0x2d: {  	[sflag:s16] =	ssyncset.done $0x0  }
0x2e: {  	[sflag:s16] =	ssyncadd.s32 $0xFFFFFFB0  }
0x2f: {  	s5 =	simm.s32 @p0 $0x0;
	s7 =	simm.s32 @p0 $0x8020;
	s8 =	rddreg [dreg:$0x7]  }
0x30: {  	[tilespmem:s7], [sflag:$0xA] =	stream.linear.gather @p0 [hbm4b:s8+s5], $0x5140, $0x38;
	[tilespmem:$0x1A630] =	vst v63  }
0x31: {  	s5 =	simm.s32 @p0 $0xA  }
0x32: {  	_ =	swait.ge @p0 [sflag:s5], $0x5140  }
0x33: {  	[sflag:s5] =	ssyncset.done @p0 $0x0  }
0x34: {  	[sflag:s5] =	ssyncadd.s32 @p0 $0xFFFFAEC0  }
0x35: {  	[spmem:s9] =	stream.linear.scatter @p0 [tilespmem:s7], [sflag:$0xA], $0x5140, $0x38;
	[tilespmem:$0x1A630] =	vst v63  }
0x36: {  	_ =	swait.ge @p0 [sflag:s5], $0x5140  }
0x37: {  	[sflag:s5] =	ssyncset.done @p0 $0x0  }
0x38: {  	s8 =	rddreg [dreg:$0x8];
	[sflag:s5] =	ssyncadd.s32 @p0 $0xFFFFAEC0  }
0x39: {  	[spmem:s8] =	stream.linear.scatter @p0 [tilespmem:s7], [sflag:$0xA], $0x5140, $0x38;
	[tilespmem:$0x1A630] =	vst v63  }
0x3a: {  	_ =	swait.ge @p0 [sflag:s5], $0x5140  }
0x3b: {  	s7 =	simm.s32 @!p0 $0x8020;
	[sflag:s5] =	ssyncset.done @p0 $0x0  }
0x3c: {  	s8 =	rddreg [dreg:$0x5];
	[sflag:s5] =	ssyncadd.s32 @p0 $0xFFFFAEC0;
	s5 =	simm.s32 @!p0 $0x0  }
0x3d: {  	[tilespmem:s7], [sflag:$0xA] =	stream.linear.gather @!p0 [hbm4b:s8+s5], $0x62C0, $0x38;
	[tilespmem:$0x1A630] =	vst v63  }
0x3e: {  	s5 =	simm.s32 @!p0 $0xA  }
0x3f: {  	_ =	swait.ge @!p0 [sflag:s5], $0x62C0  }
0x40: {  	[sflag:s5] =	ssyncset.done @!p0 $0x0  }
0x41: {  	[sflag:s5] =	ssyncadd.s32 @!p0 $0xFFFF9D40  }
0x42: {  	[spmem:s6] =	stream.linear.scatter @!p0 [tilespmem:s7], [sflag:$0xA], $0x62C0, $0x38;
	[tilespmem:$0x1A630] =	vst v63  }
0x43: {  	_ =	swait.ge @!p0 [sflag:s5], $0x62C0  }
0x44: {  	[sflag:s5] =	ssyncset.done @!p0 $0x0  }
0x45: {  	s8 =	rddreg [dreg:$0x6];
	[sflag:s5] =	ssyncadd.s32 @!p0 $0xFFFF9D40  }
0x46: {  	[spmem:s8] =	stream.linear.scatter @!p0 [tilespmem:s7], [sflag:$0xA], $0x62C0, $0x38;
	[tilespmem:$0x1A630] =	vst v63  }
0x47: {  	_ =	swait.ge @!p0 [sflag:s5], $0x62C0  }
0x48: {  	[sflag:s5] =	ssyncset.done @!p0 $0x0  }
0x49: {  	[sflag:s5] =	ssyncadd.s32 @!p0 $0xFFFF9D40  }
0x4a: {  	s7 =	simm.s32 $0x0;
	[bflag:$0x0] =	sbarrier.arrive $0xFFFF  }
0x4b: {  	[tilespmem:s18], [sflag:$0x1] =	stream.indirect.gather [spmem:s3], $0x28, s7, s17, $0xb8;
	[tilespmem:$0x1A630] =	vst v63  }
0x4c: {  	_ = 	snop  }
0x4d: {  	[tilespmem:s19], [sflag:$0x2] =	stream.indirect.gather [spmem:s3], $0x28, s17, s17, $0xb8;
	[tilespmem:$0x1A630] =	vst v63  }
0x4e: {  	s8 =	simm.s32 $0xA0  }
0x4f: {  	[tilespmem:s21], [sflag:$0x3] =	stream.indirect.gather [spmem:s3], $0x28, s8, s17, $0xb8;
	[tilespmem:$0x1A630] =	vst v63  }
0x50: {  	s10 =	simm.s32 $0xF0  }
0x51: {  	[tilespmem:s23], [sflag:$0x4] =	stream.indirect.gather [spmem:s3], $0x28, s10, s17, $0xb8;
	[tilespmem:$0x1A630] =	vst v63  }
0x52: {  	_ =	swait.ge [sflag:s24], $0xC80  }
0x53: {  	[sflag:s24] =	ssyncset.done $0x0  }
0x54: {  	[sflag:s24] =	ssyncadd.s32 $0xFFFFF380  }
0x55: {  	[spmem:s1] =	stream.indirect.scatter.add.f32 [tilespmem:s18], [sflag:$0x5], $0x28, s25, s17, $0xb8;
	[tilespmem:$0x1A630] =	vst v63  }
0x56: {  	_ =	swait.ge [sflag:s26], $0xC80  }
0x57: {  	[sflag:s26] =	ssyncset.done $0x0  }
0x58: {  	s7 =	simm.s32 $0x2760;
	[sflag:s26] =	ssyncadd.s32 $0xFFFFF380  }
0x59: {  	[spmem:s1] =	stream.indirect.scatter.add.f32 [tilespmem:s19], [sflag:$0x6], $0x28, s7, s17, $0xb8;
	[tilespmem:$0x1A630] =	vst v63  }
0x5a: {  	_ =	swait.ge [sflag:s29], $0xC80  }
0x5b: {  	[sflag:s29] =	ssyncset.done $0x0  }
0x5c: {  	s8 =	simm.s32 $0x27B0;
	[sflag:s29] =	ssyncadd.s32 $0xFFFFF380  }
0x5d: {  	[spmem:s1] =	stream.indirect.scatter.add.f32 [tilespmem:s21], [sflag:$0x7], $0x28, s8, s17, $0xb8;
	[tilespmem:$0x1A630] =	vst v63  }
0x5e: {  	_ =	swait.ge [sflag:s31], $0xC80  }
0x5f: {  	[sflag:s31] =	ssyncset.done $0x0  }
0x60: {  	s10 =	simm.s32 $0x140;
	[sflag:s31] =	ssyncadd.s32 $0xFFFFF380  }
0x61: {  	[tilespmem:s18], [sflag:$0x1] =	stream.indirect.gather [spmem:s3], $0x28, s10, s17, $0xb8;
	[tilespmem:$0x1A630] =	vst v63  }
0x62: {  	_ =	swait.ge [sflag:s2], $0xC80  }
0x63: {  	[sflag:s2] =	ssyncset.done $0x0  }
0x64: {  	s7 =	simm.s32 $0x2800;
	[sflag:s2] =	ssyncadd.s32 $0xFFFFF380  }
0x65: {  	[spmem:s1] =	stream.indirect.scatter.add.f32 [tilespmem:s23], [sflag:$0x8], $0x28, s7, s17, $0xb8;
	[tilespmem:$0x1A630] =	vst v63  }
0x66: {  	_ =	swait.ge [sflag:s22], $0xC80  }
0x67: {  	[sflag:s22] =	ssyncset.done $0x0  }
0x68: {  	s8 =	simm.s32 $0x190;
	[sflag:s22] =	ssyncadd.s32 $0xFFFFF380  }
0x69: {  	[tilespmem:s19], [sflag:$0x2] =	stream.indirect.gather [spmem:s3], $0x28, s8, s17, $0xb8;
	[tilespmem:$0x1A630] =	vst v63  }
0x6a: {  	_ =	swait.ge [sflag:s24], $0xC80  }
0x6b: {  	[sflag:s24] =	ssyncset.done $0x0  }
0x6c: {  	s10 =	simm.s32 $0x2850;
	[sflag:s24] =	ssyncadd.s32 $0xFFFFF380  }
0x6d: {  	[spmem:s1] =	stream.indirect.scatter.add.f32 [tilespmem:s18], [sflag:$0x5], $0x28, s10, s17, $0xb8;
	[tilespmem:$0x1A630] =	vst v63  }
0x6e: {  	_ =	swait.ge [sflag:s30], $0xC80  }
0x6f: {  	[sflag:s30] =	ssyncset.done $0x0  }
0x70: {  	s7 =	simm.s32 $0x1E0;
	[sflag:s30] =	ssyncadd.s32 $0xFFFFF380  }
0x71: {  	[tilespmem:s21], [sflag:$0x3] =	stream.indirect.gather [spmem:s3], $0x28, s7, s17, $0xb8;
	[tilespmem:$0x1A630] =	vst v63  }
0x72: {  	_ =	swait.ge [sflag:s26], $0xC80  }
0x73: {  	[sflag:s26] =	ssyncset.done $0x0  }
0x74: {  	s8 =	simm.s32 $0x28A0;
	[sflag:s26] =	ssyncadd.s32 $0xFFFFF380  }
0x75: {  	[spmem:s1] =	stream.indirect.scatter.add.f32 [tilespmem:s19], [sflag:$0x6], $0x28, s8, s17, $0xb8;
	[tilespmem:$0x1A630] =	vst v63  }
0x76: {  	_ =	swait.ge [sflag:s0], $0xC80  }
0x77: {  	[sflag:s0] =	ssyncset.done $0x0  }
0x78: {  	s10 =	simm.s32 $0x230;
	[sflag:s0] =	ssyncadd.s32 $0xFFFFF380  }
0x79: {  	[tilespmem:s23], [sflag:$0x4] =	stream.indirect.gather [spmem:s3], $0x28, s10, s17, $0xb8;
	[tilespmem:$0x1A630] =	vst v63  }
0x7a: {  	_ =	swait.ge [sflag:s29], $0xC80  }
0x7b: {  	[sflag:s29] =	ssyncset.done $0x0  }
0x7c: {  	s7 =	simm.s32 $0x28F0;
	[sflag:s29] =	ssyncadd.s32 $0xFFFFF380  }
0x7d: {  	[spmem:s1] =	stream.indirect.scatter.add.f32 [tilespmem:s21], [sflag:$0x7], $0x28, s7, s17, $0xb8;
	[tilespmem:$0x1A630] =	vst v63  }
0x7e: {  	_ =	swait.ge [sflag:s31], $0xC80  }
0x7f: {  	[sflag:s31] =	ssyncset.done $0x0  }
0x80: {  	s8 =	simm.s32 $0x280;
	[sflag:s31] =	ssyncadd.s32 $0xFFFFF380  }
0x81: {  	[tilespmem:s18], [sflag:$0x1] =	stream.indirect.gather [spmem:s3], $0x28, s8, s17, $0xb8;
	[tilespmem:$0x1A630] =	vst v63  }
0x82: {  	_ =	swait.ge [sflag:s2], $0xC80  }
0x83: {  	[sflag:s2] =	ssyncset.done $0x0  }
0x84: {  	s10 =	simm.s32 $0x2940;
	[sflag:s2] =	ssyncadd.s32 $0xFFFFF380  }
0x85: {  	[spmem:s1] =	stream.indirect.scatter.add.f32 [tilespmem:s23], [sflag:$0x8], $0x28, s10, s17, $0xb8;
	[tilespmem:$0x1A630] =	vst v63  }
0x86: {  	_ =	swait.ge [sflag:s22], $0xC80  }
0x87: {  	[sflag:s22] =	ssyncset.done $0x0  }
0x88: {  	s28 =	simm.s32 $0x500;
	s5 =	simm.s32 $0x2D0;
	[sflag:s22] =	ssyncadd.s32 $0xFFFFF380  }
.LBB2_6:
0x89: {  	[tilespmem:s19], [sflag:$0x2] =	stream.indirect.gather [spmem:s3], $0x28, s5, s17, $0xb8;
	[tilespmem:$0x1A630] =	vst v63  }
0x8a: {  	s5 =	smov.u32 s28;
	s28 =	sadd.s32 $0x500, s28;
	_ =	swait.ge [sflag:s24], $0xC80  }
0x8b: {  	s5 =	sshra.s32 s5, $0x2;
	p1 =	sne.s32 s28, $0x9100;
	[sflag:s24] =	ssyncset.done $0x0  }
0x8c: {  	s7 =	sadd.s32 $0x2850, s5;
	[sflag:s24] =	ssyncadd.s32 $0xFFFFF380  }
0x8d: {  	[spmem:s1] =	stream.indirect.scatter.add.f32 [tilespmem:s18], [sflag:$0x5], $0x28, s7, s17, $0xb8;
	[tilespmem:$0x1A630] =	vst v63  }
0x8e: {  	_ =	swait.ge [sflag:s30], $0xC80  }
0x8f: {  	[sflag:s30] =	ssyncset.done $0x0  }
0x90: {  	s7 =	sadd.s32 $0x1E0, s5;
	[sflag:s30] =	ssyncadd.s32 $0xFFFFF380  }
0x91: {  	[tilespmem:s21], [sflag:$0x3] =	stream.indirect.gather [spmem:s3], $0x28, s7, s17, $0xb8;
	[tilespmem:$0x1A630] =	vst v63  }
0x92: {  	_ =	swait.ge [sflag:s26], $0xC80  }
0x93: {  	[sflag:s26] =	ssyncset.done $0x0  }
0x94: {  	s7 =	sadd.s32 $0x28A0, s5;
	[sflag:s26] =	ssyncadd.s32 $0xFFFFF380  }
0x95: {  	[spmem:s1] =	stream.indirect.scatter.add.f32 [tilespmem:s19], [sflag:$0x6], $0x28, s7, s17, $0xb8;
	[tilespmem:$0x1A630] =	vst v63  }
0x96: {  	_ =	swait.ge [sflag:s0], $0xC80  }
0x97: {  	[sflag:s0] =	ssyncset.done $0x0  }
0x98: {  	s7 =	sadd.s32 $0x230, s5;
	[sflag:s0] =	ssyncadd.s32 $0xFFFFF380  }
0x99: {  	[tilespmem:s23], [sflag:$0x4] =	stream.indirect.gather [spmem:s3], $0x28, s7, s17, $0xb8;
	[tilespmem:$0x1A630] =	vst v63  }
0x9a: {  	_ =	swait.ge [sflag:s29], $0xC80  }
0x9b: {  	[sflag:s29] =	ssyncset.done $0x0  }
0x9c: {  	s7 =	sadd.s32 $0x28F0, s5;
	[sflag:s29] =	ssyncadd.s32 $0xFFFFF380  }
0x9d: {  	[spmem:s1] =	stream.indirect.scatter.add.f32 [tilespmem:s21], [sflag:$0x7], $0x28, s7, s17, $0xb8;
	[tilespmem:$0x1A630] =	vst v63  }
0x9e: {  	_ =	swait.ge [sflag:s31], $0xC80  }
0x9f: {  	[sflag:s31] =	ssyncset.done $0x0  }
0xa0: {  	s7 =	sadd.s32 $0x280, s5;
	[sflag:s31] =	ssyncadd.s32 $0xFFFFF380  }
0xa1: {  	[tilespmem:s18], [sflag:$0x1] =	stream.indirect.gather [spmem:s3], $0x28, s7, s17, $0xb8;
	[tilespmem:$0x1A630] =	vst v63  }
0xa2: {  	_ =	swait.ge [sflag:s2], $0xC80  }
0xa3: {  	[sflag:s2] =	ssyncset.done $0x0  }
.Ltmp2:
0xa4: {  	s7 =	sadd.s32 $0x2940, s5;
	[sflag:s2] =	ssyncadd.s32 $0xFFFFF380;
	(pc) =	sbr.rel @p1 .LBB2_6-.Ltmp2, $4  }
0xa5: {  	[spmem:s1] =	stream.indirect.scatter.add.f32 [tilespmem:s23], [sflag:$0x8], $0x28, s7, s17, $0xb8;
	[tilespmem:$0x1A630] =	vst v63  }
0xa6: {  	_ =	swait.ge [sflag:s22], $0xC80  }
0xa7: {  	[sflag:s22] =	ssyncset.done $0x0  }
0xa8: {  	s5 =	sadd.s32 $0x2D0, s5;
	[sflag:s22] =	ssyncadd.s32 $0xFFFFF380  }
0xa9: {  	[tilespmem:s19], [sflag:$0x2] =	stream.indirect.gather [spmem:s3], $0x28, s5, s17, $0xb8;
	[tilespmem:$0x1A630] =	vst v63  }
0xaa: {  	_ =	swait.ge [sflag:s24], $0xC80  }
0xab: {  	s5 =	sshra.s32 s28, $0x2;
	[sflag:s24] =	ssyncset.done $0x0  }
0xac: {  	s7 =	sadd.s32 $0x2850, s5;
	[sflag:s24] =	ssyncadd.s32 $0xFFFFF380  }
0xad: {  	[spmem:s1] =	stream.indirect.scatter.add.f32 [tilespmem:s18], [sflag:$0x5], $0x28, s7, s17, $0xb8;
	[tilespmem:$0x1A630] =	vst v63  }
0xae: {  	_ =	swait.ge [sflag:s30], $0xC80  }
0xaf: {  	[sflag:s30] =	ssyncset.done $0x0  }
0xb0: {  	s8 =	sadd.s32 $0x1E0, s5;
	[sflag:s30] =	ssyncadd.s32 $0xFFFFF380  }
0xb1: {  	[tilespmem:s21], [sflag:$0x3] =	stream.indirect.gather [spmem:s3], $0x28, s8, s17, $0xb8;
	[tilespmem:$0x1A630] =	vst v63  }
0xb2: {  	_ =	swait.ge [sflag:s26], $0xC80  }
0xb3: {  	[sflag:s26] =	ssyncset.done $0x0  }
0xb4: {  	s10 =	sadd.s32 $0x28A0, s5;
	[sflag:s26] =	ssyncadd.s32 $0xFFFFF380  }
0xb5: {  	[spmem:s1] =	stream.indirect.scatter.add.f32 [tilespmem:s19], [sflag:$0x6], $0x28, s10, s17, $0xb8;
	[tilespmem:$0x1A630] =	vst v63  }
0xb6: {  	_ =	swait.ge [sflag:s0], $0xC80  }
0xb7: {  	[sflag:s0] =	ssyncset.done $0x0  }
0xb8: {  	s28 =	sadd.s32 $0x230, s5;
	[sflag:s0] =	ssyncadd.s32 $0xFFFFF380  }
0xb9: {  	[tilespmem:s23], [sflag:$0x4] =	stream.indirect.gather [spmem:s3], $0x28, s28, s17, $0xb8;
	[tilespmem:$0x1A630] =	vst v63  }
0xba: {  	_ =	swait.ge [sflag:s29], $0xC80  }
0xbb: {  	[sflag:s29] =	ssyncset.done $0x0  }
0xbc: {  	s8 =	sadd.s32 $0x28F0, s5;
	[sflag:s29] =	ssyncadd.s32 $0xFFFFF380  }
0xbd: {  	[spmem:s1] =	stream.indirect.scatter.add.f32 [tilespmem:s21], [sflag:$0x7], $0x28, s8, s17, $0xb8;
	[tilespmem:$0x1A630] =	vst v63  }
0xbe: {  	_ =	swait.ge [sflag:s31], $0xC80  }
0xbf: {  	[sflag:s31] =	ssyncset.done $0x0  }
0xc0: {  	s5 =	sadd.s32 $0x280, s5;
	[sflag:s31] =	ssyncadd.s32 $0xFFFFF380  }
0xc1: {  	[tilespmem:s18], [sflag:$0x1] =	stream.indirect.gather [spmem:s3], $0x28, s5, s17, $0xb8;
	[tilespmem:$0x1A630] =	vst v63  }
0xc2: {  	_ =	swait.ge [sflag:s2], $0xC80  }
0xc3: {  	[sflag:s2] =	ssyncset.done $0x0  }
0xc4: {  	s10 =	simm.s32 $0x4D80;
	[sflag:s2] =	ssyncadd.s32 $0xFFFFF380  }
0xc5: {  	[spmem:s1] =	stream.indirect.scatter.add.f32 [tilespmem:s23], [sflag:$0x8], $0x28, s10, s17, $0xb8;
	[tilespmem:$0x1A630] =	vst v63  }
0xc6: {  	_ =	swait.ge [sflag:s24], $0xC80  }
0xc7: {  	[sflag:s24] =	ssyncset.done $0x0  }
0xc8: {  	s28 =	simm.s32 $0x4DD0;
	[sflag:s24] =	ssyncadd.s32 $0xFFFFF380  }
0xc9: {  	[spmem:s1] =	stream.indirect.scatter.add.f32 [tilespmem:s18], [sflag:$0x5], $0x28, s28, s17, $0xb8;
	[tilespmem:$0x1A630] =	vst v63  }
0xca: {  	_ =	swait.ge [sflag:s31], $0xC80  }
0xcb: {  	[sflag:s31] =	ssyncset.done $0x0  }
0xcc: {  	[sflag:s31] =	ssyncadd.s32 $0xFFFFF380  }
0xcd: {  	_ =	swait.ge [sflag:s22], $0xC80  }
0xce: {  	[sflag:s22] =	ssyncset.done $0x0  }
0xcf: {  	[sflag:s22] =	ssyncadd.s32 $0xFFFFF380  }
0xd0: {  	_ =	swait.ge [sflag:s30], $0xC80  }
0xd1: {  	[sflag:s30] =	ssyncset.done $0x0  }
0xd2: {  	[sflag:s30] =	ssyncadd.s32 $0xFFFFF380  }
0xd3: {  	_ =	swait.ge [sflag:s0], $0xC80  }
0xd4: {  	[sflag:s0] =	ssyncset.done $0x0  }
0xd5: {  	[sflag:s0] =	ssyncadd.s32 $0xFFFFF380  }
0xd6: {  	s7 =	simm.s32 @p0 $0xA;
	s5 =	simm.s32 @p0 $0x8020;
	[bflag:$0x0] =	sbarrier.arrive $0xFFFF  }
0xd7: {  	[tilespmem:s5], [sflag:$0xA] =	stream.linear.gather @p0 [spmem:s9], $0x5140, $0x38;
	[tilespmem:$0x1A630] =	vst v63  }
0xd8: {  	_ =	swait.ge @p0 [sflag:s7], $0x5140  }
0xd9: {  	[sflag:s7] =	ssyncset.done @p0 $0x0  }
0xda: {  	s8 =	simm.s32 @p0 $0x0;
	[sflag:s7] =	ssyncadd.s32 @p0 $0xFFFFAEC0  }
0xdb: {  	[hbm4b:s12+s8] =	stream.linear.scatter @p0 [tilespmem:s5], [sflag:$0xA], $0x5140, $0x38;
	[tilespmem:$0x1A630] =	vst v63  }
0xdc: {  	_ =	swait.ge @p0 [sflag:s7], $0x5140  }
0xdd: {  	[sflag:s7] =	ssyncset.done @p0 $0x0  }
0xde: {  	s5 =	simm.s32 @!p0 $0x8020;
	[sflag:s7] =	ssyncadd.s32 @p0 $0xFFFFAEC0;
	s7 =	simm.s32 @!p0 $0xA  }
0xdf: {  	[tilespmem:s5], [sflag:$0xA] =	stream.linear.gather @!p0 [spmem:s6], $0x62C0, $0x38;
	[tilespmem:$0x1A630] =	vst v63  }
0xe0: {  	s20 =	sadd.s32 $0x1, s20;
	_ =	swait.ge @!p0 [sflag:s7], $0x62C0  }
0xe1: {  	p1 =	sne.s32 s20, s13;
	[sflag:s7] =	ssyncset.done @!p0 $0x0  }
.Ltmp3:
0xe2: {  	s8 =	simm.s32 @!p0 $0x0;
	[sflag:s7] =	ssyncadd.s32 @!p0 $0xFFFF9D40;
	(pc) =	sbr.rel @p1 .LBB2_1-.Ltmp3, $4  }
0xe3: {  	[hbm4b:s11+s8] =	stream.linear.scatter @!p0 [tilespmem:s5], [sflag:$0xA], $0x62C0, $0x38;
	[tilespmem:$0x1A630] =	vst v63  }
0xe4: {  	_ =	swait.ge @!p0 [sflag:s7], $0x62C0  }
0xe5: {  	[sflag:s7] =	ssyncset.done @!p0 $0x0  }
0xe6: {  	[sflag:s7] =	ssyncadd.s32 @!p0 $0xFFFF9D40  }
0xe7: {  	_ =	sfence.sel $0x180000  }
0xe8: {  	[bflag:$0x0] =	sbarrier.arrive $0xFFFF  }
0xe9: {  	_ =	strace $0x9000004D  }
0xea: {  	s0 =	stileid.u32;
	[bflag:$0x2] =	sbarrier.arrive $0xFFFF  }
0xeb: {  	p0 =	sne.s32 s0, $0x0;
	s0 =	rddreg [dreg:$0x4]  }
0xec: {  	s0 =	sadd.s32 @!p0 $0x100000, s0  }
0xed: {  	[sflag:s0] =	ssyncadd.tile.s32 @!p0 $0x1;
	_ =	shalt  }
.Lfunc_end2:
_tile_overlayer_lowered:
.L_overlay_start_2:
0xee: {  	(tag) =	ssettag $0x2  }
0xef: {  	s0 =	rddreg [dreg:$0x0];
	s2 =	stileid.u32  }
0xf0: {  	s1 =	rddreg [dreg:$0x1];
	p0 =	sne.s32 s2, $0x0  }
0xf1: {  	s3 =	rddreg [dreg:$0x2];
	[bflag:$0x3] =	sbarrier.arrive $0xFFFF;
	s2 =	simm.s32 @!p0 $0x1C0A  }
0xf2: {  	[timem:s3], [sflag:s2] =	dma.local @!p0 [hbm:s0], s1  }
0xf3: {  	s0 =	simm.s32 @!p0 $0xA  }
0xf4: {  	_ =	swait.ge @!p0 [sflag:s0], s1  }
0xf5: {  	s1 =	ssub.s32 @!p0 $0x0, s1;
	[sflag:s0] =	ssyncset.done @!p0 $0x0  }
0xf6: {  	[sflag:s0] =	ssyncadd.s32 @!p0 s1  }
0xf7: {  	[bflag:$0x3] =	sbarrier.arrive $0xFFFF  }
0xf8: {  	_ =	shalt  }

// kernel: kernel.8.cloned.1.call-start
scs
__scs_entry_jumppad:
0x0: {  	(pc) =	sbr.rel $0x88, $3  }
0x1: {  	(tag) =	ssettag $0x0;
	lr =	simm.s32 $0x1  }
0x2: {  	[smem:$0x3F9B] =	sst lr;
	_ =	strace $0xD0000000  }
0x3: {  	_ = 	snop  }
0x4: {  	_ = 	snop  }
0x5: {  	_ = 	snop  }
0x6: {  	_ = 	snop  }
0x7: {  	_ = 	snop  }
__scs_overlays_trampoline_lowered:
0x8: {  	[smem:$0x3FAA] =	sst s0  }
0x9: {  	[smem:$0x3FAB] =	sst s1  }
0xa: {  	[smem:$0x3FAC] =	sst s2  }
0xb: {  	[smem:$0x3FAD] =	sst s3  }
0xc: {  	[smem:$0x3FAE] =	sst s4  }
0xd: {  	[smem:$0x3FAF] =	sst s5  }
0xe: {  	[smem:$0x3FB0] =	sst s6  }
0xf: {  	[smem:$0x3FB1] =	sst s7  }
0x10: {  	[smem:$0x3FB2] =	sst s8  }
0x11: {  	[smem:$0x3FB3] =	sst s9;
	s0 =	simm.s32 @!p0 $0x0  }
0x12: {  	s1 =	sld [smem:$0x3F99];
	s0 =	simm.s32 @p0 $0x1  }
0x13: {  	[smem:$0x3FB4] =	sst s0;
	s0 =	simm.s32 @!p1 $0x0  }
0x14: {  	s2 =	sld [smem:$0x3F98];
	s0 =	simm.s32 @p1 $0x1  }
0x15: {  	[smem:$0x3FB5] =	sst s0;
	s0 =	simm.s32 @!p2 $0x0  }
0x16: {  	s3 =	sld [smem:$0x3FDB];
	s0 =	simm.s32 @p2 $0x1  }
0x17: {  	s4 =	simm.s32 $0x1BF5;
	[smem:$0x3FB7] =	sst s0  }
0x18: {  	s0 =	sld [smem:$0x3F9A];
	_ =	swait.ge [sflag:s4], $0x0  }
0x19: {  	s7 =	sld [smem:$0x3F9B]  }
0x1a: {  	s8 =	sadd.s32 $0xFFFFE003, lr  }
0x1b: {  	s9 =	sadd.s32 $0xFFFFFEF7, lr;
	s5 =	simm.s32 $0xFFFFFFFF;
	p2 =	slt.u32 s8, $0xFFFFF086  }
0x1c: {  	p1 =	slt.u32 s9, $0xF7A;
	s5 =	simm.s32 @!p2 $0x0  }
0x1d: {  	s5 =	simm.s32 @p1 $0x1;
	p0 =	seq.s32 s7, s2  }
0x1e: {  	s7 =	smul.u32 @!p0 $0xF7A, s2;
	p2 =	seq.s32 @!p0 s5, $0x0  }
0x1f: {  	s9 =	smul.u32 $0xF7A, s1;
	s8 =	simm.s32 @!p0 $0x1BF5;
	p2 =	por !p2, p0  }
0x20: {  	[sflag:s8] =	ssyncset.s32 @!p0 $0xFFFFF086;
	s6 =	sadd.s32 @!p0 s3, s7;
	s7 =	simm.s32 @!p0 $0x108  }
0x21: {  	s3 =	sadd.s32 s3, s9;
	s6 =	sadd.s32 @!p0 $0x88, s6;
	s7 =	simm.s32 @p2 $0x1082  }
0x22: {  	[simem:s7], [sflag:s8] =	dma.local @!p0 [hbm:s6], $0xF7A  }
0x23: {  	s9 =	sor.u32 $0xD0000000, s2;
	s6 =	simm.s32 $0x108;
	_ =	swait.ge @!p0 [sflag:s8], $0x0  }
0x24: {  	s3 =	sadd.s32 $0x88, s3;
	s6 =	simm.s32 @!p1 $0x1082;
	[sflag:s4] =	ssyncset.s32 $0xFFFFF086  }
0x25: {  	[simem:s6], [sflag:s4] =	dma.local [hbm:s3], $0xF7A  }
0x26: {  	[smem:$0x3F9B] =	sst s1;
	(tag) =	ssettag s2;
	_ =	strace s9  }
0x27: {  	s1 =	sld [smem:$0x3FAB]  }
0x28: {  	s2 =	sld [smem:$0x3FAC]  }
0x29: {  	s4 =	sld [smem:$0x3FAE]  }
0x2a: {  	p0 =	seq.s32 s5, $0x0;
	s5 =	sld [smem:$0x3FAF]  }
0x2b: {  	s6 =	sld [smem:$0x3FB0]  }
0x2c: {  	s7 =	sld [smem:$0x3FB1]  }
0x2d: {  	s3 =	simm.s32 $0x108;
	s8 =	sld [smem:$0x3FB2]  }
0x2e: {  	s3 =	simm.s32 @!p0 $0x1082;
	s9 =	sld [smem:$0x3FB3]  }
0x2f: {  	lr =	sadd.s32 s0, s3;
	s0 =	sld [smem:$0x3FAA]  }
0x30: {  	s3 =	sld [smem:$0x3FAD]  }
0x31: {  	[smem:$0x3FB6] =	sst s10  }
0x32: {  	s10 =	sld [smem:$0x3FB4];
	_ =	sdelay $0x3  }
0x33: {  	p0 =	seq.s32 s10, $0x1;
	s10 =	sld [smem:$0x3FB6];
	_ =	sdelay $0x3  }
0x34: {  	[smem:$0x3FB6] =	sst s10  }
0x35: {  	s10 =	sld [smem:$0x3FB5];
	_ =	sdelay $0x3  }
0x36: {  	p1 =	seq.s32 s10, $0x1;
	s10 =	sld [smem:$0x3FB6];
	_ =	sdelay $0x3  }
0x37: {  	[smem:$0x3FB6] =	sst s10  }
0x38: {  	s10 =	sld [smem:$0x3FB7]  }
0x39: {  	_ = 	snop;
	(pc) =	sbr.ind lr, $3  }
0x3a: {  	_ = 	snop  }
0x3b: {  	_ = 	snop  }
0x3c: {  	p2 =	seq.s32 s10, $0x1;
	s10 =	sld [smem:$0x3FB6]  }
0x3d: {  	_ =	shalt  }
0x3e: {  	_ =	shalt  }
0x3f: {  	_ =	shalt  }
0x40: {  	_ =	shalt  }
0x41: {  	_ =	shalt  }
0x42: {  	_ =	shalt  }
0x43: {  	_ =	shalt  }
0x44: {  	_ =	shalt  }
0x45: {  	_ =	shalt  }
0x46: {  	_ =	shalt  }
0x47: {  	_ =	shalt  }
0x48: {  	_ =	shalt  }
0x49: {  	_ =	shalt  }
0x4a: {  	_ =	shalt  }
0x4b: {  	_ =	shalt  }
0x4c: {  	_ =	shalt  }
0x4d: {  	_ =	shalt  }
0x4e: {  	_ =	shalt  }
0x4f: {  	_ =	shalt  }
0x50: {  	_ =	shalt  }
0x51: {  	_ =	shalt  }
0x52: {  	_ =	shalt  }
0x53: {  	_ =	shalt  }
0x54: {  	_ =	shalt  }
0x55: {  	_ =	shalt  }
0x56: {  	_ =	shalt  }
0x57: {  	_ =	shalt  }
0x58: {  	_ =	shalt  }
0x59: {  	_ =	shalt  }
0x5a: {  	_ =	shalt  }
0x5b: {  	_ =	shalt  }
0x5c: {  	_ =	shalt  }
0x5d: {  	_ =	shalt  }
0x5e: {  	_ =	shalt  }
0x5f: {  	_ =	shalt  }
0x60: {  	_ =	shalt  }
0x61: {  	_ =	shalt  }
0x62: {  	_ =	shalt  }
0x63: {  	_ =	shalt  }
0x64: {  	_ =	shalt  }
0x65: {  	_ =	shalt  }
0x66: {  	_ =	shalt  }
0x67: {  	_ =	shalt  }
0x68: {  	_ =	shalt  }
0x69: {  	_ =	shalt  }
0x6a: {  	_ =	shalt  }
0x6b: {  	_ =	shalt  }
0x6c: {  	_ =	shalt  }
0x6d: {  	_ =	shalt  }
0x6e: {  	_ =	shalt  }
0x6f: {  	_ =	shalt  }
0x70: {  	_ =	shalt  }
0x71: {  	_ =	shalt  }
0x72: {  	_ =	shalt  }
0x73: {  	_ =	shalt  }
0x74: {  	_ =	shalt  }
0x75: {  	_ =	shalt  }
0x76: {  	_ =	shalt  }
0x77: {  	_ =	shalt  }
0x78: {  	_ =	shalt  }
0x79: {  	_ =	shalt  }
0x7a: {  	_ =	shalt  }
0x7b: {  	_ =	shalt  }
0x7c: {  	_ =	shalt  }
0x7d: {  	_ =	shalt  }
0x7e: {  	_ =	shalt  }
0x7f: {  	_ =	shalt  }
0x80: {  	_ =	shalt  }
0x81: {  	_ =	shalt  }
0x82: {  	_ =	shalt  }
0x83: {  	_ =	shalt  }
0x84: {  	_ =	shalt  }
0x85: {  	_ =	shalt  }
0x86: {  	_ =	shalt  }
0x87: {  	_ =	shalt  }
.Lfunc_end0:
.L_simem_size_0:
called_computation_lowered:
.L_overlay_start_0:
0x88: {  	s2 =	sld [smem:$0x3FD9]  }
0x89: {  	s3 =	sld [smem:$0x3FFE];
	_ =	sdelay $0x1  }
0x8a: {  	s1 =	srdreg.scid  }
0x8b: {  	s0 =	sand.u32 $0x1, s1  }
0x8c: {  	s17 =	sshll.u32 s0, $0xA;
	s2 =	sadd.s32 s3, s2  }
0x8d: {  	s2 =	sadd.s32 s2, s17  }
0x8e: {  	[smem:$0x3FC2] =	sst s2  }
0x8f: {  	_ = 	snop  }
0x90: {  	s2 =	sld [smem:$0x3FD0];
	(tm) =	ssettm $0x1  }
0x91: {  	s18 =	sld [smem:$0x3FFB];
	_ =	sdelay $0x3  }
0x92: {  	_ =	strace s18  }
0x93: {  	s3 =	sld [smem:$0x3FFC];
	_ =	sdelay $0x3  }
0x94: {  	_ =	strace s3  }
0x95: {  	s3 =	sld [smem:$0x3FFD];
	_ =	sdelay $0x3  }
0x96: {  	_ =	strace s3  }
0x97: {  	_ =	strace $0x8FFFFFFF  }
0x98: {  	s19 =	sld [smem:$0x3FDB];
	_ =	sdelay $0x1  }
0x99: {  	s4 =	simm.s32 $_scs_section_size  }
0x9a: {  	s5 =	simm.s32 $_size__tile_overlayer_lowered;
	s6 =	simm.s32 $_tile_overlayer_lowered  }
0x9b: {  	s22 =	simm.s32 $0x1BFF;
	s21 =	sshll.u32 s6, $0x1;
	s3 =	sadd.s32 s4, s19  }
0x9c: {  	s7 =	simm.s32 $0x0;
	s20 =	sshll.u32 s5, $0x1;
	s5 =	sadd.s32 s21, s3  }
0x9d: {  	[timem:s7], [sflag:s22] =	dma.local [hbm:s5], s20  }
0x9e: {  	_ =	swait.ge [sflag:s22], s20  }
0x9f: {  	s4 =	ssub.s32 $0x0, s20;
	[sflag:s22] =	ssyncset.done $0x0  }
0xa0: {  	[sflag:s22] =	ssyncadd.s32 s4;
	_ =	sdelay $0x1  }
0xa1: {  	s23 =	simm.s32 $0x1B8B  }
0xa2: {  	_ =	swait.ge [sflag:s23], $0x1  }
0xa3: {  	[sflag:s23] =	ssyncset.done $0x0  }
0xa4: {  	s25 =	simm.s32 $0x1B8E;
	s24 =	sld [smem:$0x3FFE];
	[sflag:s23] =	ssyncadd.s32 $0xFFFFFFFF  }
0xa5: {  	s26 =	simm.s32 $execute0_lowered;
	[smem:$0x3FD2] =	sst s25  }
0xa6: {  	s5 =	sshll.u32 s26, $0x1;
	_ =	strace $0x80000046;
	[dreg:$0x1] =	wrdreg $0xFFFFFFFF  }
0xa7: {  	s28 =	simm.s32 $_size_execute0_lowered;
	s3 =	sadd.s32 s3, s5;
	[dreg:$0x0] =	wrdreg $0x0  }
0xa8: {  	s5 =	sshll.u32 s28, $0x1;
	[dreg:$0x2] =	wrdreg s3  }
0xa9: {  	[dreg:$0x3] =	wrdreg s5  }
0xaa: {  	[dreg:$0x4] =	wrdreg $0xC0  }
0xab: {  	_ =	task [dreg:s7], $0x5FFFF  }
0xac: {  	[dreg:$0x1] =	wrdreg $0xFFFFFFFF  }
0xad: {  	[dreg:$0x0] =	wrdreg $0x60  }
0xae: {  	[dreg:$0x2] =	wrdreg s24  }
0xaf: {  	[dreg:$0x3] =	wrdreg s2  }
0xb0: {  	[dreg:$0x4] =	wrdreg $0x2B500  }
0xb1: {  	[dreg:$0x5] =	wrdreg $0x9  }
0xb2: {  	_ =	task.clear_ibuf [dreg:s7], $0x6FFFF;
	_ =	strace $0x90000046  }
0xb3: {  	s29 =	simm.s32 $0x9;
	_ =	strace $0x80000048  }
0xb4: {  	_ =	swait.ge [sflag:s29], $0x1  }
0xb5: {  	[sflag:s29] =	ssyncadd.s32 $0xFFFFFFFF  }
0xb6: {  	_ =	strace $0x90000048  }
0xb7: {  	_ =	sfence  }
0xb8: {  	s30 =	sld [smem:$0x0];
	_ =	sdelay $0x2  }
0xb9: {  	s31 =	sshll.u32 s1, $0xD;
	s1 =	sshrl.u32 s1, $0x2  }
0xba: {  	s3 =	sand.u32 $0x4000, s31;
	s1 =	sadd.s32 s1, s30  }
0xbb: {  	s0 =	sor.u32 s3, s0;
	s1 =	sshll.u32 s1, $0x11  }
0xbc: {  	s0 =	sor.u32 s1, s0  }
0xbd: {  	s0 =	sadd.s32 $0x8F2B, s0  }
0xbe: {  	[sflag:s0] =	ssyncadd.remote.s32 $0x1  }
0xbf: {  	_ =	sfence.sel $0xFFFF  }
0xc0: {  	[dreg:$0x0] =	wrdreg $0xFFFFFFFF;
	(pc) =	sbr.abs _section_cstart, $3  }
0xc1: {  	[dreg:$0x1] =	wrdreg $0xFFFFFFFF  }
0xc2: {  	_ =	task.clear_ibuf [dreg:s7], $0x2FFFF;
	_ =	strace $0x9FFFFFFF  }
0xc3: {  	(tm) =	ssettm $0x7FFFFFFF  }
tec
execute0_lowered:
.L_overlay_start_1:
0x0: {  	(tag) =	ssettag $0x1  }
0x1: {  	s4 =	rddreg [dreg:$0x0]  }
0x2: {  	s7 =	rddreg [dreg:$0x1]  }
0x3: {  	s0 =	srdreg.scid;
	s2 =	rddreg [dreg:$0x2]  }
0x4: {  	s1 =	rddreg [dreg:$0x3];
	s3 =	simm.s32 $0x0;
	s5 =	sand.u32 $0x1, s0  }
0x5: {  	s12 =	simm.s32 $0x1;
	s0 =	stileid.u32;
	s6 =	smul.u32 $0x27100, s5  }
0x6: {  	s13 =	simm.s32 $0x0;
	[smem:$0x7FF] =	sst s3;
	s8 =	smul.u32 $0x2710, s0  }
0x7: {  	_ =	strace $0x80000047;
	s29 =	smul.u32 $0xFA0, s0;
	s30 =	ssub.s32 $0x2, s5  }
0x8: {  	s11 =	smul.u32 $0x3E8, s0;
	p0 =	seq.s32 s5, $0x1;
	s6 =	sadd.s32 s8, s6  }
0x9: {  	s10 =	sshrl.u32 s30, $0x1;
	s8 =	sshrl.u32 s29, $0x2;
	s6 =	sadd.s32 $0x4E200, s6  }
0xa: {  	s10 =	ssub.s32 s30, s10;
	s5 =	sadd.s32 s11, s2;
	s6 =	sshrl.u32 s6, $0x3  }
0xb: {  	s31 =	sshrl.u32 s11, $0x3;
	s9 =	sadd.s32 s6, s4;
	s6 =	sadd.s32 $0x16000, s4  }
0xc: {  	s11 =	simm.s32 $0x2710;
	s4 =	sadd.s32 s8, s2;
	s7 =	smov.u32 @p0 s6  }
0xd: {  	s6 =	smax.u32 s10, $0x1;
	s8 =	sadd.s32 $0x2600, s9;
	s9 =	simm.s32 $0x2  }
0xe: {  	v0 =	vimm.f32 $1.000000000e+00;
	v1 =	vimm.f32 $0.0e+00;
	p0 =	sgt.u32 s0, $0x9;
	s10 =	simm.s32 $0x50;
	s7 =	sadd.s32 s7, s31  }
.LBB2_1:
0xf: {  	s14 =	simm.s32 $0x0;
	s15 =	simm.s32 $0x0  }
.LBB2_2:
0x10: {  	p1 =	sne.s32 s15, $0x4D8  }
.Ltmp0:
0x11: {  	_ = 	snop;
	(pc) =	sbr.rel @p1 .LBB2_2-.Ltmp0, $4  }
0x12: {  	_ = 	snop  }
0x13: {  	s16 =	sadd.s32 s15, s8  }
0x14: {  	[tilespmem:s14], [sflag:$0x2] =	stream.linear.gather [hbm4b:s16+s3], $0x50, $0x38;
	[tilespmem:$0x2DC8] =	vst v63  }
0x15: {  	s15 =	sadd.s32 $0xA, s15;
	s14 =	sadd.s32 $0x50, s14  }
0x16: {  	_ =	swait.ge [sflag:s9], $0x50  }
0x17: {  	s14 =	simm.s32 $0x7C;
	[sflag:s9] =	ssyncset.done $0x0  }
.LBB2_4:
0x18: {  	p1 =	sne.s32 s14, $0x1;
	s14 =	sadd.s32 $0xFFFFFFFF, s14;
	[sflag:s9] =	ssyncadd.s32 $0xFFFFFFB0  }
.Ltmp1:
0x19: {  	(pc) =	sbr.rel @p1 .LBB2_4-.Ltmp1, $3  }
0x1a: {  	_ =	sdelay $0x1  }
0x1b: {  	_ =	swait.ge [sflag:s9], $0x50  }
0x1c: {  	[sflag:s9] =	ssyncset.done $0x0  }
0x1d: {  	[sflag:s9] =	ssyncadd.s32 $0xFFFFFFB0  }
0x1e: {  	[tilespmem:$0x2710] =	vst v0  }
0x1f: {  	[tilespmem:$0x2720] =	vst v0  }
0x20: {  	[tilespmem:$0x2730] =	vst v0  }
0x21: {  	[tilespmem:$0x2740] =	vst v0  }
0x22: {  	s14 =	simm.s32 $0x40;
	s15 =	simm.s32 $0x0;
	[tilespmem:$0x2750] =	vst v0  }
.LBB2_6:
0x23: {  	p1 =	sne.s32 s14, $0xF80;
	[tilespmem:s15+$0x2760] =	vst v1;
	s15 =	smov.u32 s14;
	s14 =	sadd.s32 $0x40, s14  }
.Ltmp2:
0x24: {  	(pc) =	sbr.rel @p1 .LBB2_6-.Ltmp2, $2  }
0x25: {  	_ =	sdelay $0x2  }
0x26: {  	s15 =	sshra.s32 s15, $0x2  }
0x27: {  	[tilespmem:s15+$0x2760] =	vst v1;
	s14 =	simm.s32 @!p0 $0x2760  }
0x28: {  	[spmem:s4] =	stream.linear.scatter @!p0 [tilespmem:s14], [sflag:$0x3], $0x3E8, $0x38;
	[tilespmem:$0x2DC8] =	vst v63  }
0x29: {  	s14 =	simm.s32 @!p0 $0x3  }
0x2a: {  	_ =	swait.ge @!p0 [sflag:s14], $0x3E8  }
0x2b: {  	[sflag:s14] =	ssyncset.done @!p0 $0x0  }
0x2c: {  	[sflag:s14] =	ssyncadd.s32 @!p0 $0xFFFFFC18  }
0x2d: {  	s14 =	simm.s32 $0x0;
	[bflag:$0x0] =	sbarrier.arrive $0xFFFF  }
.LBB2_8:
0x2e: {  	p1 =	sne.s32 s14, $0x9B00  }
.Ltmp3:
0x2f: {  	_ = 	snop;
	(pc) =	sbr.rel @p1 .LBB2_8-.Ltmp3, $3  }
0x30: {  	_ =	sdelay $0x1  }
0x31: {  	s15 =	sshra.s32 s14, $0x2;
	s14 =	sadd.s32 $0x140, s14  }
0x32: {  	[spmem:s2] =	stream.indirect.scatter.add.f32 [tilespmem:s11], [sflag:$0x1], $0x1, s15, s10, $0xb8;
	[tilespmem:$0x2DC8] =	vst v63  }
0x33: {  	_ =	swait.ge [sflag:s12], $0x50  }
0x34: {  	s14 =	simm.s32 $0x7C;
	[sflag:s12] =	ssyncset.done $0x0  }
.LBB2_10:
0x35: {  	p1 =	sne.s32 s14, $0x1;
	s14 =	sadd.s32 $0xFFFFFFFF, s14;
	[sflag:s12] =	ssyncadd.s32 $0xFFFFFFB0  }
.Ltmp4:
0x36: {  	(pc) =	sbr.rel @p1 .LBB2_10-.Ltmp4, $3  }
0x37: {  	_ =	sdelay $0x1  }
0x38: {  	_ =	swait.ge [sflag:s12], $0x50  }
0x39: {  	[sflag:s12] =	ssyncset.done $0x0  }
0x3a: {  	[sflag:s12] =	ssyncadd.s32 $0xFFFFFFB0  }
0x3b: {  	s14 =	simm.s32 @!p0 $0x2760;
	s15 =	simm.s32 @!p0 $0x3;
	[bflag:$0x0] =	sbarrier.arrive $0xFFFF  }
0x3c: {  	[tilespmem:s14], [sflag:$0x3] =	stream.linear.gather @!p0 [spmem:s5], $0x3E8, $0x38;
	[tilespmem:$0x2DC8] =	vst v63  }
0x3d: {  	s13 =	sadd.s32 $0x1, s13;
	_ =	swait.ge @!p0 [sflag:s15], $0x3E8  }
0x3e: {  	p1 =	sne.s32 s13, s6;
	[sflag:s15] =	ssyncset.done @!p0 $0x0  }
.Ltmp5:
0x3f: {  	s16 =	simm.s32 @!p0 $0x0;
	[sflag:s15] =	ssyncadd.s32 @!p0 $0xFFFFFC18;
	(pc) =	sbr.rel @p1 .LBB2_1-.Ltmp5, $4  }
0x40: {  	[hbm4b:s7+s16] =	stream.linear.scatter @!p0 [tilespmem:s14], [sflag:$0x3], $0x3E8, $0x38;
	[tilespmem:$0x2DC8] =	vst v63  }
0x41: {  	_ =	swait.ge @!p0 [sflag:s15], $0x3E8  }
0x42: {  	[sflag:s15] =	ssyncset.done @!p0 $0x0  }
0x43: {  	[sflag:s15] =	ssyncadd.s32 @!p0 $0xFFFFFC18  }
0x44: {  	_ =	sfence.sel $0x180000  }
0x45: {  	[bflag:$0x0] =	sbarrier.arrive $0xFFFF  }
0x46: {  	p0 =	sne.s32 s0, $0x0;
	_ =	strace $0x90000047  }
0x47: {  	s0 =	sadd.s32 @!p0 $0x100000, s1;
	[bflag:$0x2] =	sbarrier.arrive $0xFFFF  }
0x48: {  	[sflag:s0] =	ssyncadd.tile.s32 @!p0 $0x1;
	_ =	shalt  }
.Lfunc_end2:
_tile_overlayer_lowered:
.L_overlay_start_2:
0x49: {  	(tag) =	ssettag $0x2  }
0x4a: {  	s0 =	rddreg [dreg:$0x0];
	s2 =	stileid.u32  }
0x4b: {  	s1 =	rddreg [dreg:$0x1];
	p0 =	sne.s32 s2, $0x0  }
0x4c: {  	s3 =	rddreg [dreg:$0x2];
	[bflag:$0x3] =	sbarrier.arrive $0xFFFF;
	s2 =	simm.s32 @!p0 $0x1C03  }
0x4d: {  	[timem:s3], [sflag:s2] =	dma.local @!p0 [hbm:s0], s1  }
0x4e: {  	s0 =	simm.s32 @!p0 $0x3  }
0x4f: {  	_ =	swait.ge @!p0 [sflag:s0], s1  }
0x50: {  	s1 =	ssub.s32 @!p0 $0x0, s1;
	[sflag:s0] =	ssyncset.done @!p0 $0x0  }
0x51: {  	[sflag:s0] =	ssyncadd.s32 @!p0 s1  }
0x52: {  	[bflag:$0x3] =	sbarrier.arrive $0xFFFF  }
0x53: {  	_ =	shalt  }

</sc_bundles>
